<compile_context>
chip_gen: v7x
topology: tpu7x:2x2x1
jax: 0.10.2.dev20260603
libtpu: 0.0.44.dev20260713+nightly
codegen_flags: <defaults>
</compile_context>

<pallas_src>
import functools

import jax
import jax.numpy as jnp
from jax import lax
from jax.experimental import pallas as pl
from jax.experimental.pallas import tpu as pltpu
from jax.experimental.pallas import tpu_sc as plsc

N_NODES = 10000
N_EDGES = 320000
D = 128

NC = 2
NS = 16
NW = NC * NS
EPW = N_EDGES // NW
CH = 125
NCH = EPW // CH
SCN = 8
NSC = NCH // SCN
NPAD = 10240
RPT = NPAD // NS
NDEG = 10240
DPT = NDEG // NS


def _finish_body(a0_ref, a1_ref, recip_ref, x_ref, w_ref, b_ref, o_ref):
    a = (a0_ref[:N_NODES] + a1_ref[:N_NODES]) * recip_ref[...]
    aw = lax.dot_general(a, w_ref[...], (((1,), (1,)), ((), ())),
                         preferred_element_type=jnp.float32)
    xb = lax.dot_general(x_ref[...], b_ref[...], (((1,), (1,)), ((), ())),
                         preferred_element_type=jnp.float32)
    o_ref[...] = aw + xb


def _sc_scatter_body(x_hbm, edge_hbm, out0, out1, outd0, outd1,
                     src_sl, dst_sl, r0, r1, ones_v, zdeg, agg_sh, deg_sh,
                     g0, g1, isem, dsem):
    c = lax.axis_index("c")
    s = lax.axis_index("s")
    wid = s * NC + c
    rows = [r0, r1]
    gsem = [g0, g1]

    def idx_wait(slot):
        pltpu.make_async_copy(edge_hbm.at[0, wid, pl.ds(0, SCN)],
                              src_sl.at[slot], isem).wait()
        pltpu.make_async_copy(edge_hbm.at[1, wid, pl.ds(0, SCN)],
                              dst_sl.at[slot], isem).wait()

    def gather(slot, k, b):
        pltpu.async_copy(x_hbm.at[src_sl.at[slot, k]], rows[b], gsem[b])

    def gather_wait(b):
        pltpu.make_async_copy(x_hbm.at[src_sl.at[0, 0]], rows[b],
                              gsem[b]).wait()

    def idx_load_async(sc, slot):
        pltpu.async_copy(edge_hbm.at[0, wid, pl.ds(sc * SCN, SCN)],
                         src_sl.at[slot], isem)
        pltpu.async_copy(edge_hbm.at[1, wid, pl.ds(sc * SCN, SCN)],
                         dst_sl.at[slot], isem)

    def scatter_chunk(slot, k, b):
        pltpu.sync_copy(rows[b], agg_sh.at[dst_sl.at[slot, k]], add=True)
        pltpu.async_copy(ones_v.at[pl.ds(0, CH)],
                         deg_sh.at[dst_sl.at[slot, k]], dsem, add=True)

    def deg_drain():
        for _ in range(SCN):
            pltpu.make_async_copy(ones_v.at[pl.ds(0, CH)],
                                  deg_sh.at[dst_sl.at[0, 0]], dsem).wait()

    fone = jnp.ones((16,), jnp.float32)
    fzero = jnp.zeros((16,), jnp.float32)

    def zrow(i, carry):
        for j in range(D // 16):
            r0[i, pl.ds(j * 16, 16)] = fzero
        return carry

    lax.fori_loop(0, CH, zrow, 0)
    for j in range(128 // 16):
        ones_v[pl.ds(j * 16, 16)] = fone
    for j in range(DPT // 16):
        zdeg[pl.ds(j * 16, 16)] = fzero

    for p in range(5):
        pltpu.sync_copy(r0.at[pl.ds(0, 120)],
                        agg_sh.at[pl.ds(s * RPT + p * 120, 120)])
    pltpu.sync_copy(r0.at[pl.ds(0, 40)],
                    agg_sh.at[pl.ds(s * RPT + 600, 40)])
    pltpu.sync_copy(zdeg, deg_sh.at[pl.ds(s * DPT, DPT)])

    pltpu.sync_copy(edge_hbm.at[0, wid, pl.ds(0, SCN)], src_sl.at[0])
    pltpu.sync_copy(edge_hbm.at[1, wid, pl.ds(0, SCN)], dst_sl.at[0])
    idx_load_async(1, 1)
    plsc.subcore_barrier()

    gather(0, 0, 0)
    gather(0, 1, 1)

    def pair(r, carry):
        not_last = r < NSC // 2 - 1

        for k in range(SCN):
            b = k % 2
            gather_wait(b)
            scatter_chunk(0, k, b)
            if k < SCN - 2:
                gather(0, k + 2, b)
            else:
                if k == SCN - 2:
                    idx_wait(1)
                gather(1, k + 2 - SCN, b)
        deg_drain()

        @pl.when(not_last)
        def _():
            idx_load_async(2 * r + 2, 0)

        for k in range(SCN):
            b = k % 2
            gather_wait(b)
            scatter_chunk(1, k, b)
            if k < SCN - 2:
                gather(1, k + 2, b)
            else:
                if k == SCN - 2:
                    @pl.when(not_last)
                    def _():
                        idx_wait(0)

                @pl.when(not_last)
                def _():
                    gather(0, k + 2 - SCN, b)
        deg_drain()

        @pl.when(not_last)
        def _():
            idx_load_async(2 * r + 3, 1)
        return carry

    lax.fori_loop(0, NSC // 2, pair, 0)
    plsc.subcore_barrier()

    @pl.when(c == 0)
    def _():
        pltpu.sync_copy(agg_sh.at[pl.ds(s * RPT, RPT)],
                        out0.at[pl.ds(s * RPT, RPT)])
        pltpu.sync_copy(deg_sh.at[pl.ds(s * DPT, DPT)],
                        outd0.at[pl.ds(s * DPT, DPT)])

    @pl.when(c == 1)
    def _():
        pltpu.sync_copy(agg_sh.at[pl.ds(s * RPT, RPT)],
                        out1.at[pl.ds(s * RPT, RPT)])
        pltpu.sync_copy(deg_sh.at[pl.ds(s * DPT, DPT)],
                        outd1.at[pl.ds(s * DPT, DPT)])


_sc_scatter = functools.partial(
    pl.kernel,
    out_type=[
        jax.ShapeDtypeStruct((NPAD, D), jnp.float32),
        jax.ShapeDtypeStruct((NPAD, D), jnp.float32),
        jax.ShapeDtypeStruct((NDEG,), jnp.float32),
        jax.ShapeDtypeStruct((NDEG,), jnp.float32),
    ],
    mesh=plsc.VectorSubcoreMesh(core_axis_name="c", subcore_axis_name="s"),
    compiler_params=pltpu.CompilerParams(use_tc_tiling_on_sc=True),
    scratch_types=[
        pltpu.VMEM((2, SCN, CH), jnp.int32),
        pltpu.VMEM((2, SCN, CH), jnp.int32),
        pltpu.VMEM((CH, D), jnp.float32),
        pltpu.VMEM((CH, D), jnp.float32),
        pltpu.VMEM((128,), jnp.float32),
        pltpu.VMEM((DPT,), jnp.float32),
        pltpu.VMEM_SHARED((NPAD, D), jnp.float32),
        pltpu.VMEM_SHARED((NDEG,), jnp.float32),
        pltpu.SemaphoreType.DMA,
        pltpu.SemaphoreType.DMA,
        pltpu.SemaphoreType.DMA,
        pltpu.SemaphoreType.DMA,
    ],
)(_sc_scatter_body)


def kernel(x, edge_index, W, B):
    edges = edge_index.reshape(2, NW, NCH, CH)

    a0, a1, d0, d1 = _sc_scatter(x, edges)

    recip = (1.0 / jnp.maximum(d0[:N_NODES] + d1[:N_NODES], 1.0))[:, None]

    out = pl.pallas_call(
        _finish_body,
        out_shape=jax.ShapeDtypeStruct((N_NODES, D), jnp.float32),
    )(a0, a1, recip, x, W, B)
    return out

# --- scband reference (transcript-rebuilt; emitter-appended) ---
"""Pipeline reference for scband-message-graph-convolution-30494267802264 (READ-ONLY COPY).

The authoritative reference and input builder live on the scoring server;
editing this copy changes nothing except your own understanding.
"""

import jax, jax.numpy as jnp
import numpy as np

N_NODES = 10000
N_EDGES = 320000
D_IN = 128
D_OUT = 128


def setup_inputs(seed: int = 0) -> dict:
    key = jax.random.key(seed)
    k1, k2, k3 = jax.random.split(key, 3)
    x = jax.random.normal(k1, (N_NODES, D_IN), dtype=jnp.float32)
    edge_index = jax.random.randint(k2, (2, N_EDGES), 0, N_NODES, dtype=jnp.int32)
    # xavier_uniform-like init for W, zeros for B (matches torch init)
    limit = float(np.sqrt(6.0 / (D_IN + D_OUT)))
    W = jax.random.uniform(k3, (D_OUT, D_IN), dtype=jnp.float32, minval=-limit, maxval=limit)
    B = jnp.zeros((D_OUT, D_IN), dtype=jnp.float32)
    return {"x": x, "edge_index": edge_index, "W": W, "B": B}


def reference(x, edge_index, W, B):
    num_nodes = x.shape[0]
    src = edge_index[0]
    dst = edge_index[1]
    # message: gather source node features
    messages = x[src]
    # scatter-add aggregation by destination node
    aggregated = jnp.zeros((num_nodes, x.shape[1]), dtype=x.dtype).at[dst].add(messages)
    # degree normalization (clamped at 1)
    sum_weight = jnp.zeros((num_nodes,), dtype=x.dtype).at[dst].add(
        jnp.ones((dst.shape[0],), dtype=x.dtype)
    )
    sum_weight = jnp.maximum(sum_weight, 1.0)
    aggregated = aggregated / sum_weight[:, None]
    # update: F.linear(messages, W) + F.linear(x, B)
    out = aggregated @ W.T + x @ B.T
    return out

if __name__ == "__main__":
    import jax
    _d = setup_inputs()
    print(jax.jit(kernel)(*tuple(_d.values())))

</pallas_src>

<mosaic_0001>
#map = affine_map<(d0, d1) -> (0, 0)>
#map1 = affine_map<(d0, d1) -> (0, 0, 0, 0)>
#map2 = affine_map<(d0, d1) -> (0)>
module attributes {stable_mosaic.version = 14 : i64} {
  func.func @_sc_scatter_body(%arg0: i32, %arg1: i32, %arg2: memref<10000x128xf32, #tpu.memory_space<hbm>>, %arg3: memref<2x32x80x125xi32, #tpu.memory_space<hbm>>, %arg4: memref<10240x128xf32, #tpu.memory_space<hbm>>, %arg5: memref<10240x128xf32, #tpu.memory_space<hbm>>, %arg6: memref<10240xf32, #tpu.memory_space<hbm>>, %arg7: memref<10240xf32, #tpu.memory_space<hbm>>, %arg8: memref<2x8x125xi32, #tpu.memory_space<vmem>>, %arg9: memref<2x8x125xi32, #tpu.memory_space<vmem>>, %arg10: memref<125x128xf32, #tpu.memory_space<vmem>>, %arg11: memref<125x128xf32, #tpu.memory_space<vmem>>, %arg12: memref<128xf32, #tpu.memory_space<vmem>>, %arg13: memref<640xf32, #tpu.memory_space<vmem>>, %arg14: memref<10240x128xf32, #tpu.memory_space<vmem_shared>>, %arg15: memref<10240xf32, #tpu.memory_space<vmem_shared>>, %arg16: memref<!tpu.dma_semaphore, #tpu.memory_space<semaphore_mem>>, %arg17: memref<!tpu.dma_semaphore, #tpu.memory_space<semaphore_mem>>, %arg18: memref<!tpu.dma_semaphore, #tpu.memory_space<semaphore_mem>>, %arg19: memref<!tpu.dma_semaphore, #tpu.memory_space<semaphore_mem>>) attributes {dimension_semantics = [#tpu.dimension_semantics<core_parallel>, #tpu.dimension_semantics<subcore_parallel>], iteration_bounds = array<i64: 2, 16>, scalar_prefetch = 0 : i64, scratch_operands = 12 : i64, tpu.core_type = #tpu.core_type<sc_vector_subcore>, window_params = [{transform_indices = #map}, {transform_indices = #map1}, {transform_indices = #map}, {transform_indices = #map}, {transform_indices = #map2}, {transform_indices = #map2}]} {
    %mul3A = arith.constant 2 : i32
    %mul3A_0 = arith.muli %arg1, %mul3A : i32
    %add3A = arith.addi %mul3A_0, %arg0 : i32
    %broadcast_in_dim3A = arith.constant 1.000000e+00 : f32
    %broadcast_in_dim3A_1 = vector.broadcast %broadcast_in_dim3A : f32 to vector<16xf32>
    %broadcast_in_dim3A_2 = arith.constant 0.000000e+00 : f32
    %broadcast_in_dim3A_3 = vector.broadcast %broadcast_in_dim3A_2 : f32 to vector<16xf32>
    %scan3A = arith.constant 0 : i32
    %scan3A_4 = arith.constant 0 : i32
    %scan3A_5 = arith.constant 125 : i32
    %scan3A_6 = arith.addi %scan3A_4, %scan3A_5 : i32
    %scan3A_7 = arith.constant 1 : i32
    scf.for %scan3A_294 = %scan3A_4 to %scan3A_6 step %scan3A_7  : i32 {
      %swap3A_295 = arith.index_cast %scan3A_294 : i32 to index
      %swap3A_296 = arith.constant 0 : index
      %swap3A_297 = tpu.vector_load %arg10[%swap3A_295, %swap3A_296] {strides = array<i32>} : memref<125x128xf32, #tpu.memory_space<vmem>>, vector<1x16xf32>,
      %swap3A_298 = vector.shape_cast %swap3A_297 : vector<1x16xf32> to vector<16xf32>
      %swap3A_299 = vector.shape_cast %broadcast_in_dim3A_3 : vector<16xf32> to vector<1x16xf32>
      tpu.vector_store %arg10[%swap3A_295, %swap3A_296], %swap3A_299 {strides = array<i32>} : memref<125x128xf32, #tpu.memory_space<vmem>>, vector<1x16xf32>,
      %swap3A_300 = arith.index_cast %scan3A_294 : i32 to index
      %swap3A_301 = arith.constant 16 : index
      %swap3A_302 = tpu.vector_load %arg10[%swap3A_300, %swap3A_301] {strides = array<i32>} : memref<125x128xf32, #tpu.memory_space<vmem>>, vector<1x16xf32>,
      %swap3A_303 = vector.shape_cast %swap3A_302 : vector<1x16xf32> to vector<16xf32>
      %swap3A_304 = vector.shape_cast %broadcast_in_dim3A_3 : vector<16xf32> to vector<1x16xf32>
      tpu.vector_store %arg10[%swap3A_300, %swap3A_301], %swap3A_304 {strides = array<i32>} : memref<125x128xf32, #tpu.memory_space<vmem>>, vector<1x16xf32>,
      %swap3A_305 = arith.index_cast %scan3A_294 : i32 to index
      %swap3A_306 = arith.constant 32 : index
      %swap3A_307 = tpu.vector_load %arg10[%swap3A_305, %swap3A_306] {strides = array<i32>} : memref<125x128xf32, #tpu.memory_space<vmem>>, vector<1x16xf32>,
      %swap3A_308 = vector.shape_cast %swap3A_307 : vector<1x16xf32> to vector<16xf32>
      %swap3A_309 = vector.shape_cast %broadcast_in_dim3A_3 : vector<16xf32> to vector<1x16xf32>
      tpu.vector_store %arg10[%swap3A_305, %swap3A_306], %swap3A_309 {strides = array<i32>} : memref<125x128xf32, #tpu.memory_space<vmem>>, vector<1x16xf32>,
      %swap3A_310 = arith.index_cast %scan3A_294 : i32 to index
      %swap3A_311 = arith.constant 48 : index
      %swap3A_312 = tpu.vector_load %arg10[%swap3A_310, %swap3A_311] {strides = array<i32>} : memref<125x128xf32, #tpu.memory_space<vmem>>, vector<1x16xf32>,
      %swap3A_313 = vector.shape_cast %swap3A_312 : vector<1x16xf32> to vector<16xf32>
      %swap3A_314 = vector.shape_cast %broadcast_in_dim3A_3 : vector<16xf32> to vector<1x16xf32>
      tpu.vector_store %arg10[%swap3A_310, %swap3A_311], %swap3A_314 {strides = array<i32>} : memref<125x128xf32, #tpu.memory_space<vmem>>, vector<1x16xf32>,
      %swap3A_315 = arith.index_cast %scan3A_294 : i32 to index
      %swap3A_316 = arith.constant 64 : index
      %swap3A_317 = tpu.vector_load %arg10[%swap3A_315, %swap3A_316] {strides = array<i32>} : memref<125x128xf32, #tpu.memory_space<vmem>>, vector<1x16xf32>,
      %swap3A_318 = vector.shape_cast %swap3A_317 : vector<1x16xf32> to vector<16xf32>
      %swap3A_319 = vector.shape_cast %broadcast_in_dim3A_3 : vector<16xf32> to vector<1x16xf32>
      tpu.vector_store %arg10[%swap3A_315, %swap3A_316], %swap3A_319 {strides = array<i32>} : memref<125x128xf32, #tpu.memory_space<vmem>>, vector<1x16xf32>,
      %swap3A_320 = arith.index_cast %scan3A_294 : i32 to index
      %swap3A_321 = arith.constant 80 : index
      %swap3A_322 = tpu.vector_load %arg10[%swap3A_320, %swap3A_321] {strides = array<i32>} : memref<125x128xf32, #tpu.memory_space<vmem>>, vector<1x16xf32>,
      %swap3A_323 = vector.shape_cast %swap3A_322 : vector<1x16xf32> to vector<16xf32>
      %swap3A_324 = vector.shape_cast %broadcast_in_dim3A_3 : vector<16xf32> to vector<1x16xf32>
      tpu.vector_store %arg10[%swap3A_320, %swap3A_321], %swap3A_324 {strides = array<i32>} : memref<125x128xf32, #tpu.memory_space<vmem>>, vector<1x16xf32>,
      %swap3A_325 = arith.index_cast %scan3A_294 : i32 to index
      %swap3A_326 = arith.constant 96 : index
      %swap3A_327 = tpu.vector_load %arg10[%swap3A_325, %swap3A_326] {strides = array<i32>} : memref<125x128xf32, #tpu.memory_space<vmem>>, vector<1x16xf32>,
      %swap3A_328 = vector.shape_cast %swap3A_327 : vector<1x16xf32> to vector<16xf32>
      %swap3A_329 = vector.shape_cast %broadcast_in_dim3A_3 : vector<16xf32> to vector<1x16xf32>
      tpu.vector_store %arg10[%swap3A_325, %swap3A_326], %swap3A_329 {strides = array<i32>} : memref<125x128xf32, #tpu.memory_space<vmem>>, vector<1x16xf32>,
      %swap3A_330 = arith.index_cast %scan3A_294 : i32 to index
      %swap3A_331 = arith.constant 112 : index
      %swap3A_332 = tpu.vector_load %arg10[%swap3A_330, %swap3A_331] {strides = array<i32>} : memref<125x128xf32, #tpu.memory_space<vmem>>, vector<1x16xf32>,
      %swap3A_333 = vector.shape_cast %swap3A_332 : vector<1x16xf32> to vector<16xf32>
      %swap3A_334 = vector.shape_cast %broadcast_in_dim3A_3 : vector<16xf32> to vector<1x16xf32>
      tpu.vector_store %arg10[%swap3A_330, %swap3A_331], %swap3A_334 {strides = array<i32>} : memref<125x128xf32, #tpu.memory_space<vmem>>, vector<1x16xf32>,
    }
    %scan3A_8 = arith.constant 125 : i32
    %swap3A = arith.constant 0 : index
    %swap3A_9 = tpu.vector_load %arg12[%swap3A] {strides = array<i32>} : memref<128xf32, #tpu.memory_space<vmem>>, vector<16xf32>,
    %swap3A_10 = vector.shape_cast %swap3A_9 : vector<16xf32> to vector<16xf32>
    %swap3A_11 = vector.shape_cast %broadcast_in_dim3A_1 : vector<16xf32> to vector<16xf32>
    tpu.vector_store %arg12[%swap3A], %swap3A_11 {strides = array<i32>} : memref<128xf32, #tpu.memory_space<vmem>>, vector<16xf32>,
    %swap3A_12 = arith.constant 16 : index
    %swap3A_13 = tpu.vector_load %arg12[%swap3A_12] {strides = array<i32>} : memref<128xf32, #tpu.memory_space<vmem>>, vector<16xf32>,
    %swap3A_14 = vector.shape_cast %swap3A_13 : vector<16xf32> to vector<16xf32>
    %swap3A_15 = vector.shape_cast %broadcast_in_dim3A_1 : vector<16xf32> to vector<16xf32>
    tpu.vector_store %arg12[%swap3A_12], %swap3A_15 {strides = array<i32>} : memref<128xf32, #tpu.memory_space<vmem>>, vector<16xf32>,
    %swap3A_16 = arith.constant 32 : index
    %swap3A_17 = tpu.vector_load %arg12[%swap3A_16] {strides = array<i32>} : memref<128xf32, #tpu.memory_space<vmem>>, vector<16xf32>,
    %swap3A_18 = vector.shape_cast %swap3A_17 : vector<16xf32> to vector<16xf32>
    %swap3A_19 = vector.shape_cast %broadcast_in_dim3A_1 : vector<16xf32> to vector<16xf32>
    tpu.vector_store %arg12[%swap3A_16], %swap3A_19 {strides = array<i32>} : memref<128xf32, #tpu.memory_space<vmem>>, vector<16xf32>,
    %swap3A_20 = arith.constant 48 : index
    %swap3A_21 = tpu.vector_load %arg12[%swap3A_20] {strides = array<i32>} : memref<128xf32, #tpu.memory_space<vmem>>, vector<16xf32>,
    %swap3A_22 = vector.shape_cast %swap3A_21 : vector<16xf32> to vector<16xf32>
    %swap3A_23 = vector.shape_cast %broadcast_in_dim3A_1 : vector<16xf32> to vector<16xf32>
    tpu.vector_store %arg12[%swap3A_20], %swap3A_23 {strides = array<i32>} : memref<128xf32, #tpu.memory_space<vmem>>, vector<16xf32>,
    %swap3A_24 = arith.constant 64 : index
    %swap3A_25 = tpu.vector_load %arg12[%swap3A_24] {strides = array<i32>} : memref<128xf32, #tpu.memory_space<vmem>>, vector<16xf32>,
    %swap3A_26 = vector.shape_cast %swap3A_25 : vector<16xf32> to vector<16xf32>
    %swap3A_27 = vector.shape_cast %broadcast_in_dim3A_1 : vector<16xf32> to vector<16xf32>
    tpu.vector_store %arg12[%swap3A_24], %swap3A_27 {strides = array<i32>} : memref<128xf32, #tpu.memory_space<vmem>>, vector<16xf32>,
    %swap3A_28 = arith.constant 80 : index
    %swap3A_29 = tpu.vector_load %arg12[%swap3A_28] {strides = array<i32>} : memref<128xf32, #tpu.memory_space<vmem>>, vector<16xf32>,
    %swap3A_30 = vector.shape_cast %swap3A_29 : vector<16xf32> to vector<16xf32>
    %swap3A_31 = vector.shape_cast %broadcast_in_dim3A_1 : vector<16xf32> to vector<16xf32>
    tpu.vector_store %arg12[%swap3A_28], %swap3A_31 {strides = array<i32>} : memref<128xf32, #tpu.memory_space<vmem>>, vector<16xf32>,
    %swap3A_32 = arith.constant 96 : index
    %swap3A_33 = tpu.vector_load %arg12[%swap3A_32] {strides = array<i32>} : memref<128xf32, #tpu.memory_space<vmem>>, vector<16xf32>,
    %swap3A_34 = vector.shape_cast %swap3A_33 : vector<16xf32> to vector<16xf32>
    %swap3A_35 = vector.shape_cast %broadcast_in_dim3A_1 : vector<16xf32> to vector<16xf32>
    tpu.vector_store %arg12[%swap3A_32], %swap3A_35 {strides = array<i32>} : memref<128xf32, #tpu.memory_space<vmem>>, vector<16xf32>,
    %swap3A_36 = arith.constant 112 : index
    %swap3A_37 = tpu.vector_load %arg12[%swap3A_36] {strides = array<i32>} : memref<128xf32, #tpu.memory_space<vmem>>, vector<16xf32>,
    %swap3A_38 = vector.shape_cast %swap3A_37 : vector<16xf32> to vector<16xf32>
    %swap3A_39 = vector.shape_cast %broadcast_in_dim3A_1 : vector<16xf32> to vector<16xf32>
    tpu.vector_store %arg12[%swap3A_36], %swap3A_39 {strides = array<i32>} : memref<128xf32, #tpu.memory_space<vmem>>, vector<16xf32>,
    %swap3A_40 = arith.constant 0 : index
    %swap3A_41 = tpu.vector_load %arg13[%swap3A_40] {strides = array<i32>} : memref<640xf32, #tpu.memory_space<vmem>>, vector<16xf32>,
    %swap3A_42 = vector.shape_cast %swap3A_41 : vector<16xf32> to vector<16xf32>
    %swap3A_43 = vector.shape_cast %broadcast_in_dim3A_3 : vector<16xf32> to vector<16xf32>
    tpu.vector_store %arg13[%swap3A_40], %swap3A_43 {strides = array<i32>} : memref<640xf32, #tpu.memory_space<vmem>>, vector<16xf32>,
    %swap3A_44 = arith.constant 16 : index
    %swap3A_45 = tpu.vector_load %arg13[%swap3A_44] {strides = array<i32>} : memref<640xf32, #tpu.memory_space<vmem>>, vector<16xf32>,
    %swap3A_46 = vector.shape_cast %swap3A_45 : vector<16xf32> to vector<16xf32>
    %swap3A_47 = vector.shape_cast %broadcast_in_dim3A_3 : vector<16xf32> to vector<16xf32>
    tpu.vector_store %arg13[%swap3A_44], %swap3A_47 {strides = array<i32>} : memref<640xf32, #tpu.memory_space<vmem>>, vector<16xf32>,
    %swap3A_48 = arith.constant 32 : index
    %swap3A_49 = tpu.vector_load %arg13[%swap3A_48] {strides = array<i32>} : memref<640xf32, #tpu.memory_space<vmem>>, vector<16xf32>,
    %swap3A_50 = vector.shape_cast %swap3A_49 : vector<16xf32> to vector<16xf32>
    %swap3A_51 = vector.shape_cast %broadcast_in_dim3A_3 : vector<16xf32> to vector<16xf32>
    tpu.vector_store %arg13[%swap3A_48], %swap3A_51 {strides = array<i32>} : memref<640xf32, #tpu.memory_space<vmem>>, vector<16xf32>,
    %swap3A_52 = arith.constant 48 : index
    %swap3A_53 = tpu.vector_load %arg13[%swap3A_52] {strides = array<i32>} : memref<640xf32, #tpu.memory_space<vmem>>, vector<16xf32>,
    %swap3A_54 = vector.shape_cast %swap3A_53 : vector<16xf32> to vector<16xf32>
    %swap3A_55 = vector.shape_cast %broadcast_in_dim3A_3 : vector<16xf32> to vector<16xf32>
    tpu.vector_store %arg13[%swap3A_52], %swap3A_55 {strides = array<i32>} : memref<640xf32, #tpu.memory_space<vmem>>, vector<16xf32>,
    %swap3A_56 = arith.constant 64 : index
    %swap3A_57 = tpu.vector_load %arg13[%swap3A_56] {strides = array<i32>} : memref<640xf32, #tpu.memory_space<vmem>>, vector<16xf32>,
    %swap3A_58 = vector.shape_cast %swap3A_57 : vector<16xf32> to vector<16xf32>
    %swap3A_59 = vector.shape_cast %broadcast_in_dim3A_3 : vector<16xf32> to vector<16xf32>
    tpu.vector_store %arg13[%swap3A_56], %swap3A_59 {strides = array<i32>} : memref<640xf32, #tpu.memory_space<vmem>>, vector<16xf32>,
    %swap3A_60 = arith.constant 80 : index
    %swap3A_61 = tpu.vector_load %arg13[%swap3A_60] {strides = array<i32>} : memref<640xf32, #tpu.memory_space<vmem>>, vector<16xf32>,
    %swap3A_62 = vector.shape_cast %swap3A_61 : vector<16xf32> to vector<16xf32>
    %swap3A_63 = vector.shape_cast %broadcast_in_dim3A_3 : vector<16xf32> to vector<16xf32>
    tpu.vector_store %arg13[%swap3A_60], %swap3A_63 {strides = array<i32>} : memref<640xf32, #tpu.memory_space<vmem>>, vector<16xf32>,
    %swap3A_64 = arith.constant 96 : index
    %swap3A_65 = tpu.vector_load %arg13[%swap3A_64] {strides = array<i32>} : memref<640xf32, #tpu.memory_space<vmem>>, vector<16xf32>,
    %swap3A_66 = vector.shape_cast %swap3A_65 : vector<16xf32> to vector<16xf32>
    %swap3A_67 = vector.shape_cast %broadcast_in_dim3A_3 : vector<16xf32> to vector<16xf32>
    tpu.vector_store %arg13[%swap3A_64], %swap3A_67 {strides = array<i32>} : memref<640xf32, #tpu.memory_space<vmem>>, vector<16xf32>,
    %swap3A_68 = arith.constant 112 : index
    %swap3A_69 = tpu.vector_load %arg13[%swap3A_68] {strides = array<i32>} : memref<640xf32, #tpu.memory_space<vmem>>, vector<16xf32>,
    %swap3A_70 = vector.shape_cast %swap3A_69 : vector<16xf32> to vector<16xf32>
    %swap3A_71 = vector.shape_cast %broadcast_in_dim3A_3 : vector<16xf32> to vector<16xf32>
    tpu.vector_store %arg13[%swap3A_68], %swap3A_71 {strides = array<i32>} : memref<640xf32, #tpu.memory_space<vmem>>, vector<16xf32>,
    %swap3A_72 = arith.constant 128 : index
    %swap3A_73 = tpu.vector_load %arg13[%swap3A_72] {strides = array<i32>} : memref<640xf32, #tpu.memory_space<vmem>>, vector<16xf32>,
    %swap3A_74 = vector.shape_cast %swap3A_73 : vector<16xf32> to vector<16xf32>
    %swap3A_75 = vector.shape_cast %broadcast_in_dim3A_3 : vector<16xf32> to vector<16xf32>
    tpu.vector_store %arg13[%swap3A_72], %swap3A_75 {strides = array<i32>} : memref<640xf32, #tpu.memory_space<vmem>>, vector<16xf32>,
    %swap3A_76 = arith.constant 144 : index
    %swap3A_77 = tpu.vector_load %arg13[%swap3A_76] {strides = array<i32>} : memref<640xf32, #tpu.memory_space<vmem>>, vector<16xf32>,
    %swap3A_78 = vector.shape_cast %swap3A_77 : vector<16xf32> to vector<16xf32>
    %swap3A_79 = vector.shape_cast %broadcast_in_dim3A_3 : vector<16xf32> to vector<16xf32>
    tpu.vector_store %arg13[%swap3A_76], %swap3A_79 {strides = array<i32>} : memref<640xf32, #tpu.memory_space<vmem>>, vector<16xf32>,
    %swap3A_80 = arith.constant 160 : index
    %swap3A_81 = tpu.vector_load %arg13[%swap3A_80] {strides = array<i32>} : memref<640xf32, #tpu.memory_space<vmem>>, vector<16xf32>,
    %swap3A_82 = vector.shape_cast %swap3A_81 : vector<16xf32> to vector<16xf32>
    %swap3A_83 = vector.shape_cast %broadcast_in_dim3A_3 : vector<16xf32> to vector<16xf32>
    tpu.vector_store %arg13[%swap3A_80], %swap3A_83 {strides = array<i32>} : memref<640xf32, #tpu.memory_space<vmem>>, vector<16xf32>,
    %swap3A_84 = arith.constant 176 : index
    %swap3A_85 = tpu.vector_load %arg13[%swap3A_84] {strides = array<i32>} : memref<640xf32, #tpu.memory_space<vmem>>, vector<16xf32>,
    %swap3A_86 = vector.shape_cast %swap3A_85 : vector<16xf32> to vector<16xf32>
    %swap3A_87 = vector.shape_cast %broadcast_in_dim3A_3 : vector<16xf32> to vector<16xf32>
    tpu.vector_store %arg13[%swap3A_84], %swap3A_87 {strides = array<i32>} : memref<640xf32, #tpu.memory_space<vmem>>, vector<16xf32>,
    %swap3A_88 = arith.constant 192 : index
    %swap3A_89 = tpu.vector_load %arg13[%swap3A_88] {strides = array<i32>} : memref<640xf32, #tpu.memory_space<vmem>>, vector<16xf32>,
    %swap3A_90 = vector.shape_cast %swap3A_89 : vector<16xf32> to vector<16xf32>
    %swap3A_91 = vector.shape_cast %broadcast_in_dim3A_3 : vector<16xf32> to vector<16xf32>
    tpu.vector_store %arg13[%swap3A_88], %swap3A_91 {strides = array<i32>} : memref<640xf32, #tpu.memory_space<vmem>>, vector<16xf32>,
    %swap3A_92 = arith.constant 208 : index
    %swap3A_93 = tpu.vector_load %arg13[%swap3A_92] {strides = array<i32>} : memref<640xf32, #tpu.memory_space<vmem>>, vector<16xf32>,
    %swap3A_94 = vector.shape_cast %swap3A_93 : vector<16xf32> to vector<16xf32>
    %swap3A_95 = vector.shape_cast %broadcast_in_dim3A_3 : vector<16xf32> to vector<16xf32>
    tpu.vector_store %arg13[%swap3A_92], %swap3A_95 {strides = array<i32>} : memref<640xf32, #tpu.memory_space<vmem>>, vector<16xf32>,
    %swap3A_96 = arith.constant 224 : index
    %swap3A_97 = tpu.vector_load %arg13[%swap3A_96] {strides = array<i32>} : memref<640xf32, #tpu.memory_space<vmem>>, vector<16xf32>,
    %swap3A_98 = vector.shape_cast %swap3A_97 : vector<16xf32> to vector<16xf32>
    %swap3A_99 = vector.shape_cast %broadcast_in_dim3A_3 : vector<16xf32> to vector<16xf32>
    tpu.vector_store %arg13[%swap3A_96], %swap3A_99 {strides = array<i32>} : memref<640xf32, #tpu.memory_space<vmem>>, vector<16xf32>,
    %swap3A_100 = arith.constant 240 : index
    %swap3A_101 = tpu.vector_load %arg13[%swap3A_100] {strides = array<i32>} : memref<640xf32, #tpu.memory_space<vmem>>, vector<16xf32>,
    %swap3A_102 = vector.shape_cast %swap3A_101 : vector<16xf32> to vector<16xf32>
    %swap3A_103 = vector.shape_cast %broadcast_in_dim3A_3 : vector<16xf32> to vector<16xf32>
    tpu.vector_store %arg13[%swap3A_100], %swap3A_103 {strides = array<i32>} : memref<640xf32, #tpu.memory_space<vmem>>, vector<16xf32>,
    %swap3A_104 = arith.constant 256 : index
    %swap3A_105 = tpu.vector_load %arg13[%swap3A_104] {strides = array<i32>} : memref<640xf32, #tpu.memory_space<vmem>>, vector<16xf32>,
    %swap3A_106 = vector.shape_cast %swap3A_105 : vector<16xf32> to vector<16xf32>
    %swap3A_107 = vector.shape_cast %broadcast_in_dim3A_3 : vector<16xf32> to vector<16xf32>
    tpu.vector_store %arg13[%swap3A_104], %swap3A_107 {strides = array<i32>} : memref<640xf32, #tpu.memory_space<vmem>>, vector<16xf32>,
    %swap3A_108 = arith.constant 272 : index
    %swap3A_109 = tpu.vector_load %arg13[%swap3A_108] {strides = array<i32>} : memref<640xf32, #tpu.memory_space<vmem>>, vector<16xf32>,
    %swap3A_110 = vector.shape_cast %swap3A_109 : vector<16xf32> to vector<16xf32>
    %swap3A_111 = vector.shape_cast %broadcast_in_dim3A_3 : vector<16xf32> to vector<16xf32>
    tpu.vector_store %arg13[%swap3A_108], %swap3A_111 {strides = array<i32>} : memref<640xf32, #tpu.memory_space<vmem>>, vector<16xf32>,
    %swap3A_112 = arith.constant 288 : index
    %swap3A_113 = tpu.vector_load %arg13[%swap3A_112] {strides = array<i32>} : memref<640xf32, #tpu.memory_space<vmem>>, vector<16xf32>,
    %swap3A_114 = vector.shape_cast %swap3A_113 : vector<16xf32> to vector<16xf32>
    %swap3A_115 = vector.shape_cast %broadcast_in_dim3A_3 : vector<16xf32> to vector<16xf32>
    tpu.vector_store %arg13[%swap3A_112], %swap3A_115 {strides = array<i32>} : memref<640xf32, #tpu.memory_space<vmem>>, vector<16xf32>,
    %swap3A_116 = arith.constant 304 : index
    %swap3A_117 = tpu.vector_load %arg13[%swap3A_116] {strides = array<i32>} : memref<640xf32, #tpu.memory_space<vmem>>, vector<16xf32>,
    %swap3A_118 = vector.shape_cast %swap3A_117 : vector<16xf32> to vector<16xf32>
    %swap3A_119 = vector.shape_cast %broadcast_in_dim3A_3 : vector<16xf32> to vector<16xf32>
    tpu.vector_store %arg13[%swap3A_116], %swap3A_119 {strides = array<i32>} : memref<640xf32, #tpu.memory_space<vmem>>, vector<16xf32>,
    %swap3A_120 = arith.constant 320 : index
    %swap3A_121 = tpu.vector_load %arg13[%swap3A_120] {strides = array<i32>} : memref<640xf32, #tpu.memory_space<vmem>>, vector<16xf32>,
    %swap3A_122 = vector.shape_cast %swap3A_121 : vector<16xf32> to vector<16xf32>
    %swap3A_123 = vector.shape_cast %broadcast_in_dim3A_3 : vector<16xf32> to vector<16xf32>
    tpu.vector_store %arg13[%swap3A_120], %swap3A_123 {strides = array<i32>} : memref<640xf32, #tpu.memory_space<vmem>>, vector<16xf32>,
    %swap3A_124 = arith.constant 336 : index
    %swap3A_125 = tpu.vector_load %arg13[%swap3A_124] {strides = array<i32>} : memref<640xf32, #tpu.memory_space<vmem>>, vector<16xf32>,
    %swap3A_126 = vector.shape_cast %swap3A_125 : vector<16xf32> to vector<16xf32>
    %swap3A_127 = vector.shape_cast %broadcast_in_dim3A_3 : vector<16xf32> to vector<16xf32>
    tpu.vector_store %arg13[%swap3A_124], %swap3A_127 {strides = array<i32>} : memref<640xf32, #tpu.memory_space<vmem>>, vector<16xf32>,
    %swap3A_128 = arith.constant 352 : index
    %swap3A_129 = tpu.vector_load %arg13[%swap3A_128] {strides = array<i32>} : memref<640xf32, #tpu.memory_space<vmem>>, vector<16xf32>,
    %swap3A_130 = vector.shape_cast %swap3A_129 : vector<16xf32> to vector<16xf32>
    %swap3A_131 = vector.shape_cast %broadcast_in_dim3A_3 : vector<16xf32> to vector<16xf32>
    tpu.vector_store %arg13[%swap3A_128], %swap3A_131 {strides = array<i32>} : memref<640xf32, #tpu.memory_space<vmem>>, vector<16xf32>,
    %swap3A_132 = arith.constant 368 : index
    %swap3A_133 = tpu.vector_load %arg13[%swap3A_132] {strides = array<i32>} : memref<640xf32, #tpu.memory_space<vmem>>, vector<16xf32>,
    %swap3A_134 = vector.shape_cast %swap3A_133 : vector<16xf32> to vector<16xf32>
    %swap3A_135 = vector.shape_cast %broadcast_in_dim3A_3 : vector<16xf32> to vector<16xf32>
    tpu.vector_store %arg13[%swap3A_132], %swap3A_135 {strides = array<i32>} : memref<640xf32, #tpu.memory_space<vmem>>, vector<16xf32>,
    %swap3A_136 = arith.constant 384 : index
    %swap3A_137 = tpu.vector_load %arg13[%swap3A_136] {strides = array<i32>} : memref<640xf32, #tpu.memory_space<vmem>>, vector<16xf32>,
    %swap3A_138 = vector.shape_cast %swap3A_137 : vector<16xf32> to vector<16xf32>
    %swap3A_139 = vector.shape_cast %broadcast_in_dim3A_3 : vector<16xf32> to vector<16xf32>
    tpu.vector_store %arg13[%swap3A_136], %swap3A_139 {strides = array<i32>} : memref<640xf32, #tpu.memory_space<vmem>>, vector<16xf32>,
    %swap3A_140 = arith.constant 400 : index
    %swap3A_141 = tpu.vector_load %arg13[%swap3A_140] {strides = array<i32>} : memref<640xf32, #tpu.memory_space<vmem>>, vector<16xf32>,
    %swap3A_142 = vector.shape_cast %swap3A_141 : vector<16xf32> to vector<16xf32>
    %swap3A_143 = vector.shape_cast %broadcast_in_dim3A_3 : vector<16xf32> to vector<16xf32>
    tpu.vector_store %arg13[%swap3A_140], %swap3A_143 {strides = array<i32>} : memref<640xf32, #tpu.memory_space<vmem>>, vector<16xf32>,
    %swap3A_144 = arith.constant 416 : index
    %swap3A_145 = tpu.vector_load %arg13[%swap3A_144] {strides = array<i32>} : memref<640xf32, #tpu.memory_space<vmem>>, vector<16xf32>,
    %swap3A_146 = vector.shape_cast %swap3A_145 : vector<16xf32> to vector<16xf32>
    %swap3A_147 = vector.shape_cast %broadcast_in_dim3A_3 : vector<16xf32> to vector<16xf32>
    tpu.vector_store %arg13[%swap3A_144], %swap3A_147 {strides = array<i32>} : memref<640xf32, #tpu.memory_space<vmem>>, vector<16xf32>,
    %swap3A_148 = arith.constant 432 : index
    %swap3A_149 = tpu.vector_load %arg13[%swap3A_148] {strides = array<i32>} : memref<640xf32, #tpu.memory_space<vmem>>, vector<16xf32>,
    %swap3A_150 = vector.shape_cast %swap3A_149 : vector<16xf32> to vector<16xf32>
    %swap3A_151 = vector.shape_cast %broadcast_in_dim3A_3 : vector<16xf32> to vector<16xf32>
    tpu.vector_store %arg13[%swap3A_148], %swap3A_151 {strides = array<i32>} : memref<640xf32, #tpu.memory_space<vmem>>, vector<16xf32>,
    %swap3A_152 = arith.constant 448 : index
    %swap3A_153 = tpu.vector_load %arg13[%swap3A_152] {strides = array<i32>} : memref<640xf32, #tpu.memory_space<vmem>>, vector<16xf32>,
    %swap3A_154 = vector.shape_cast %swap3A_153 : vector<16xf32> to vector<16xf32>
    %swap3A_155 = vector.shape_cast %broadcast_in_dim3A_3 : vector<16xf32> to vector<16xf32>
    tpu.vector_store %arg13[%swap3A_152], %swap3A_155 {strides = array<i32>} : memref<640xf32, #tpu.memory_space<vmem>>, vector<16xf32>,
    %swap3A_156 = arith.constant 464 : index
    %swap3A_157 = tpu.vector_load %arg13[%swap3A_156] {strides = array<i32>} : memref<640xf32, #tpu.memory_space<vmem>>, vector<16xf32>,
    %swap3A_158 = vector.shape_cast %swap3A_157 : vector<16xf32> to vector<16xf32>
    %swap3A_159 = vector.shape_cast %broadcast_in_dim3A_3 : vector<16xf32> to vector<16xf32>
    tpu.vector_store %arg13[%swap3A_156], %swap3A_159 {strides = array<i32>} : memref<640xf32, #tpu.memory_space<vmem>>, vector<16xf32>,
    %swap3A_160 = arith.constant 480 : index
    %swap3A_161 = tpu.vector_load %arg13[%swap3A_160] {strides = array<i32>} : memref<640xf32, #tpu.memory_space<vmem>>, vector<16xf32>,
    %swap3A_162 = vector.shape_cast %swap3A_161 : vector<16xf32> to vector<16xf32>
    %swap3A_163 = vector.shape_cast %broadcast_in_dim3A_3 : vector<16xf32> to vector<16xf32>
    tpu.vector_store %arg13[%swap3A_160], %swap3A_163 {strides = array<i32>} : memref<640xf32, #tpu.memory_space<vmem>>, vector<16xf32>,
    %swap3A_164 = arith.constant 496 : index
    %swap3A_165 = tpu.vector_load %arg13[%swap3A_164] {strides = array<i32>} : memref<640xf32, #tpu.memory_space<vmem>>, vector<16xf32>,
    %swap3A_166 = vector.shape_cast %swap3A_165 : vector<16xf32> to vector<16xf32>
    %swap3A_167 = vector.shape_cast %broadcast_in_dim3A_3 : vector<16xf32> to vector<16xf32>
    tpu.vector_store %arg13[%swap3A_164], %swap3A_167 {strides = array<i32>} : memref<640xf32, #tpu.memory_space<vmem>>, vector<16xf32>,
    %swap3A_168 = arith.constant 512 : index
    %swap3A_169 = tpu.vector_load %arg13[%swap3A_168] {strides = array<i32>} : memref<640xf32, #tpu.memory_space<vmem>>, vector<16xf32>,
    %swap3A_170 = vector.shape_cast %swap3A_169 : vector<16xf32> to vector<16xf32>
    %swap3A_171 = vector.shape_cast %broadcast_in_dim3A_3 : vector<16xf32> to vector<16xf32>
    tpu.vector_store %arg13[%swap3A_168], %swap3A_171 {strides = array<i32>} : memref<640xf32, #tpu.memory_space<vmem>>, vector<16xf32>,
    %swap3A_172 = arith.constant 528 : index
    %swap3A_173 = tpu.vector_load %arg13[%swap3A_172] {strides = array<i32>} : memref<640xf32, #tpu.memory_space<vmem>>, vector<16xf32>,
    %swap3A_174 = vector.shape_cast %swap3A_173 : vector<16xf32> to vector<16xf32>
    %swap3A_175 = vector.shape_cast %broadcast_in_dim3A_3 : vector<16xf32> to vector<16xf32>
    tpu.vector_store %arg13[%swap3A_172], %swap3A_175 {strides = array<i32>} : memref<640xf32, #tpu.memory_space<vmem>>, vector<16xf32>,
    %swap3A_176 = arith.constant 544 : index
    %swap3A_177 = tpu.vector_load %arg13[%swap3A_176] {strides = array<i32>} : memref<640xf32, #tpu.memory_space<vmem>>, vector<16xf32>,
    %swap3A_178 = vector.shape_cast %swap3A_177 : vector<16xf32> to vector<16xf32>
    %swap3A_179 = vector.shape_cast %broadcast_in_dim3A_3 : vector<16xf32> to vector<16xf32>
    tpu.vector_store %arg13[%swap3A_176], %swap3A_179 {strides = array<i32>} : memref<640xf32, #tpu.memory_space<vmem>>, vector<16xf32>,
    %swap3A_180 = arith.constant 560 : index
    %swap3A_181 = tpu.vector_load %arg13[%swap3A_180] {strides = array<i32>} : memref<640xf32, #tpu.memory_space<vmem>>, vector<16xf32>,
    %swap3A_182 = vector.shape_cast %swap3A_181 : vector<16xf32> to vector<16xf32>
    %swap3A_183 = vector.shape_cast %broadcast_in_dim3A_3 : vector<16xf32> to vector<16xf32>
    tpu.vector_store %arg13[%swap3A_180], %swap3A_183 {strides = array<i32>} : memref<640xf32, #tpu.memory_space<vmem>>, vector<16xf32>,
    %swap3A_184 = arith.constant 576 : index
    %swap3A_185 = tpu.vector_load %arg13[%swap3A_184] {strides = array<i32>} : memref<640xf32, #tpu.memory_space<vmem>>, vector<16xf32>,
    %swap3A_186 = vector.shape_cast %swap3A_185 : vector<16xf32> to vector<16xf32>
    %swap3A_187 = vector.shape_cast %broadcast_in_dim3A_3 : vector<16xf32> to vector<16xf32>
    tpu.vector_store %arg13[%swap3A_184], %swap3A_187 {strides = array<i32>} : memref<640xf32, #tpu.memory_space<vmem>>, vector<16xf32>,
    %swap3A_188 = arith.constant 592 : index
    %swap3A_189 = tpu.vector_load %arg13[%swap3A_188] {strides = array<i32>} : memref<640xf32, #tpu.memory_space<vmem>>, vector<16xf32>,
    %swap3A_190 = vector.shape_cast %swap3A_189 : vector<16xf32> to vector<16xf32>
    %swap3A_191 = vector.shape_cast %broadcast_in_dim3A_3 : vector<16xf32> to vector<16xf32>
    tpu.vector_store %arg13[%swap3A_188], %swap3A_191 {strides = array<i32>} : memref<640xf32, #tpu.memory_space<vmem>>, vector<16xf32>,
    %swap3A_192 = arith.constant 608 : index
    %swap3A_193 = tpu.vector_load %arg13[%swap3A_192] {strides = array<i32>} : memref<640xf32, #tpu.memory_space<vmem>>, vector<16xf32>,
    %swap3A_194 = vector.shape_cast %swap3A_193 : vector<16xf32> to vector<16xf32>
    %swap3A_195 = vector.shape_cast %broadcast_in_dim3A_3 : vector<16xf32> to vector<16xf32>
    tpu.vector_store %arg13[%swap3A_192], %swap3A_195 {strides = array<i32>} : memref<640xf32, #tpu.memory_space<vmem>>, vector<16xf32>,
    %swap3A_196 = arith.constant 624 : index
    %swap3A_197 = tpu.vector_load %arg13[%swap3A_196] {strides = array<i32>} : memref<640xf32, #tpu.memory_space<vmem>>, vector<16xf32>,
    %swap3A_198 = vector.shape_cast %swap3A_197 : vector<16xf32> to vector<16xf32>
    %swap3A_199 = vector.shape_cast %broadcast_in_dim3A_3 : vector<16xf32> to vector<16xf32>
    tpu.vector_store %arg13[%swap3A_196], %swap3A_199 {strides = array<i32>} : memref<640xf32, #tpu.memory_space<vmem>>, vector<16xf32>,
    %mul3A_200 = arith.constant 640 : i32
    %mul3A_201 = arith.muli %arg1, %mul3A_200 : i32
    %add3A_202 = arith.constant 0 : i32
    %add3A_203 = arith.addi %mul3A_201, %add3A_202 : i32
    "tpu.region"() ({
      %run_scoped3A_294 = tpu.sem_alloc : memref<!tpu.dma_semaphore, #tpu.memory_space<semaphore_mem>>
      %dma_start3A_295 = arith.constant 0 : i32
      %dma_start3A_296 = arith.constant 0 : i32
      %dma_start3A_297 = tpu.memref_slice %arg10[%dma_start3A_295, %dma_start3A_296] : memref<125x128xf32, #tpu.memory_space<vmem>> -> memref<120x128xf32, #tpu.memory_space<vmem>>
      %dma_start3A_298 = arith.constant 0 : i32
      %dma_start3A_299 = tpu.memref_slice %arg14[%add3A_203, %dma_start3A_298] : memref<10240x128xf32, #tpu.memory_space<vmem_shared>> -> memref<120x128xf32, #tpu.memory_space<vmem_shared>>
      %dma_start3A_300 = arith.constant 0 : i32
      %dma_start3A_301 = tpu.memref_slice %arg14[%add3A_203, %dma_start3A_300] : memref<10240x128xf32, #tpu.memory_space<vmem_shared>> -> memref<120x128xf32, #tpu.memory_space<vmem_shared>>
      %dma_start3A_302 = arith.constant 0 : i32
      %dma_start3A_303 = arith.constant 0 : i32
      %dma_start3A_304 = tpu.memref_slice %arg10[%dma_start3A_302, %dma_start3A_303] : memref<125x128xf32, #tpu.memory_space<vmem>> -> memref<120x128xf32, #tpu.memory_space<vmem>>
      tpu.enqueue_dma source(%dma_start3A_304 : memref<120x128xf32, #tpu.memory_space<vmem>>) target(%dma_start3A_301 : memref<120x128xf32, #tpu.memory_space<vmem_shared>>) target_semaphore(%run_scoped3A_294 : memref<!tpu.dma_semaphore, #tpu.memory_space<semaphore_mem>>)
      %dma_wait3A = arith.constant 0 : i32
      %dma_wait3A_305 = arith.constant 0 : i32
      %dma_wait3A_306 = tpu.memref_slice %arg10[%dma_wait3A, %dma_wait3A_305] : memref<125x128xf32, #tpu.memory_space<vmem>> -> memref<120x128xf32, #tpu.memory_space<vmem>>
      %dma_wait3A_307 = arith.constant 0 : i32
      %dma_wait3A_308 = tpu.memref_slice %arg14[%add3A_203, %dma_wait3A_307] : memref<10240x128xf32, #tpu.memory_space<vmem_shared>> -> memref<120x128xf32, #tpu.memory_space<vmem_shared>>
      %dma_wait3A_309 = arith.constant 0 : i32
      %dma_wait3A_310 = tpu.memref_slice %arg14[%add3A_203, %dma_wait3A_309] : memref<10240x128xf32, #tpu.memory_space<vmem_shared>> -> memref<120x128xf32, #tpu.memory_space<vmem_shared>>
      %dma_wait3A_311 = arith.constant 0 : i32
      %dma_wait3A_312 = arith.constant 0 : i32
      %dma_wait3A_313 = tpu.memref_slice %arg10[%dma_wait3A_311, %dma_wait3A_312] : memref<125x128xf32, #tpu.memory_space<vmem>> -> memref<120x128xf32, #tpu.memory_space<vmem>>
      tpu.wait_dma2 semaphore(%run_scoped3A_294 : memref<!tpu.dma_semaphore, #tpu.memory_space<semaphore_mem>>) src(%dma_wait3A_313 : memref<120x128xf32, #tpu.memory_space<vmem>>) dst(%dma_wait3A_310 : memref<120x128xf32, #tpu.memory_space<vmem_shared>>)
      tpu.yield
    }) : () -> ()
    %mul3A_204 = arith.constant 640 : i32
    %mul3A_205 = arith.muli %arg1, %mul3A_204 : i32
    %add3A_206 = arith.constant 120 : i32
    %add3A_207 = arith.addi %mul3A_205, %add3A_206 : i32
    "tpu.region"() ({
      %run_scoped3A_294 = tpu.sem_alloc : memref<!tpu.dma_semaphore, #tpu.memory_space<semaphore_mem>>
      %dma_start3A_295 = arith.constant 0 : i32
      %dma_start3A_296 = arith.constant 0 : i32
      %dma_start3A_297 = tpu.memref_slice %arg10[%dma_start3A_295, %dma_start3A_296] : memref<125x128xf32, #tpu.memory_space<vmem>> -> memref<120x128xf32, #tpu.memory_space<vmem>>
      %dma_start3A_298 = arith.constant 0 : i32
      %dma_start3A_299 = tpu.memref_slice %arg14[%add3A_207, %dma_start3A_298] : memref<10240x128xf32, #tpu.memory_space<vmem_shared>> -> memref<120x128xf32, #tpu.memory_space<vmem_shared>>
      %dma_start3A_300 = arith.constant 0 : i32
      %dma_start3A_301 = tpu.memref_slice %arg14[%add3A_207, %dma_start3A_300] : memref<10240x128xf32, #tpu.memory_space<vmem_shared>> -> memref<120x128xf32, #tpu.memory_space<vmem_shared>>
      %dma_start3A_302 = arith.constant 0 : i32
      %dma_start3A_303 = arith.constant 0 : i32
      %dma_start3A_304 = tpu.memref_slice %arg10[%dma_start3A_302, %dma_start3A_303] : memref<125x128xf32, #tpu.memory_space<vmem>> -> memref<120x128xf32, #tpu.memory_space<vmem>>
      tpu.enqueue_dma source(%dma_start3A_304 : memref<120x128xf32, #tpu.memory_space<vmem>>) target(%dma_start3A_301 : memref<120x128xf32, #tpu.memory_space<vmem_shared>>) target_semaphore(%run_scoped3A_294 : memref<!tpu.dma_semaphore, #tpu.memory_space<semaphore_mem>>)
      %dma_wait3A = arith.constant 0 : i32
      %dma_wait3A_305 = arith.constant 0 : i32
      %dma_wait3A_306 = tpu.memref_slice %arg10[%dma_wait3A, %dma_wait3A_305] : memref<125x128xf32, #tpu.memory_space<vmem>> -> memref<120x128xf32, #tpu.memory_space<vmem>>
      %dma_wait3A_307 = arith.constant 0 : i32
      %dma_wait3A_308 = tpu.memref_slice %arg14[%add3A_207, %dma_wait3A_307] : memref<10240x128xf32, #tpu.memory_space<vmem_shared>> -> memref<120x128xf32, #tpu.memory_space<vmem_shared>>
      %dma_wait3A_309 = arith.constant 0 : i32
      %dma_wait3A_310 = tpu.memref_slice %arg14[%add3A_207, %dma_wait3A_309] : memref<10240x128xf32, #tpu.memory_space<vmem_shared>> -> memref<120x128xf32, #tpu.memory_space<vmem_shared>>
      %dma_wait3A_311 = arith.constant 0 : i32
      %dma_wait3A_312 = arith.constant 0 : i32
      %dma_wait3A_313 = tpu.memref_slice %arg10[%dma_wait3A_311, %dma_wait3A_312] : memref<125x128xf32, #tpu.memory_space<vmem>> -> memref<120x128xf32, #tpu.memory_space<vmem>>
      tpu.wait_dma2 semaphore(%run_scoped3A_294 : memref<!tpu.dma_semaphore, #tpu.memory_space<semaphore_mem>>) src(%dma_wait3A_313 : memref<120x128xf32, #tpu.memory_space<vmem>>) dst(%dma_wait3A_310 : memref<120x128xf32, #tpu.memory_space<vmem_shared>>)
      tpu.yield
    }) : () -> ()
    %mul3A_208 = arith.constant 640 : i32
    %mul3A_209 = arith.muli %arg1, %mul3A_208 : i32
    %add3A_210 = arith.constant 240 : i32
    %add3A_211 = arith.addi %mul3A_209, %add3A_210 : i32
    "tpu.region"() ({
      %run_scoped3A_294 = tpu.sem_alloc : memref<!tpu.dma_semaphore, #tpu.memory_space<semaphore_mem>>
      %dma_start3A_295 = arith.constant 0 : i32
      %dma_start3A_296 = arith.constant 0 : i32
      %dma_start3A_297 = tpu.memref_slice %arg10[%dma_start3A_295, %dma_start3A_296] : memref<125x128xf32, #tpu.memory_space<vmem>> -> memref<120x128xf32, #tpu.memory_space<vmem>>
      %dma_start3A_298 = arith.constant 0 : i32
      %dma_start3A_299 = tpu.memref_slice %arg14[%add3A_211, %dma_start3A_298] : memref<10240x128xf32, #tpu.memory_space<vmem_shared>> -> memref<120x128xf32, #tpu.memory_space<vmem_shared>>
      %dma_start3A_300 = arith.constant 0 : i32
      %dma_start3A_301 = tpu.memref_slice %arg14[%add3A_211, %dma_start3A_300] : memref<10240x128xf32, #tpu.memory_space<vmem_shared>> -> memref<120x128xf32, #tpu.memory_space<vmem_shared>>
      %dma_start3A_302 = arith.constant 0 : i32
      %dma_start3A_303 = arith.constant 0 : i32
      %dma_start3A_304 = tpu.memref_slice %arg10[%dma_start3A_302, %dma_start3A_303] : memref<125x128xf32, #tpu.memory_space<vmem>> -> memref<120x128xf32, #tpu.memory_space<vmem>>
      tpu.enqueue_dma source(%dma_start3A_304 : memref<120x128xf32, #tpu.memory_space<vmem>>) target(%dma_start3A_301 : memref<120x128xf32, #tpu.memory_space<vmem_shared>>) target_semaphore(%run_scoped3A_294 : memref<!tpu.dma_semaphore, #tpu.memory_space<semaphore_mem>>)
      %dma_wait3A = arith.constant 0 : i32
      %dma_wait3A_305 = arith.constant 0 : i32
      %dma_wait3A_306 = tpu.memref_slice %arg10[%dma_wait3A, %dma_wait3A_305] : memref<125x128xf32, #tpu.memory_space<vmem>> -> memref<120x128xf32, #tpu.memory_space<vmem>>
      %dma_wait3A_307 = arith.constant 0 : i32
      %dma_wait3A_308 = tpu.memref_slice %arg14[%add3A_211, %dma_wait3A_307] : memref<10240x128xf32, #tpu.memory_space<vmem_shared>> -> memref<120x128xf32, #tpu.memory_space<vmem_shared>>
      %dma_wait3A_309 = arith.constant 0 : i32
      %dma_wait3A_310 = tpu.memref_slice %arg14[%add3A_211, %dma_wait3A_309] : memref<10240x128xf32, #tpu.memory_space<vmem_shared>> -> memref<120x128xf32, #tpu.memory_space<vmem_shared>>
      %dma_wait3A_311 = arith.constant 0 : i32
      %dma_wait3A_312 = arith.constant 0 : i32
      %dma_wait3A_313 = tpu.memref_slice %arg10[%dma_wait3A_311, %dma_wait3A_312] : memref<125x128xf32, #tpu.memory_space<vmem>> -> memref<120x128xf32, #tpu.memory_space<vmem>>
      tpu.wait_dma2 semaphore(%run_scoped3A_294 : memref<!tpu.dma_semaphore, #tpu.memory_space<semaphore_mem>>) src(%dma_wait3A_313 : memref<120x128xf32, #tpu.memory_space<vmem>>) dst(%dma_wait3A_310 : memref<120x128xf32, #tpu.memory_space<vmem_shared>>)
      tpu.yield
    }) : () -> ()
    %mul3A_212 = arith.constant 640 : i32
    %mul3A_213 = arith.muli %arg1, %mul3A_212 : i32
    %add3A_214 = arith.constant 360 : i32
    %add3A_215 = arith.addi %mul3A_213, %add3A_214 : i32
    "tpu.region"() ({
      %run_scoped3A_294 = tpu.sem_alloc : memref<!tpu.dma_semaphore, #tpu.memory_space<semaphore_mem>>
      %dma_start3A_295 = arith.constant 0 : i32
      %dma_start3A_296 = arith.constant 0 : i32
      %dma_start3A_297 = tpu.memref_slice %arg10[%dma_start3A_295, %dma_start3A_296] : memref<125x128xf32, #tpu.memory_space<vmem>> -> memref<120x128xf32, #tpu.memory_space<vmem>>
      %dma_start3A_298 = arith.constant 0 : i32
      %dma_start3A_299 = tpu.memref_slice %arg14[%add3A_215, %dma_start3A_298] : memref<10240x128xf32, #tpu.memory_space<vmem_shared>> -> memref<120x128xf32, #tpu.memory_space<vmem_shared>>
      %dma_start3A_300 = arith.constant 0 : i32
      %dma_start3A_301 = tpu.memref_slice %arg14[%add3A_215, %dma_start3A_300] : memref<10240x128xf32, #tpu.memory_space<vmem_shared>> -> memref<120x128xf32, #tpu.memory_space<vmem_shared>>
      %dma_start3A_302 = arith.constant 0 : i32
      %dma_start3A_303 = arith.constant 0 : i32
      %dma_start3A_304 = tpu.memref_slice %arg10[%dma_start3A_302, %dma_start3A_303] : memref<125x128xf32, #tpu.memory_space<vmem>> -> memref<120x128xf32, #tpu.memory_space<vmem>>
      tpu.enqueue_dma source(%dma_start3A_304 : memref<120x128xf32, #tpu.memory_space<vmem>>) target(%dma_start3A_301 : memref<120x128xf32, #tpu.memory_space<vmem_shared>>) target_semaphore(%run_scoped3A_294 : memref<!tpu.dma_semaphore, #tpu.memory_space<semaphore_mem>>)
      %dma_wait3A = arith.constant 0 : i32
      %dma_wait3A_305 = arith.constant 0 : i32
      %dma_wait3A_306 = tpu.memref_slice %arg10[%dma_wait3A, %dma_wait3A_305] : memref<125x128xf32, #tpu.memory_space<vmem>> -> memref<120x128xf32, #tpu.memory_space<vmem>>
      %dma_wait3A_307 = arith.constant 0 : i32
      %dma_wait3A_308 = tpu.memref_slice %arg14[%add3A_215, %dma_wait3A_307] : memref<10240x128xf32, #tpu.memory_space<vmem_shared>> -> memref<120x128xf32, #tpu.memory_space<vmem_shared>>
      %dma_wait3A_309 = arith.constant 0 : i32
      %dma_wait3A_310 = tpu.memref_slice %arg14[%add3A_215, %dma_wait3A_309] : memref<10240x128xf32, #tpu.memory_space<vmem_shared>> -> memref<120x128xf32, #tpu.memory_space<vmem_shared>>
      %dma_wait3A_311 = arith.constant 0 : i32
      %dma_wait3A_312 = arith.constant 0 : i32
      %dma_wait3A_313 = tpu.memref_slice %arg10[%dma_wait3A_311, %dma_wait3A_312] : memref<125x128xf32, #tpu.memory_space<vmem>> -> memref<120x128xf32, #tpu.memory_space<vmem>>
      tpu.wait_dma2 semaphore(%run_scoped3A_294 : memref<!tpu.dma_semaphore, #tpu.memory_space<semaphore_mem>>) src(%dma_wait3A_313 : memref<120x128xf32, #tpu.memory_space<vmem>>) dst(%dma_wait3A_310 : memref<120x128xf32, #tpu.memory_space<vmem_shared>>)
      tpu.yield
    }) : () -> ()
    %mul3A_216 = arith.constant 640 : i32
    %mul3A_217 = arith.muli %arg1, %mul3A_216 : i32
    %add3A_218 = arith.constant 480 : i32
    %add3A_219 = arith.addi %mul3A_217, %add3A_218 : i32
    "tpu.region"() ({
      %run_scoped3A_294 = tpu.sem_alloc : memref<!tpu.dma_semaphore, #tpu.memory_space<semaphore_mem>>
      %dma_start3A_295 = arith.constant 0 : i32
      %dma_start3A_296 = arith.constant 0 : i32
      %dma_start3A_297 = tpu.memref_slice %arg10[%dma_start3A_295, %dma_start3A_296] : memref<125x128xf32, #tpu.memory_space<vmem>> -> memref<120x128xf32, #tpu.memory_space<vmem>>
      %dma_start3A_298 = arith.constant 0 : i32
      %dma_start3A_299 = tpu.memref_slice %arg14[%add3A_219, %dma_start3A_298] : memref<10240x128xf32, #tpu.memory_space<vmem_shared>> -> memref<120x128xf32, #tpu.memory_space<vmem_shared>>
      %dma_start3A_300 = arith.constant 0 : i32
      %dma_start3A_301 = tpu.memref_slice %arg14[%add3A_219, %dma_start3A_300] : memref<10240x128xf32, #tpu.memory_space<vmem_shared>> -> memref<120x128xf32, #tpu.memory_space<vmem_shared>>
      %dma_start3A_302 = arith.constant 0 : i32
      %dma_start3A_303 = arith.constant 0 : i32
      %dma_start3A_304 = tpu.memref_slice %arg10[%dma_start3A_302, %dma_start3A_303] : memref<125x128xf32, #tpu.memory_space<vmem>> -> memref<120x128xf32, #tpu.memory_space<vmem>>
      tpu.enqueue_dma source(%dma_start3A_304 : memref<120x128xf32, #tpu.memory_space<vmem>>) target(%dma_start3A_301 : memref<120x128xf32, #tpu.memory_space<vmem_shared>>) target_semaphore(%run_scoped3A_294 : memref<!tpu.dma_semaphore, #tpu.memory_space<semaphore_mem>>)
      %dma_wait3A = arith.constant 0 : i32
      %dma_wait3A_305 = arith.constant 0 : i32
      %dma_wait3A_306 = tpu.memref_slice %arg10[%dma_wait3A, %dma_wait3A_305] : memref<125x128xf32, #tpu.memory_space<vmem>> -> memref<120x128xf32, #tpu.memory_space<vmem>>
      %dma_wait3A_307 = arith.constant 0 : i32
      %dma_wait3A_308 = tpu.memref_slice %arg14[%add3A_219, %dma_wait3A_307] : memref<10240x128xf32, #tpu.memory_space<vmem_shared>> -> memref<120x128xf32, #tpu.memory_space<vmem_shared>>
      %dma_wait3A_309 = arith.constant 0 : i32
      %dma_wait3A_310 = tpu.memref_slice %arg14[%add3A_219, %dma_wait3A_309] : memref<10240x128xf32, #tpu.memory_space<vmem_shared>> -> memref<120x128xf32, #tpu.memory_space<vmem_shared>>
      %dma_wait3A_311 = arith.constant 0 : i32
      %dma_wait3A_312 = arith.constant 0 : i32
      %dma_wait3A_313 = tpu.memref_slice %arg10[%dma_wait3A_311, %dma_wait3A_312] : memref<125x128xf32, #tpu.memory_space<vmem>> -> memref<120x128xf32, #tpu.memory_space<vmem>>
      tpu.wait_dma2 semaphore(%run_scoped3A_294 : memref<!tpu.dma_semaphore, #tpu.memory_space<semaphore_mem>>) src(%dma_wait3A_313 : memref<120x128xf32, #tpu.memory_space<vmem>>) dst(%dma_wait3A_310 : memref<120x128xf32, #tpu.memory_space<vmem_shared>>)
      tpu.yield
    }) : () -> ()
    %mul3A_220 = arith.constant 640 : i32
    %mul3A_221 = arith.muli %arg1, %mul3A_220 : i32
    %add3A_222 = arith.constant 600 : i32
    %add3A_223 = arith.addi %mul3A_221, %add3A_222 : i32
    "tpu.region"() ({
      %run_scoped3A_294 = tpu.sem_alloc : memref<!tpu.dma_semaphore, #tpu.memory_space<semaphore_mem>>
      %dma_start3A_295 = arith.constant 0 : i32
      %dma_start3A_296 = arith.constant 0 : i32
      %dma_start3A_297 = tpu.memref_slice %arg10[%dma_start3A_295, %dma_start3A_296] : memref<125x128xf32, #tpu.memory_space<vmem>> -> memref<40x128xf32, #tpu.memory_space<vmem>>
      %dma_start3A_298 = arith.constant 0 : i32
      %dma_start3A_299 = tpu.memref_slice %arg14[%add3A_223, %dma_start3A_298] : memref<10240x128xf32, #tpu.memory_space<vmem_shared>> -> memref<40x128xf32, #tpu.memory_space<vmem_shared>>
      %dma_start3A_300 = arith.constant 0 : i32
      %dma_start3A_301 = tpu.memref_slice %arg14[%add3A_223, %dma_start3A_300] : memref<10240x128xf32, #tpu.memory_space<vmem_shared>> -> memref<40x128xf32, #tpu.memory_space<vmem_shared>>
      %dma_start3A_302 = arith.constant 0 : i32
      %dma_start3A_303 = arith.constant 0 : i32
      %dma_start3A_304 = tpu.memref_slice %arg10[%dma_start3A_302, %dma_start3A_303] : memref<125x128xf32, #tpu.memory_space<vmem>> -> memref<40x128xf32, #tpu.memory_space<vmem>>
      tpu.enqueue_dma source(%dma_start3A_304 : memref<40x128xf32, #tpu.memory_space<vmem>>) target(%dma_start3A_301 : memref<40x128xf32, #tpu.memory_space<vmem_shared>>) target_semaphore(%run_scoped3A_294 : memref<!tpu.dma_semaphore, #tpu.memory_space<semaphore_mem>>)
      %dma_wait3A = arith.constant 0 : i32
      %dma_wait3A_305 = arith.constant 0 : i32
      %dma_wait3A_306 = tpu.memref_slice %arg10[%dma_wait3A, %dma_wait3A_305] : memref<125x128xf32, #tpu.memory_space<vmem>> -> memref<40x128xf32, #tpu.memory_space<vmem>>
      %dma_wait3A_307 = arith.constant 0 : i32
      %dma_wait3A_308 = tpu.memref_slice %arg14[%add3A_223, %dma_wait3A_307] : memref<10240x128xf32, #tpu.memory_space<vmem_shared>> -> memref<40x128xf32, #tpu.memory_space<vmem_shared>>
      %dma_wait3A_309 = arith.constant 0 : i32
      %dma_wait3A_310 = tpu.memref_slice %arg14[%add3A_223, %dma_wait3A_309] : memref<10240x128xf32, #tpu.memory_space<vmem_shared>> -> memref<40x128xf32, #tpu.memory_space<vmem_shared>>
      %dma_wait3A_311 = arith.constant 0 : i32
      %dma_wait3A_312 = arith.constant 0 : i32
      %dma_wait3A_313 = tpu.memref_slice %arg10[%dma_wait3A_311, %dma_wait3A_312] : memref<125x128xf32, #tpu.memory_space<vmem>> -> memref<40x128xf32, #tpu.memory_space<vmem>>
      tpu.wait_dma2 semaphore(%run_scoped3A_294 : memref<!tpu.dma_semaphore, #tpu.memory_space<semaphore_mem>>) src(%dma_wait3A_313 : memref<40x128xf32, #tpu.memory_space<vmem>>) dst(%dma_wait3A_310 : memref<40x128xf32, #tpu.memory_space<vmem_shared>>)
      tpu.yield
    }) : () -> ()
    %mul3A_224 = arith.constant 640 : i32
    %mul3A_225 = arith.muli %arg1, %mul3A_224 : i32
    "tpu.region"() ({
      %run_scoped3A_294 = tpu.sem_alloc : memref<!tpu.dma_semaphore, #tpu.memory_space<semaphore_mem>>
      %dma_start3A_295 = tpu.memref_slice %arg15[%mul3A_225] : memref<10240xf32, #tpu.memory_space<vmem_shared>> -> memref<640xf32, #tpu.memory_space<vmem_shared>>
      %dma_start3A_296 = tpu.memref_slice %arg15[%mul3A_225] : memref<10240xf32, #tpu.memory_space<vmem_shared>> -> memref<640xf32, #tpu.memory_space<vmem_shared>>
      tpu.enqueue_dma source(%arg13 : memref<640xf32, #tpu.memory_space<vmem>>) target(%dma_start3A_296 : memref<640xf32, #tpu.memory_space<vmem_shared>>) target_semaphore(%run_scoped3A_294 : memref<!tpu.dma_semaphore, #tpu.memory_space<semaphore_mem>>)
      %dma_wait3A = tpu.memref_slice %arg15[%mul3A_225] : memref<10240xf32, #tpu.memory_space<vmem_shared>> -> memref<640xf32, #tpu.memory_space<vmem_shared>>
      %dma_wait3A_297 = tpu.memref_slice %arg15[%mul3A_225] : memref<10240xf32, #tpu.memory_space<vmem_shared>> -> memref<640xf32, #tpu.memory_space<vmem_shared>>
      tpu.wait_dma2 semaphore(%run_scoped3A_294 : memref<!tpu.dma_semaphore, #tpu.memory_space<semaphore_mem>>) src(%arg13 : memref<640xf32, #tpu.memory_space<vmem>>) dst(%dma_wait3A_297 : memref<640xf32, #tpu.memory_space<vmem_shared>>)
      tpu.yield
    }) : () -> ()
    %run_scoped3A = arith.constant 0 : i32
    %run_scoped3A_226 = arith.constant 0 : i32
    "tpu.region"() ({
      %run_scoped3A_294 = tpu.sem_alloc : memref<!tpu.dma_semaphore, #tpu.memory_space<semaphore_mem>>
      %dma_start3A_295 = arith.constant 0 : i32
      %dma_start3A_296 = arith.constant 0 : i32
      %dma_start3A_297 = tpu.memref_slice %arg8[%run_scoped3A_226, %dma_start3A_295, %dma_start3A_296] : memref<2x8x125xi32, #tpu.memory_space<vmem>> -> memref<1x8x125xi32, #tpu.memory_space<vmem>>
      %dma_start3A_298 = tpu.memref_squeeze %dma_start3A_297 : memref<1x8x125xi32, #tpu.memory_space<vmem>> -> memref<8x125xi32, #tpu.memory_space<vmem>>
      %dma_start3A_299 = arith.constant 0 : i32
      %dma_start3A_300 = arith.constant 0 : i32
      %dma_start3A_301 = tpu.memref_slice %arg3[%run_scoped3A, %add3A, %dma_start3A_299, %dma_start3A_300] : memref<2x32x80x125xi32, #tpu.memory_space<hbm>> -> memref<1x1x8x125xi32, #tpu.memory_space<hbm>>
      %dma_start3A_302 = tpu.memref_squeeze %dma_start3A_301 : memref<1x1x8x125xi32, #tpu.memory_space<hbm>> -> memref<8x125xi32, #tpu.memory_space<hbm>>
      %dma_start3A_303 = arith.constant 0 : i32
      %dma_start3A_304 = arith.constant 0 : i32
      %dma_start3A_305 = tpu.memref_slice %arg8[%run_scoped3A_226, %dma_start3A_303, %dma_start3A_304] : memref<2x8x125xi32, #tpu.memory_space<vmem>> -> memref<1x8x125xi32, #tpu.memory_space<vmem>>
      %dma_start3A_306 = tpu.memref_squeeze %dma_start3A_305 : memref<1x8x125xi32, #tpu.memory_space<vmem>> -> memref<8x125xi32, #tpu.memory_space<vmem>>
      %dma_start3A_307 = arith.constant 0 : i32
      %dma_start3A_308 = arith.constant 0 : i32
      %dma_start3A_309 = tpu.memref_slice %arg3[%run_scoped3A, %add3A, %dma_start3A_307, %dma_start3A_308] : memref<2x32x80x125xi32, #tpu.memory_space<hbm>> -> memref<1x1x8x125xi32, #tpu.memory_space<hbm>>
      %dma_start3A_310 = tpu.memref_squeeze %dma_start3A_309 : memref<1x1x8x125xi32, #tpu.memory_space<hbm>> -> memref<8x125xi32, #tpu.memory_space<hbm>>
      tpu.enqueue_dma source(%dma_start3A_310 : memref<8x125xi32, #tpu.memory_space<hbm>>) target(%dma_start3A_306 : memref<8x125xi32, #tpu.memory_space<vmem>>) target_semaphore(%run_scoped3A_294 : memref<!tpu.dma_semaphore, #tpu.memory_space<semaphore_mem>>)
      %dma_wait3A = arith.constant 0 : i32
      %dma_wait3A_311 = arith.constant 0 : i32
      %dma_wait3A_312 = tpu.memref_slice %arg8[%run_scoped3A_226, %dma_wait3A, %dma_wait3A_311] : memref<2x8x125xi32, #tpu.memory_space<vmem>> -> memref<1x8x125xi32, #tpu.memory_space<vmem>>
      %dma_wait3A_313 = tpu.memref_squeeze %dma_wait3A_312 : memref<1x8x125xi32, #tpu.memory_space<vmem>> -> memref<8x125xi32, #tpu.memory_space<vmem>>
      %dma_wait3A_314 = arith.constant 0 : i32
      %dma_wait3A_315 = arith.constant 0 : i32
      %dma_wait3A_316 = tpu.memref_slice %arg3[%run_scoped3A, %add3A, %dma_wait3A_314, %dma_wait3A_315] : memref<2x32x80x125xi32, #tpu.memory_space<hbm>> -> memref<1x1x8x125xi32, #tpu.memory_space<hbm>>
      %dma_wait3A_317 = tpu.memref_squeeze %dma_wait3A_316 : memref<1x1x8x125xi32, #tpu.memory_space<hbm>> -> memref<8x125xi32, #tpu.memory_space<hbm>>
      %dma_wait3A_318 = arith.constant 0 : i32
      %dma_wait3A_319 = arith.constant 0 : i32
      %dma_wait3A_320 = tpu.memref_slice %arg8[%run_scoped3A_226, %dma_wait3A_318, %dma_wait3A_319] : memref<2x8x125xi32, #tpu.memory_space<vmem>> -> memref<1x8x125xi32, #tpu.memory_space<vmem>>
      %dma_wait3A_321 = tpu.memref_squeeze %dma_wait3A_320 : memref<1x8x125xi32, #tpu.memory_space<vmem>> -> memref<8x125xi32, #tpu.memory_space<vmem>>
      %dma_wait3A_322 = arith.constant 0 : i32
      %dma_wait3A_323 = arith.constant 0 : i32
      %dma_wait3A_324 = tpu.memref_slice %arg3[%run_scoped3A, %add3A, %dma_wait3A_322, %dma_wait3A_323] : memref<2x32x80x125xi32, #tpu.memory_space<hbm>> -> memref<1x1x8x125xi32, #tpu.memory_space<hbm>>
      %dma_wait3A_325 = tpu.memref_squeeze %dma_wait3A_324 : memref<1x1x8x125xi32, #tpu.memory_space<hbm>> -> memref<8x125xi32, #tpu.memory_space<hbm>>
      tpu.wait_dma2 semaphore(%run_scoped3A_294 : memref<!tpu.dma_semaphore, #tpu.memory_space<semaphore_mem>>) src(%dma_wait3A_325 : memref<8x125xi32, #tpu.memory_space<hbm>>) dst(%dma_wait3A_321 : memref<8x125xi32, #tpu.memory_space<vmem>>)
      tpu.yield
    }) : () -> ()
    %run_scoped3A_227 = arith.constant 1 : i32
    %run_scoped3A_228 = arith.constant 0 : i32
    "tpu.region"() ({
      %run_scoped3A_294 = tpu.sem_alloc : memref<!tpu.dma_semaphore, #tpu.memory_space<semaphore_mem>>
      %dma_start3A_295 = arith.constant 0 : i32
      %dma_start3A_296 = arith.constant 0 : i32
      %dma_start3A_297 = tpu.memref_slice %arg9[%run_scoped3A_228, %dma_start3A_295, %dma_start3A_296] : memref<2x8x125xi32, #tpu.memory_space<vmem>> -> memref<1x8x125xi32, #tpu.memory_space<vmem>>
      %dma_start3A_298 = tpu.memref_squeeze %dma_start3A_297 : memref<1x8x125xi32, #tpu.memory_space<vmem>> -> memref<8x125xi32, #tpu.memory_space<vmem>>
      %dma_start3A_299 = arith.constant 0 : i32
      %dma_start3A_300 = arith.constant 0 : i32
      %dma_start3A_301 = tpu.memref_slice %arg3[%run_scoped3A_227, %add3A, %dma_start3A_299, %dma_start3A_300] : memref<2x32x80x125xi32, #tpu.memory_space<hbm>> -> memref<1x1x8x125xi32, #tpu.memory_space<hbm>>
      %dma_start3A_302 = tpu.memref_squeeze %dma_start3A_301 : memref<1x1x8x125xi32, #tpu.memory_space<hbm>> -> memref<8x125xi32, #tpu.memory_space<hbm>>
      %dma_start3A_303 = arith.constant 0 : i32
      %dma_start3A_304 = arith.constant 0 : i32
      %dma_start3A_305 = tpu.memref_slice %arg9[%run_scoped3A_228, %dma_start3A_303, %dma_start3A_304] : memref<2x8x125xi32, #tpu.memory_space<vmem>> -> memref<1x8x125xi32, #tpu.memory_space<vmem>>
      %dma_start3A_306 = tpu.memref_squeeze %dma_start3A_305 : memref<1x8x125xi32, #tpu.memory_space<vmem>> -> memref<8x125xi32, #tpu.memory_space<vmem>>
      %dma_start3A_307 = arith.constant 0 : i32
      %dma_start3A_308 = arith.constant 0 : i32
      %dma_start3A_309 = tpu.memref_slice %arg3[%run_scoped3A_227, %add3A, %dma_start3A_307, %dma_start3A_308] : memref<2x32x80x125xi32, #tpu.memory_space<hbm>> -> memref<1x1x8x125xi32, #tpu.memory_space<hbm>>
      %dma_start3A_310 = tpu.memref_squeeze %dma_start3A_309 : memref<1x1x8x125xi32, #tpu.memory_space<hbm>> -> memref<8x125xi32, #tpu.memory_space<hbm>>
      tpu.enqueue_dma source(%dma_start3A_310 : memref<8x125xi32, #tpu.memory_space<hbm>>) target(%dma_start3A_306 : memref<8x125xi32, #tpu.memory_space<vmem>>) target_semaphore(%run_scoped3A_294 : memref<!tpu.dma_semaphore, #tpu.memory_space<semaphore_mem>>)
      %dma_wait3A = arith.constant 0 : i32
      %dma_wait3A_311 = arith.constant 0 : i32
      %dma_wait3A_312 = tpu.memref_slice %arg9[%run_scoped3A_228, %dma_wait3A, %dma_wait3A_311] : memref<2x8x125xi32, #tpu.memory_space<vmem>> -> memref<1x8x125xi32, #tpu.memory_space<vmem>>
      %dma_wait3A_313 = tpu.memref_squeeze %dma_wait3A_312 : memref<1x8x125xi32, #tpu.memory_space<vmem>> -> memref<8x125xi32, #tpu.memory_space<vmem>>
      %dma_wait3A_314 = arith.constant 0 : i32
      %dma_wait3A_315 = arith.constant 0 : i32
      %dma_wait3A_316 = tpu.memref_slice %arg3[%run_scoped3A_227, %add3A, %dma_wait3A_314, %dma_wait3A_315] : memref<2x32x80x125xi32, #tpu.memory_space<hbm>> -> memref<1x1x8x125xi32, #tpu.memory_space<hbm>>
      %dma_wait3A_317 = tpu.memref_squeeze %dma_wait3A_316 : memref<1x1x8x125xi32, #tpu.memory_space<hbm>> -> memref<8x125xi32, #tpu.memory_space<hbm>>
      %dma_wait3A_318 = arith.constant 0 : i32
      %dma_wait3A_319 = arith.constant 0 : i32
      %dma_wait3A_320 = tpu.memref_slice %arg9[%run_scoped3A_228, %dma_wait3A_318, %dma_wait3A_319] : memref<2x8x125xi32, #tpu.memory_space<vmem>> -> memref<1x8x125xi32, #tpu.memory_space<vmem>>
      %dma_wait3A_321 = tpu.memref_squeeze %dma_wait3A_320 : memref<1x8x125xi32, #tpu.memory_space<vmem>> -> memref<8x125xi32, #tpu.memory_space<vmem>>
      %dma_wait3A_322 = arith.constant 0 : i32
      %dma_wait3A_323 = arith.constant 0 : i32
      %dma_wait3A_324 = tpu.memref_slice %arg3[%run_scoped3A_227, %add3A, %dma_wait3A_322, %dma_wait3A_323] : memref<2x32x80x125xi32, #tpu.memory_space<hbm>> -> memref<1x1x8x125xi32, #tpu.memory_space<hbm>>
      %dma_wait3A_325 = tpu.memref_squeeze %dma_wait3A_324 : memref<1x1x8x125xi32, #tpu.memory_space<hbm>> -> memref<8x125xi32, #tpu.memory_space<hbm>>
      tpu.wait_dma2 semaphore(%run_scoped3A_294 : memref<!tpu.dma_semaphore, #tpu.memory_space<semaphore_mem>>) src(%dma_wait3A_325 : memref<8x125xi32, #tpu.memory_space<hbm>>) dst(%dma_wait3A_321 : memref<8x125xi32, #tpu.memory_space<vmem>>)
      tpu.yield
    }) : () -> ()
    %dma_start3A = arith.constant 0 : i32
    %dma_start3A_229 = arith.constant 1 : i32
    %dma_start3A_230 = arith.constant 0 : i32
    %dma_start3A_231 = arith.constant 0 : i32
    %dma_start3A_232 = tpu.memref_slice %arg8[%dma_start3A_229, %dma_start3A_230, %dma_start3A_231] : memref<2x8x125xi32, #tpu.memory_space<vmem>> -> memref<1x8x125xi32, #tpu.memory_space<vmem>>
    %dma_start3A_233 = tpu.memref_squeeze %dma_start3A_232 : memref<1x8x125xi32, #tpu.memory_space<vmem>> -> memref<8x125xi32, #tpu.memory_space<vmem>>
    %dma_start3A_234 = arith.constant 8 : i32
    %dma_start3A_235 = arith.constant 0 : i32
    %dma_start3A_236 = tpu.memref_slice %arg3[%dma_start3A, %add3A, %dma_start3A_234, %dma_start3A_235] : memref<2x32x80x125xi32, #tpu.memory_space<hbm>> -> memref<1x1x8x125xi32, #tpu.memory_space<hbm>>
    %dma_start3A_237 = tpu.memref_squeeze %dma_start3A_236 : memref<1x1x8x125xi32, #tpu.memory_space<hbm>> -> memref<8x125xi32, #tpu.memory_space<hbm>>
    %dma_start3A_238 = arith.constant 0 : i32
    %dma_start3A_239 = arith.constant 0 : i32
    %dma_start3A_240 = tpu.memref_slice %arg8[%dma_start3A_229, %dma_start3A_238, %dma_start3A_239] : memref<2x8x125xi32, #tpu.memory_space<vmem>> -> memref<1x8x125xi32, #tpu.memory_space<vmem>>
    %dma_start3A_241 = tpu.memref_squeeze %dma_start3A_240 : memref<1x8x125xi32, #tpu.memory_space<vmem>> -> memref<8x125xi32, #tpu.memory_space<vmem>>
    %dma_start3A_242 = arith.constant 8 : i32
    %dma_start3A_243 = arith.constant 0 : i32
    %dma_start3A_244 = tpu.memref_slice %arg3[%dma_start3A, %add3A, %dma_start3A_242, %dma_start3A_243] : memref<2x32x80x125xi32, #tpu.memory_space<hbm>> -> memref<1x1x8x125xi32, #tpu.memory_space<hbm>>
    %dma_start3A_245 = tpu.memref_squeeze %dma_start3A_244 : memref<1x1x8x125xi32, #tpu.memory_space<hbm>> -> memref<8x125xi32, #tpu.memory_space<hbm>>
    tpu.enqueue_dma source(%dma_start3A_245 : memref<8x125xi32, #tpu.memory_space<hbm>>) target(%dma_start3A_241 : memref<8x125xi32, #tpu.memory_space<vmem>>) target_semaphore(%arg18 : memref<!tpu.dma_semaphore, #tpu.memory_space<semaphore_mem>>)
    %dma_start3A_246 = arith.constant 1 : i32
    %dma_start3A_247 = arith.constant 1 : i32
    %dma_start3A_248 = arith.constant 0 : i32
    %dma_start3A_249 = arith.constant 0 : i32
    %dma_start3A_250 = tpu.memref_slice %arg9[%dma_start3A_247, %dma_start3A_248, %dma_start3A_249] : memref<2x8x125xi32, #tpu.memory_space<vmem>> -> memref<1x8x125xi32, #tpu.memory_space<vmem>>
    %dma_start3A_251 = tpu.memref_squeeze %dma_start3A_250 : memref<1x8x125xi32, #tpu.memory_space<vmem>> -> memref<8x125xi32, #tpu.memory_space<vmem>>
    %dma_start3A_252 = arith.constant 8 : i32
    %dma_start3A_253 = arith.constant 0 : i32
    %dma_start3A_254 = tpu.memref_slice %arg3[%dma_start3A_246, %add3A, %dma_start3A_252, %dma_start3A_253] : memref<2x32x80x125xi32, #tpu.memory_space<hbm>> -> memref<1x1x8x125xi32, #tpu.memory_space<hbm>>
    %dma_start3A_255 = tpu.memref_squeeze %dma_start3A_254 : memref<1x1x8x125xi32, #tpu.memory_space<hbm>> -> memref<8x125xi32, #tpu.memory_space<hbm>>
    %dma_start3A_256 = arith.constant 0 : i32
    %dma_start3A_257 = arith.constant 0 : i32
    %dma_start3A_258 = tpu.memref_slice %arg9[%dma_start3A_247, %dma_start3A_256, %dma_start3A_257] : memref<2x8x125xi32, #tpu.memory_space<vmem>> -> memref<1x8x125xi32, #tpu.memory_space<vmem>>
    %dma_start3A_259 = tpu.memref_squeeze %dma_start3A_258 : memref<1x8x125xi32, #tpu.memory_space<vmem>> -> memref<8x125xi32, #tpu.memory_space<vmem>>
    %dma_start3A_260 = arith.constant 8 : i32
    %dma_start3A_261 = arith.constant 0 : i32
    %dma_start3A_262 = tpu.memref_slice %arg3[%dma_start3A_246, %add3A, %dma_start3A_260, %dma_start3A_261] : memref<2x32x80x125xi32, #tpu.memory_space<hbm>> -> memref<1x1x8x125xi32, #tpu.memory_space<hbm>>
    %dma_start3A_263 = tpu.memref_squeeze %dma_start3A_262 : memref<1x1x8x125xi32, #tpu.memory_space<hbm>> -> memref<8x125xi32, #tpu.memory_space<hbm>>
    tpu.enqueue_dma source(%dma_start3A_263 : memref<8x125xi32, #tpu.memory_space<hbm>>) target(%dma_start3A_259 : memref<8x125xi32, #tpu.memory_space<vmem>>) target_semaphore(%arg18 : memref<!tpu.dma_semaphore, #tpu.memory_space<semaphore_mem>>)
    %barrier3A = arith.constant 0 : index
    tpu.barrier barrier_id(%barrier3A)
    %dma_start3A_264 = arith.constant 0 : i32
    %dma_start3A_265 = arith.constant 0 : i32
    %dma_start3A_266 = arith.constant 0 : i32
    %dma_start3A_267 = tpu.memref_slice %arg8[%dma_start3A_264, %dma_start3A_265, %dma_start3A_266] : memref<2x8x125xi32, #tpu.memory_space<vmem>> -> memref<1x1x125xi32, #tpu.memory_space<vmem>>
    %dma_start3A_268 = tpu.memref_squeeze %dma_start3A_267 : memref<1x1x125xi32, #tpu.memory_space<vmem>> -> memref<125xi32, #tpu.memory_space<vmem>>
    %dma_start3A_269 = arith.constant 0 : i32
    %dma_start3A_270 = arith.constant 0 : i32
    %dma_start3A_271 = tpu.memref_slice %arg2[%dma_start3A_269, %dma_start3A_270] : memref<10000x128xf32, #tpu.memory_space<hbm>> -> memref<10000x128xf32, #tpu.memory_space<hbm>>
    tpu.enqueue_indirect_dma source(%dma_start3A_271 : memref<10000x128xf32, #tpu.memory_space<hbm>>) target(%arg10 : memref<125x128xf32, #tpu.memory_space<vmem>>) offsets(%dma_start3A_268 : memref<125xi32, #tpu.memory_space<vmem>>) semaphore(%arg16 : memref<!tpu.dma_semaphore, #tpu.memory_space<semaphore_mem>>)
    %dma_start3A_272 = arith.constant 0 : i32
    %dma_start3A_273 = arith.constant 1 : i32
    %dma_start3A_274 = arith.constant 0 : i32
    %dma_start3A_275 = tpu.memref_slice %arg8[%dma_start3A_272, %dma_start3A_273, %dma_start3A_274] : memref<2x8x125xi32, #tpu.memory_space<vmem>> -> memref<1x1x125xi32, #tpu.memory_space<vmem>>
    %dma_start3A_276 = tpu.memref_squeeze %dma_start3A_275 : memref<1x1x125xi32, #tpu.memory_space<vmem>> -> memref<125xi32, #tpu.memory_space<vmem>>
    %dma_start3A_277 = arith.constant 0 : i32
    %dma_start3A_278 = arith.constant 0 : i32
    %dma_start3A_279 = tpu.memref_slice %arg2[%dma_start3A_277, %dma_start3A_278] : memref<10000x128xf32, #tpu.memory_space<hbm>> -> memref<10000x128xf32, #tpu.memory_space<hbm>>
    tpu.enqueue_indirect_dma source(%dma_start3A_279 : memref<10000x128xf32, #tpu.memory_space<hbm>>) target(%arg11 : memref<125x128xf32, #tpu.memory_space<vmem>>) offsets(%dma_start3A_276 : memref<125xi32, #tpu.memory_space<vmem>>) semaphore(%arg17 : memref<!tpu.dma_semaphore, #tpu.memory_space<semaphore_mem>>)
    %scan3A_280 = arith.constant 0 : i32
    %scan3A_281 = arith.constant 0 : i32
    %scan3A_282 = arith.constant 5 : i32
    %scan3A_283 = arith.addi %scan3A_281, %scan3A_282 : i32
    %scan3A_284 = arith.constant 1 : i32
    scf.for %scan3A_294 = %scan3A_281 to %scan3A_283 step %scan3A_284  : i32 {
      %lt3A = arith.constant 4 : i32
      %lt3A_295 = arith.cmpi slt, %scan3A_294, %lt3A : i32
      %dma_wait3A = arith.constant 0 : i32
      %dma_wait3A_296 = arith.constant 0 : i32
      %dma_wait3A_297 = arith.constant 0 : i32
      %dma_wait3A_298 = tpu.memref_slice %arg8[%dma_wait3A, %dma_wait3A_296, %dma_wait3A_297] : memref<2x8x125xi32, #tpu.memory_space<vmem>> -> memref<1x1x125xi32, #tpu.memory_space<vmem>>
      %dma_wait3A_299 = tpu.memref_squeeze %dma_wait3A_298 : memref<1x1x125xi32, #tpu.memory_space<vmem>> -> memref<125xi32, #tpu.memory_space<vmem>>
      %dma_wait3A_300 = arith.constant 0 : i32
      %dma_wait3A_301 = arith.constant 0 : i32
      %dma_wait3A_302 = tpu.memref_slice %arg2[%dma_wait3A_300, %dma_wait3A_301] : memref<10000x128xf32, #tpu.memory_space<hbm>> -> memref<10000x128xf32, #tpu.memory_space<hbm>>
      tpu.wait_indirect_dma semaphore(%arg16 : memref<!tpu.dma_semaphore, #tpu.memory_space<semaphore_mem>>) src(%dma_wait3A_302 : memref<10000x128xf32, #tpu.memory_space<hbm>>) dst(%arg10 : memref<125x128xf32, #tpu.memory_space<vmem>>)
      %run_scoped3A_303 = arith.constant 0 : i32
      %run_scoped3A_304 = arith.constant 0 : i32
      "tpu.region"() ({
        %run_scoped3A_906 = tpu.sem_alloc : memref<!tpu.dma_semaphore, #tpu.memory_space<semaphore_mem>>
        %dma_start3A_907 = arith.constant 0 : i32
        %dma_start3A_908 = tpu.memref_slice %arg9[%run_scoped3A_303, %run_scoped3A_304, %dma_start3A_907] : memref<2x8x125xi32, #tpu.memory_space<vmem>> -> memref<1x1x125xi32, #tpu.memory_space<vmem>>
        %dma_start3A_909 = tpu.memref_squeeze %dma_start3A_908 : memref<1x1x125xi32, #tpu.memory_space<vmem>> -> memref<125xi32, #tpu.memory_space<vmem>>
        %dma_start3A_910 = arith.constant 0 : i32
        %dma_start3A_911 = arith.constant 0 : i32
        %dma_start3A_912 = tpu.memref_slice %arg14[%dma_start3A_910, %dma_start3A_911] : memref<10240x128xf32, #tpu.memory_space<vmem_shared>> -> memref<10240x128xf32, #tpu.memory_space<vmem_shared>>
        tpu.enqueue_indirect_dma source(%arg10 : memref<125x128xf32, #tpu.memory_space<vmem>>) target(%dma_start3A_912 : memref<10240x128xf32, #tpu.memory_space<vmem_shared>>) offsets(%dma_start3A_909 : memref<125xi32, #tpu.memory_space<vmem>>) semaphore(%run_scoped3A_906 : memref<!tpu.dma_semaphore, #tpu.memory_space<semaphore_mem>>) {add = true}
        %dma_wait3A_913 = arith.constant 0 : i32
        %dma_wait3A_914 = tpu.memref_slice %arg9[%run_scoped3A_303, %run_scoped3A_304, %dma_wait3A_913] : memref<2x8x125xi32, #tpu.memory_space<vmem>> -> memref<1x1x125xi32, #tpu.memory_space<vmem>>
        %dma_wait3A_915 = tpu.memref_squeeze %dma_wait3A_914 : memref<1x1x125xi32, #tpu.memory_space<vmem>> -> memref<125xi32, #tpu.memory_space<vmem>>
        %dma_wait3A_916 = arith.constant 0 : i32
        %dma_wait3A_917 = arith.constant 0 : i32
        %dma_wait3A_918 = tpu.memref_slice %arg14[%dma_wait3A_916, %dma_wait3A_917] : memref<10240x128xf32, #tpu.memory_space<vmem_shared>> -> memref<10240x128xf32, #tpu.memory_space<vmem_shared>>
        tpu.wait_indirect_dma semaphore(%run_scoped3A_906 : memref<!tpu.dma_semaphore, #tpu.memory_space<semaphore_mem>>) src(%arg10 : memref<125x128xf32, #tpu.memory_space<vmem>>) dst(%dma_wait3A_918 : memref<10240x128xf32, #tpu.memory_space<vmem_shared>>)
        tpu.yield
      }) : () -> ()
      %dma_start3A_305 = arith.constant 0 : i32
      %dma_start3A_306 = arith.constant 0 : i32
      %dma_start3A_307 = arith.constant 0 : i32
      %dma_start3A_308 = tpu.memref_slice %arg12[%dma_start3A_307] : memref<128xf32, #tpu.memory_space<vmem>> -> memref<125xf32, #tpu.memory_space<vmem>>
      %dma_start3A_309 = arith.constant 0 : i32
      %dma_start3A_310 = tpu.memref_slice %arg9[%dma_start3A_305, %dma_start3A_306, %dma_start3A_309] : memref<2x8x125xi32, #tpu.memory_space<vmem>> -> memref<1x1x125xi32, #tpu.memory_space<vmem>>
      %dma_start3A_311 = tpu.memref_squeeze %dma_start3A_310 : memref<1x1x125xi32, #tpu.memory_space<vmem>> -> memref<125xi32, #tpu.memory_space<vmem>>
      %dma_start3A_312 = arith.constant 0 : i32
      %dma_start3A_313 = tpu.memref_slice %arg15[%dma_start3A_312] : memref<10240xf32, #tpu.memory_space<vmem_shared>> -> memref<10240xf32, #tpu.memory_space<vmem_shared>>
      tpu.enqueue_indirect_dma source(%dma_start3A_308 : memref<125xf32, #tpu.memory_space<vmem>>) target(%dma_start3A_313 : memref<10240xf32, #tpu.memory_space<vmem_shared>>) offsets(%dma_start3A_311 : memref<125xi32, #tpu.memory_space<vmem>>) semaphore(%arg19 : memref<!tpu.dma_semaphore, #tpu.memory_space<semaphore_mem>>) {add = true}
      %dma_start3A_314 = arith.constant 0 : i32
      %dma_start3A_315 = arith.constant 2 : i32
      %dma_start3A_316 = arith.constant 0 : i32
      %dma_start3A_317 = tpu.memref_slice %arg8[%dma_start3A_314, %dma_start3A_315, %dma_start3A_316] : memref<2x8x125xi32, #tpu.memory_space<vmem>> -> memref<1x1x125xi32, #tpu.memory_space<vmem>>
      %dma_start3A_318 = tpu.memref_squeeze %dma_start3A_317 : memref<1x1x125xi32, #tpu.memory_space<vmem>> -> memref<125xi32, #tpu.memory_space<vmem>>
      %dma_start3A_319 = arith.constant 0 : i32
      %dma_start3A_320 = arith.constant 0 : i32
      %dma_start3A_321 = tpu.memref_slice %arg2[%dma_start3A_319, %dma_start3A_320] : memref<10000x128xf32, #tpu.memory_space<hbm>> -> memref<10000x128xf32, #tpu.memory_space<hbm>>
      tpu.enqueue_indirect_dma source(%dma_start3A_321 : memref<10000x128xf32, #tpu.memory_space<hbm>>) target(%arg10 : memref<125x128xf32, #tpu.memory_space<vmem>>) offsets(%dma_start3A_318 : memref<125xi32, #tpu.memory_space<vmem>>) semaphore(%arg16 : memref<!tpu.dma_semaphore, #tpu.memory_space<semaphore_mem>>)
      %dma_wait3A_322 = arith.constant 0 : i32
      %dma_wait3A_323 = arith.constant 0 : i32
      %dma_wait3A_324 = arith.constant 0 : i32
      %dma_wait3A_325 = tpu.memref_slice %arg8[%dma_wait3A_322, %dma_wait3A_323, %dma_wait3A_324] : memref<2x8x125xi32, #tpu.memory_space<vmem>> -> memref<1x1x125xi32, #tpu.memory_space<vmem>>
      %dma_wait3A_326 = tpu.memref_squeeze %dma_wait3A_325 : memref<1x1x125xi32, #tpu.memory_space<vmem>> -> memref<125xi32, #tpu.memory_space<vmem>>
      %dma_wait3A_327 = arith.constant 0 : i32
      %dma_wait3A_328 = arith.constant 0 : i32
      %dma_wait3A_329 = tpu.memref_slice %arg2[%dma_wait3A_327, %dma_wait3A_328] : memref<10000x128xf32, #tpu.memory_space<hbm>> -> memref<10000x128xf32, #tpu.memory_space<hbm>>
      tpu.wait_indirect_dma semaphore(%arg17 : memref<!tpu.dma_semaphore, #tpu.memory_space<semaphore_mem>>) src(%dma_wait3A_329 : memref<10000x128xf32, #tpu.memory_space<hbm>>) dst(%arg11 : memref<125x128xf32, #tpu.memory_space<vmem>>)
      %run_scoped3A_330 = arith.constant 0 : i32
      %run_scoped3A_331 = arith.constant 1 : i32
      "tpu.region"() ({
        %run_scoped3A_906 = tpu.sem_alloc : memref<!tpu.dma_semaphore, #tpu.memory_space<semaphore_mem>>
        %dma_start3A_907 = arith.constant 0 : i32
        %dma_start3A_908 = tpu.memref_slice %arg9[%run_scoped3A_330, %run_scoped3A_331, %dma_start3A_907] : memref<2x8x125xi32, #tpu.memory_space<vmem>> -> memref<1x1x125xi32, #tpu.memory_space<vmem>>
        %dma_start3A_909 = tpu.memref_squeeze %dma_start3A_908 : memref<1x1x125xi32, #tpu.memory_space<vmem>> -> memref<125xi32, #tpu.memory_space<vmem>>
        %dma_start3A_910 = arith.constant 0 : i32
        %dma_start3A_911 = arith.constant 0 : i32
        %dma_start3A_912 = tpu.memref_slice %arg14[%dma_start3A_910, %dma_start3A_911] : memref<10240x128xf32, #tpu.memory_space<vmem_shared>> -> memref<10240x128xf32, #tpu.memory_space<vmem_shared>>
        tpu.enqueue_indirect_dma source(%arg11 : memref<125x128xf32, #tpu.memory_space<vmem>>) target(%dma_start3A_912 : memref<10240x128xf32, #tpu.memory_space<vmem_shared>>) offsets(%dma_start3A_909 : memref<125xi32, #tpu.memory_space<vmem>>) semaphore(%run_scoped3A_906 : memref<!tpu.dma_semaphore, #tpu.memory_space<semaphore_mem>>) {add = true}
        %dma_wait3A_913 = arith.constant 0 : i32
        %dma_wait3A_914 = tpu.memref_slice %arg9[%run_scoped3A_330, %run_scoped3A_331, %dma_wait3A_913] : memref<2x8x125xi32, #tpu.memory_space<vmem>> -> memref<1x1x125xi32, #tpu.memory_space<vmem>>
        %dma_wait3A_915 = tpu.memref_squeeze %dma_wait3A_914 : memref<1x1x125xi32, #tpu.memory_space<vmem>> -> memref<125xi32, #tpu.memory_space<vmem>>
        %dma_wait3A_916 = arith.constant 0 : i32
        %dma_wait3A_917 = arith.constant 0 : i32
        %dma_wait3A_918 = tpu.memref_slice %arg14[%dma_wait3A_916, %dma_wait3A_917] : memref<10240x128xf32, #tpu.memory_space<vmem_shared>> -> memref<10240x128xf32, #tpu.memory_space<vmem_shared>>
        tpu.wait_indirect_dma semaphore(%run_scoped3A_906 : memref<!tpu.dma_semaphore, #tpu.memory_space<semaphore_mem>>) src(%arg11 : memref<125x128xf32, #tpu.memory_space<vmem>>) dst(%dma_wait3A_918 : memref<10240x128xf32, #tpu.memory_space<vmem_shared>>)
        tpu.yield
      }) : () -> ()
      %dma_start3A_332 = arith.constant 0 : i32
      %dma_start3A_333 = arith.constant 1 : i32
      %dma_start3A_334 = arith.constant 0 : i32
      %dma_start3A_335 = tpu.memref_slice %arg12[%dma_start3A_334] : memref<128xf32, #tpu.memory_space<vmem>> -> memref<125xf32, #tpu.memory_space<vmem>>
      %dma_start3A_336 = arith.constant 0 : i32
      %dma_start3A_337 = tpu.memref_slice %arg9[%dma_start3A_332, %dma_start3A_333, %dma_start3A_336] : memref<2x8x125xi32, #tpu.memory_space<vmem>> -> memref<1x1x125xi32, #tpu.memory_space<vmem>>
      %dma_start3A_338 = tpu.memref_squeeze %dma_start3A_337 : memref<1x1x125xi32, #tpu.memory_space<vmem>> -> memref<125xi32, #tpu.memory_space<vmem>>
      %dma_start3A_339 = arith.constant 0 : i32
      %dma_start3A_340 = tpu.memref_slice %arg15[%dma_start3A_339] : memref<10240xf32, #tpu.memory_space<vmem_shared>> -> memref<10240xf32, #tpu.memory_space<vmem_shared>>
      tpu.enqueue_indirect_dma source(%dma_start3A_335 : memref<125xf32, #tpu.memory_space<vmem>>) target(%dma_start3A_340 : memref<10240xf32, #tpu.memory_space<vmem_shared>>) offsets(%dma_start3A_338 : memref<125xi32, #tpu.memory_space<vmem>>) semaphore(%arg19 : memref<!tpu.dma_semaphore, #tpu.memory_space<semaphore_mem>>) {add = true}
      %dma_start3A_341 = arith.constant 0 : i32
      %dma_start3A_342 = arith.constant 3 : i32
      %dma_start3A_343 = arith.constant 0 : i32
      %dma_start3A_344 = tpu.memref_slice %arg8[%dma_start3A_341, %dma_start3A_342, %dma_start3A_343] : memref<2x8x125xi32, #tpu.memory_space<vmem>> -> memref<1x1x125xi32, #tpu.memory_space<vmem>>
      %dma_start3A_345 = tpu.memref_squeeze %dma_start3A_344 : memref<1x1x125xi32, #tpu.memory_space<vmem>> -> memref<125xi32, #tpu.memory_space<vmem>>
      %dma_start3A_346 = arith.constant 0 : i32
      %dma_start3A_347 = arith.constant 0 : i32
      %dma_start3A_348 = tpu.memref_slice %arg2[%dma_start3A_346, %dma_start3A_347] : memref<10000x128xf32, #tpu.memory_space<hbm>> -> memref<10000x128xf32, #tpu.memory_space<hbm>>
      tpu.enqueue_indirect_dma source(%dma_start3A_348 : memref<10000x128xf32, #tpu.memory_space<hbm>>) target(%arg11 : memref<125x128xf32, #tpu.memory_space<vmem>>) offsets(%dma_start3A_345 : memref<125xi32, #tpu.memory_space<vmem>>) semaphore(%arg17 : memref<!tpu.dma_semaphore, #tpu.memory_space<semaphore_mem>>)
      %dma_wait3A_349 = arith.constant 0 : i32
      %dma_wait3A_350 = arith.constant 0 : i32
      %dma_wait3A_351 = arith.constant 0 : i32
      %dma_wait3A_352 = tpu.memref_slice %arg8[%dma_wait3A_349, %dma_wait3A_350, %dma_wait3A_351] : memref<2x8x125xi32, #tpu.memory_space<vmem>> -> memref<1x1x125xi32, #tpu.memory_space<vmem>>
      %dma_wait3A_353 = tpu.memref_squeeze %dma_wait3A_352 : memref<1x1x125xi32, #tpu.memory_space<vmem>> -> memref<125xi32, #tpu.memory_space<vmem>>
      %dma_wait3A_354 = arith.constant 0 : i32
      %dma_wait3A_355 = arith.constant 0 : i32
      %dma_wait3A_356 = tpu.memref_slice %arg2[%dma_wait3A_354, %dma_wait3A_355] : memref<10000x128xf32, #tpu.memory_space<hbm>> -> memref<10000x128xf32, #tpu.memory_space<hbm>>
      tpu.wait_indirect_dma semaphore(%arg16 : memref<!tpu.dma_semaphore, #tpu.memory_space<semaphore_mem>>) src(%dma_wait3A_356 : memref<10000x128xf32, #tpu.memory_space<hbm>>) dst(%arg10 : memref<125x128xf32, #tpu.memory_space<vmem>>)
      %run_scoped3A_357 = arith.constant 0 : i32
      %run_scoped3A_358 = arith.constant 2 : i32
      "tpu.region"() ({
        %run_scoped3A_906 = tpu.sem_alloc : memref<!tpu.dma_semaphore, #tpu.memory_space<semaphore_mem>>
        %dma_start3A_907 = arith.constant 0 : i32
        %dma_start3A_908 = tpu.memref_slice %arg9[%run_scoped3A_357, %run_scoped3A_358, %dma_start3A_907] : memref<2x8x125xi32, #tpu.memory_space<vmem>> -> memref<1x1x125xi32, #tpu.memory_space<vmem>>
        %dma_start3A_909 = tpu.memref_squeeze %dma_start3A_908 : memref<1x1x125xi32, #tpu.memory_space<vmem>> -> memref<125xi32, #tpu.memory_space<vmem>>
        %dma_start3A_910 = arith.constant 0 : i32
        %dma_start3A_911 = arith.constant 0 : i32
        %dma_start3A_912 = tpu.memref_slice %arg14[%dma_start3A_910, %dma_start3A_911] : memref<10240x128xf32, #tpu.memory_space<vmem_shared>> -> memref<10240x128xf32, #tpu.memory_space<vmem_shared>>
        tpu.enqueue_indirect_dma source(%arg10 : memref<125x128xf32, #tpu.memory_space<vmem>>) target(%dma_start3A_912 : memref<10240x128xf32, #tpu.memory_space<vmem_shared>>) offsets(%dma_start3A_909 : memref<125xi32, #tpu.memory_space<vmem>>) semaphore(%run_scoped3A_906 : memref<!tpu.dma_semaphore, #tpu.memory_space<semaphore_mem>>) {add = true}
        %dma_wait3A_913 = arith.constant 0 : i32
        %dma_wait3A_914 = tpu.memref_slice %arg9[%run_scoped3A_357, %run_scoped3A_358, %dma_wait3A_913] : memref<2x8x125xi32, #tpu.memory_space<vmem>> -> memref<1x1x125xi32, #tpu.memory_space<vmem>>
        %dma_wait3A_915 = tpu.memref_squeeze %dma_wait3A_914 : memref<1x1x125xi32, #tpu.memory_space<vmem>> -> memref<125xi32, #tpu.memory_space<vmem>>
        %dma_wait3A_916 = arith.constant 0 : i32
        %dma_wait3A_917 = arith.constant 0 : i32
        %dma_wait3A_918 = tpu.memref_slice %arg14[%dma_wait3A_916, %dma_wait3A_917] : memref<10240x128xf32, #tpu.memory_space<vmem_shared>> -> memref<10240x128xf32, #tpu.memory_space<vmem_shared>>
        tpu.wait_indirect_dma semaphore(%run_scoped3A_906 : memref<!tpu.dma_semaphore, #tpu.memory_space<semaphore_mem>>) src(%arg10 : memref<125x128xf32, #tpu.memory_space<vmem>>) dst(%dma_wait3A_918 : memref<10240x128xf32, #tpu.memory_space<vmem_shared>>)
        tpu.yield
      }) : () -> ()
      %dma_start3A_359 = arith.constant 0 : i32
      %dma_start3A_360 = arith.constant 2 : i32
      %dma_start3A_361 = arith.constant 0 : i32
      %dma_start3A_362 = tpu.memref_slice %arg12[%dma_start3A_361] : memref<128xf32, #tpu.memory_space<vmem>> -> memref<125xf32, #tpu.memory_space<vmem>>
      %dma_start3A_363 = arith.constant 0 : i32
      %dma_start3A_364 = tpu.memref_slice %arg9[%dma_start3A_359, %dma_start3A_360, %dma_start3A_363] : memref<2x8x125xi32, #tpu.memory_space<vmem>> -> memref<1x1x125xi32, #tpu.memory_space<vmem>>
      %dma_start3A_365 = tpu.memref_squeeze %dma_start3A_364 : memref<1x1x125xi32, #tpu.memory_space<vmem>> -> memref<125xi32, #tpu.memory_space<vmem>>
      %dma_start3A_366 = arith.constant 0 : i32
      %dma_start3A_367 = tpu.memref_slice %arg15[%dma_start3A_366] : memref<10240xf32, #tpu.memory_space<vmem_shared>> -> memref<10240xf32, #tpu.memory_space<vmem_shared>>
      tpu.enqueue_indirect_dma source(%dma_start3A_362 : memref<125xf32, #tpu.memory_space<vmem>>) target(%dma_start3A_367 : memref<10240xf32, #tpu.memory_space<vmem_shared>>) offsets(%dma_start3A_365 : memref<125xi32, #tpu.memory_space<vmem>>) semaphore(%arg19 : memref<!tpu.dma_semaphore, #tpu.memory_space<semaphore_mem>>) {add = true}
      %dma_start3A_368 = arith.constant 0 : i32
      %dma_start3A_369 = arith.constant 4 : i32
      %dma_start3A_370 = arith.constant 0 : i32
      %dma_start3A_371 = tpu.memref_slice %arg8[%dma_start3A_368, %dma_start3A_369, %dma_start3A_370] : memref<2x8x125xi32, #tpu.memory_space<vmem>> -> memref<1x1x125xi32, #tpu.memory_space<vmem>>
      %dma_start3A_372 = tpu.memref_squeeze %dma_start3A_371 : memref<1x1x125xi32, #tpu.memory_space<vmem>> -> memref<125xi32, #tpu.memory_space<vmem>>
      %dma_start3A_373 = arith.constant 0 : i32
      %dma_start3A_374 = arith.constant 0 : i32
      %dma_start3A_375 = tpu.memref_slice %arg2[%dma_start3A_373, %dma_start3A_374] : memref<10000x128xf32, #tpu.memory_space<hbm>> -> memref<10000x128xf32, #tpu.memory_space<hbm>>
      tpu.enqueue_indirect_dma source(%dma_start3A_375 : memref<10000x128xf32, #tpu.memory_space<hbm>>) target(%arg10 : memref<125x128xf32, #tpu.memory_space<vmem>>) offsets(%dma_start3A_372 : memref<125xi32, #tpu.memory_space<vmem>>) semaphore(%arg16 : memref<!tpu.dma_semaphore, #tpu.memory_space<semaphore_mem>>)
      %dma_wait3A_376 = arith.constant 0 : i32
      %dma_wait3A_377 = arith.constant 0 : i32
      %dma_wait3A_378 = arith.constant 0 : i32
      %dma_wait3A_379 = tpu.memref_slice %arg8[%dma_wait3A_376, %dma_wait3A_377, %dma_wait3A_378] : memref<2x8x125xi32, #tpu.memory_space<vmem>> -> memref<1x1x125xi32, #tpu.memory_space<vmem>>
      %dma_wait3A_380 = tpu.memref_squeeze %dma_wait3A_379 : memref<1x1x125xi32, #tpu.memory_space<vmem>> -> memref<125xi32, #tpu.memory_space<vmem>>
      %dma_wait3A_381 = arith.constant 0 : i32
      %dma_wait3A_382 = arith.constant 0 : i32
      %dma_wait3A_383 = tpu.memref_slice %arg2[%dma_wait3A_381, %dma_wait3A_382] : memref<10000x128xf32, #tpu.memory_space<hbm>> -> memref<10000x128xf32, #tpu.memory_space<hbm>>
      tpu.wait_indirect_dma semaphore(%arg17 : memref<!tpu.dma_semaphore, #tpu.memory_space<semaphore_mem>>) src(%dma_wait3A_383 : memref<10000x128xf32, #tpu.memory_space<hbm>>) dst(%arg11 : memref<125x128xf32, #tpu.memory_space<vmem>>)
      %run_scoped3A_384 = arith.constant 0 : i32
      %run_scoped3A_385 = arith.constant 3 : i32
      "tpu.region"() ({
        %run_scoped3A_906 = tpu.sem_alloc : memref<!tpu.dma_semaphore, #tpu.memory_space<semaphore_mem>>
        %dma_start3A_907 = arith.constant 0 : i32
        %dma_start3A_908 = tpu.memref_slice %arg9[%run_scoped3A_384, %run_scoped3A_385, %dma_start3A_907] : memref<2x8x125xi32, #tpu.memory_space<vmem>> -> memref<1x1x125xi32, #tpu.memory_space<vmem>>
        %dma_start3A_909 = tpu.memref_squeeze %dma_start3A_908 : memref<1x1x125xi32, #tpu.memory_space<vmem>> -> memref<125xi32, #tpu.memory_space<vmem>>
        %dma_start3A_910 = arith.constant 0 : i32
        %dma_start3A_911 = arith.constant 0 : i32
        %dma_start3A_912 = tpu.memref_slice %arg14[%dma_start3A_910, %dma_start3A_911] : memref<10240x128xf32, #tpu.memory_space<vmem_shared>> -> memref<10240x128xf32, #tpu.memory_space<vmem_shared>>
        tpu.enqueue_indirect_dma source(%arg11 : memref<125x128xf32, #tpu.memory_space<vmem>>) target(%dma_start3A_912 : memref<10240x128xf32, #tpu.memory_space<vmem_shared>>) offsets(%dma_start3A_909 : memref<125xi32, #tpu.memory_space<vmem>>) semaphore(%run_scoped3A_906 : memref<!tpu.dma_semaphore, #tpu.memory_space<semaphore_mem>>) {add = true}
        %dma_wait3A_913 = arith.constant 0 : i32
        %dma_wait3A_914 = tpu.memref_slice %arg9[%run_scoped3A_384, %run_scoped3A_385, %dma_wait3A_913] : memref<2x8x125xi32, #tpu.memory_space<vmem>> -> memref<1x1x125xi32, #tpu.memory_space<vmem>>
        %dma_wait3A_915 = tpu.memref_squeeze %dma_wait3A_914 : memref<1x1x125xi32, #tpu.memory_space<vmem>> -> memref<125xi32, #tpu.memory_space<vmem>>
        %dma_wait3A_916 = arith.constant 0 : i32
        %dma_wait3A_917 = arith.constant 0 : i32
        %dma_wait3A_918 = tpu.memref_slice %arg14[%dma_wait3A_916, %dma_wait3A_917] : memref<10240x128xf32, #tpu.memory_space<vmem_shared>> -> memref<10240x128xf32, #tpu.memory_space<vmem_shared>>
        tpu.wait_indirect_dma semaphore(%run_scoped3A_906 : memref<!tpu.dma_semaphore, #tpu.memory_space<semaphore_mem>>) src(%arg11 : memref<125x128xf32, #tpu.memory_space<vmem>>) dst(%dma_wait3A_918 : memref<10240x128xf32, #tpu.memory_space<vmem_shared>>)
        tpu.yield
      }) : () -> ()
      %dma_start3A_386 = arith.constant 0 : i32
      %dma_start3A_387 = arith.constant 3 : i32
      %dma_start3A_388 = arith.constant 0 : i32
      %dma_start3A_389 = tpu.memref_slice %arg12[%dma_start3A_388] : memref<128xf32, #tpu.memory_space<vmem>> -> memref<125xf32, #tpu.memory_space<vmem>>
      %dma_start3A_390 = arith.constant 0 : i32
      %dma_start3A_391 = tpu.memref_slice %arg9[%dma_start3A_386, %dma_start3A_387, %dma_start3A_390] : memref<2x8x125xi32, #tpu.memory_space<vmem>> -> memref<1x1x125xi32, #tpu.memory_space<vmem>>
      %dma_start3A_392 = tpu.memref_squeeze %dma_start3A_391 : memref<1x1x125xi32, #tpu.memory_space<vmem>> -> memref<125xi32, #tpu.memory_space<vmem>>
      %dma_start3A_393 = arith.constant 0 : i32
      %dma_start3A_394 = tpu.memref_slice %arg15[%dma_start3A_393] : memref<10240xf32, #tpu.memory_space<vmem_shared>> -> memref<10240xf32, #tpu.memory_space<vmem_shared>>
      tpu.enqueue_indirect_dma source(%dma_start3A_389 : memref<125xf32, #tpu.memory_space<vmem>>) target(%dma_start3A_394 : memref<10240xf32, #tpu.memory_space<vmem_shared>>) offsets(%dma_start3A_392 : memref<125xi32, #tpu.memory_space<vmem>>) semaphore(%arg19 : memref<!tpu.dma_semaphore, #tpu.memory_space<semaphore_mem>>) {add = true}
      %dma_start3A_395 = arith.constant 0 : i32
      %dma_start3A_396 = arith.constant 5 : i32
      %dma_start3A_397 = arith.constant 0 : i32
      %dma_start3A_398 = tpu.memref_slice %arg8[%dma_start3A_395, %dma_start3A_396, %dma_start3A_397] : memref<2x8x125xi32, #tpu.memory_space<vmem>> -> memref<1x1x125xi32, #tpu.memory_space<vmem>>
      %dma_start3A_399 = tpu.memref_squeeze %dma_start3A_398 : memref<1x1x125xi32, #tpu.memory_space<vmem>> -> memref<125xi32, #tpu.memory_space<vmem>>
      %dma_start3A_400 = arith.constant 0 : i32
      %dma_start3A_401 = arith.constant 0 : i32
      %dma_start3A_402 = tpu.memref_slice %arg2[%dma_start3A_400, %dma_start3A_401] : memref<10000x128xf32, #tpu.memory_space<hbm>> -> memref<10000x128xf32, #tpu.memory_space<hbm>>
      tpu.enqueue_indirect_dma source(%dma_start3A_402 : memref<10000x128xf32, #tpu.memory_space<hbm>>) target(%arg11 : memref<125x128xf32, #tpu.memory_space<vmem>>) offsets(%dma_start3A_399 : memref<125xi32, #tpu.memory_space<vmem>>) semaphore(%arg17 : memref<!tpu.dma_semaphore, #tpu.memory_space<semaphore_mem>>)
      %dma_wait3A_403 = arith.constant 0 : i32
      %dma_wait3A_404 = arith.constant 0 : i32
      %dma_wait3A_405 = arith.constant 0 : i32
      %dma_wait3A_406 = tpu.memref_slice %arg8[%dma_wait3A_403, %dma_wait3A_404, %dma_wait3A_405] : memref<2x8x125xi32, #tpu.memory_space<vmem>> -> memref<1x1x125xi32, #tpu.memory_space<vmem>>
      %dma_wait3A_407 = tpu.memref_squeeze %dma_wait3A_406 : memref<1x1x125xi32, #tpu.memory_space<vmem>> -> memref<125xi32, #tpu.memory_space<vmem>>
      %dma_wait3A_408 = arith.constant 0 : i32
      %dma_wait3A_409 = arith.constant 0 : i32
      %dma_wait3A_410 = tpu.memref_slice %arg2[%dma_wait3A_408, %dma_wait3A_409] : memref<10000x128xf32, #tpu.memory_space<hbm>> -> memref<10000x128xf32, #tpu.memory_space<hbm>>
      tpu.wait_indirect_dma semaphore(%arg16 : memref<!tpu.dma_semaphore, #tpu.memory_space<semaphore_mem>>) src(%dma_wait3A_410 : memref<10000x128xf32, #tpu.memory_space<hbm>>) dst(%arg10 : memref<125x128xf32, #tpu.memory_space<vmem>>)
      %run_scoped3A_411 = arith.constant 0 : i32
      %run_scoped3A_412 = arith.constant 4 : i32
      "tpu.region"() ({
        %run_scoped3A_906 = tpu.sem_alloc : memref<!tpu.dma_semaphore, #tpu.memory_space<semaphore_mem>>
        %dma_start3A_907 = arith.constant 0 : i32
        %dma_start3A_908 = tpu.memref_slice %arg9[%run_scoped3A_411, %run_scoped3A_412, %dma_start3A_907] : memref<2x8x125xi32, #tpu.memory_space<vmem>> -> memref<1x1x125xi32, #tpu.memory_space<vmem>>
        %dma_start3A_909 = tpu.memref_squeeze %dma_start3A_908 : memref<1x1x125xi32, #tpu.memory_space<vmem>> -> memref<125xi32, #tpu.memory_space<vmem>>
        %dma_start3A_910 = arith.constant 0 : i32
        %dma_start3A_911 = arith.constant 0 : i32
        %dma_start3A_912 = tpu.memref_slice %arg14[%dma_start3A_910, %dma_start3A_911] : memref<10240x128xf32, #tpu.memory_space<vmem_shared>> -> memref<10240x128xf32, #tpu.memory_space<vmem_shared>>
        tpu.enqueue_indirect_dma source(%arg10 : memref<125x128xf32, #tpu.memory_space<vmem>>) target(%dma_start3A_912 : memref<10240x128xf32, #tpu.memory_space<vmem_shared>>) offsets(%dma_start3A_909 : memref<125xi32, #tpu.memory_space<vmem>>) semaphore(%run_scoped3A_906 : memref<!tpu.dma_semaphore, #tpu.memory_space<semaphore_mem>>) {add = true}
        %dma_wait3A_913 = arith.constant 0 : i32
        %dma_wait3A_914 = tpu.memref_slice %arg9[%run_scoped3A_411, %run_scoped3A_412, %dma_wait3A_913] : memref<2x8x125xi32, #tpu.memory_space<vmem>> -> memref<1x1x125xi32, #tpu.memory_space<vmem>>
        %dma_wait3A_915 = tpu.memref_squeeze %dma_wait3A_914 : memref<1x1x125xi32, #tpu.memory_space<vmem>> -> memref<125xi32, #tpu.memory_space<vmem>>
        %dma_wait3A_916 = arith.constant 0 : i32
        %dma_wait3A_917 = arith.constant 0 : i32
        %dma_wait3A_918 = tpu.memref_slice %arg14[%dma_wait3A_916, %dma_wait3A_917] : memref<10240x128xf32, #tpu.memory_space<vmem_shared>> -> memref<10240x128xf32, #tpu.memory_space<vmem_shared>>
        tpu.wait_indirect_dma semaphore(%run_scoped3A_906 : memref<!tpu.dma_semaphore, #tpu.memory_space<semaphore_mem>>) src(%arg10 : memref<125x128xf32, #tpu.memory_space<vmem>>) dst(%dma_wait3A_918 : memref<10240x128xf32, #tpu.memory_space<vmem_shared>>)
        tpu.yield
      }) : () -> ()
      %dma_start3A_413 = arith.constant 0 : i32
      %dma_start3A_414 = arith.constant 4 : i32
      %dma_start3A_415 = arith.constant 0 : i32
      %dma_start3A_416 = tpu.memref_slice %arg12[%dma_start3A_415] : memref<128xf32, #tpu.memory_space<vmem>> -> memref<125xf32, #tpu.memory_space<vmem>>
      %dma_start3A_417 = arith.constant 0 : i32
      %dma_start3A_418 = tpu.memref_slice %arg9[%dma_start3A_413, %dma_start3A_414, %dma_start3A_417] : memref<2x8x125xi32, #tpu.memory_space<vmem>> -> memref<1x1x125xi32, #tpu.memory_space<vmem>>
      %dma_start3A_419 = tpu.memref_squeeze %dma_start3A_418 : memref<1x1x125xi32, #tpu.memory_space<vmem>> -> memref<125xi32, #tpu.memory_space<vmem>>
      %dma_start3A_420 = arith.constant 0 : i32
      %dma_start3A_421 = tpu.memref_slice %arg15[%dma_start3A_420] : memref<10240xf32, #tpu.memory_space<vmem_shared>> -> memref<10240xf32, #tpu.memory_space<vmem_shared>>
      tpu.enqueue_indirect_dma source(%dma_start3A_416 : memref<125xf32, #tpu.memory_space<vmem>>) target(%dma_start3A_421 : memref<10240xf32, #tpu.memory_space<vmem_shared>>) offsets(%dma_start3A_419 : memref<125xi32, #tpu.memory_space<vmem>>) semaphore(%arg19 : memref<!tpu.dma_semaphore, #tpu.memory_space<semaphore_mem>>) {add = true}
      %dma_start3A_422 = arith.constant 0 : i32
      %dma_start3A_423 = arith.constant 6 : i32
      %dma_start3A_424 = arith.constant 0 : i32
      %dma_start3A_425 = tpu.memref_slice %arg8[%dma_start3A_422, %dma_start3A_423, %dma_start3A_424] : memref<2x8x125xi32, #tpu.memory_space<vmem>> -> memref<1x1x125xi32, #tpu.memory_space<vmem>>
      %dma_start3A_426 = tpu.memref_squeeze %dma_start3A_425 : memref<1x1x125xi32, #tpu.memory_space<vmem>> -> memref<125xi32, #tpu.memory_space<vmem>>
      %dma_start3A_427 = arith.constant 0 : i32
      %dma_start3A_428 = arith.constant 0 : i32
      %dma_start3A_429 = tpu.memref_slice %arg2[%dma_start3A_427, %dma_start3A_428] : memref<10000x128xf32, #tpu.memory_space<hbm>> -> memref<10000x128xf32, #tpu.memory_space<hbm>>
      tpu.enqueue_indirect_dma source(%dma_start3A_429 : memref<10000x128xf32, #tpu.memory_space<hbm>>) target(%arg10 : memref<125x128xf32, #tpu.memory_space<vmem>>) offsets(%dma_start3A_426 : memref<125xi32, #tpu.memory_space<vmem>>) semaphore(%arg16 : memref<!tpu.dma_semaphore, #tpu.memory_space<semaphore_mem>>)
      %dma_wait3A_430 = arith.constant 0 : i32
      %dma_wait3A_431 = arith.constant 0 : i32
      %dma_wait3A_432 = arith.constant 0 : i32
      %dma_wait3A_433 = tpu.memref_slice %arg8[%dma_wait3A_430, %dma_wait3A_431, %dma_wait3A_432] : memref<2x8x125xi32, #tpu.memory_space<vmem>> -> memref<1x1x125xi32, #tpu.memory_space<vmem>>
      %dma_wait3A_434 = tpu.memref_squeeze %dma_wait3A_433 : memref<1x1x125xi32, #tpu.memory_space<vmem>> -> memref<125xi32, #tpu.memory_space<vmem>>
      %dma_wait3A_435 = arith.constant 0 : i32
      %dma_wait3A_436 = arith.constant 0 : i32
      %dma_wait3A_437 = tpu.memref_slice %arg2[%dma_wait3A_435, %dma_wait3A_436] : memref<10000x128xf32, #tpu.memory_space<hbm>> -> memref<10000x128xf32, #tpu.memory_space<hbm>>
      tpu.wait_indirect_dma semaphore(%arg17 : memref<!tpu.dma_semaphore, #tpu.memory_space<semaphore_mem>>) src(%dma_wait3A_437 : memref<10000x128xf32, #tpu.memory_space<hbm>>) dst(%arg11 : memref<125x128xf32, #tpu.memory_space<vmem>>)
      %run_scoped3A_438 = arith.constant 0 : i32
      %run_scoped3A_439 = arith.constant 5 : i32
      "tpu.region"() ({
        %run_scoped3A_906 = tpu.sem_alloc : memref<!tpu.dma_semaphore, #tpu.memory_space<semaphore_mem>>
        %dma_start3A_907 = arith.constant 0 : i32
        %dma_start3A_908 = tpu.memref_slice %arg9[%run_scoped3A_438, %run_scoped3A_439, %dma_start3A_907] : memref<2x8x125xi32, #tpu.memory_space<vmem>> -> memref<1x1x125xi32, #tpu.memory_space<vmem>>
        %dma_start3A_909 = tpu.memref_squeeze %dma_start3A_908 : memref<1x1x125xi32, #tpu.memory_space<vmem>> -> memref<125xi32, #tpu.memory_space<vmem>>
        %dma_start3A_910 = arith.constant 0 : i32
        %dma_start3A_911 = arith.constant 0 : i32
        %dma_start3A_912 = tpu.memref_slice %arg14[%dma_start3A_910, %dma_start3A_911] : memref<10240x128xf32, #tpu.memory_space<vmem_shared>> -> memref<10240x128xf32, #tpu.memory_space<vmem_shared>>
        tpu.enqueue_indirect_dma source(%arg11 : memref<125x128xf32, #tpu.memory_space<vmem>>) target(%dma_start3A_912 : memref<10240x128xf32, #tpu.memory_space<vmem_shared>>) offsets(%dma_start3A_909 : memref<125xi32, #tpu.memory_space<vmem>>) semaphore(%run_scoped3A_906 : memref<!tpu.dma_semaphore, #tpu.memory_space<semaphore_mem>>) {add = true}
        %dma_wait3A_913 = arith.constant 0 : i32
        %dma_wait3A_914 = tpu.memref_slice %arg9[%run_scoped3A_438, %run_scoped3A_439, %dma_wait3A_913] : memref<2x8x125xi32, #tpu.memory_space<vmem>> -> memref<1x1x125xi32, #tpu.memory_space<vmem>>
        %dma_wait3A_915 = tpu.memref_squeeze %dma_wait3A_914 : memref<1x1x125xi32, #tpu.memory_space<vmem>> -> memref<125xi32, #tpu.memory_space<vmem>>
        %dma_wait3A_916 = arith.constant 0 : i32
        %dma_wait3A_917 = arith.constant 0 : i32
        %dma_wait3A_918 = tpu.memref_slice %arg14[%dma_wait3A_916, %dma_wait3A_917] : memref<10240x128xf32, #tpu.memory_space<vmem_shared>> -> memref<10240x128xf32, #tpu.memory_space<vmem_shared>>
        tpu.wait_indirect_dma semaphore(%run_scoped3A_906 : memref<!tpu.dma_semaphore, #tpu.memory_space<semaphore_mem>>) src(%arg11 : memref<125x128xf32, #tpu.memory_space<vmem>>) dst(%dma_wait3A_918 : memref<10240x128xf32, #tpu.memory_space<vmem_shared>>)
        tpu.yield
      }) : () -> ()
      %dma_start3A_440 = arith.constant 0 : i32
      %dma_start3A_441 = arith.constant 5 : i32
      %dma_start3A_442 = arith.constant 0 : i32
      %dma_start3A_443 = tpu.memref_slice %arg12[%dma_start3A_442] : memref<128xf32, #tpu.memory_space<vmem>> -> memref<125xf32, #tpu.memory_space<vmem>>
      %dma_start3A_444 = arith.constant 0 : i32
      %dma_start3A_445 = tpu.memref_slice %arg9[%dma_start3A_440, %dma_start3A_441, %dma_start3A_444] : memref<2x8x125xi32, #tpu.memory_space<vmem>> -> memref<1x1x125xi32, #tpu.memory_space<vmem>>
      %dma_start3A_446 = tpu.memref_squeeze %dma_start3A_445 : memref<1x1x125xi32, #tpu.memory_space<vmem>> -> memref<125xi32, #tpu.memory_space<vmem>>
      %dma_start3A_447 = arith.constant 0 : i32
      %dma_start3A_448 = tpu.memref_slice %arg15[%dma_start3A_447] : memref<10240xf32, #tpu.memory_space<vmem_shared>> -> memref<10240xf32, #tpu.memory_space<vmem_shared>>
      tpu.enqueue_indirect_dma source(%dma_start3A_443 : memref<125xf32, #tpu.memory_space<vmem>>) target(%dma_start3A_448 : memref<10240xf32, #tpu.memory_space<vmem_shared>>) offsets(%dma_start3A_446 : memref<125xi32, #tpu.memory_space<vmem>>) semaphore(%arg19 : memref<!tpu.dma_semaphore, #tpu.memory_space<semaphore_mem>>) {add = true}
      %dma_start3A_449 = arith.constant 0 : i32
      %dma_start3A_450 = arith.constant 7 : i32
      %dma_start3A_451 = arith.constant 0 : i32
      %dma_start3A_452 = tpu.memref_slice %arg8[%dma_start3A_449, %dma_start3A_450, %dma_start3A_451] : memref<2x8x125xi32, #tpu.memory_space<vmem>> -> memref<1x1x125xi32, #tpu.memory_space<vmem>>
      %dma_start3A_453 = tpu.memref_squeeze %dma_start3A_452 : memref<1x1x125xi32, #tpu.memory_space<vmem>> -> memref<125xi32, #tpu.memory_space<vmem>>
      %dma_start3A_454 = arith.constant 0 : i32
      %dma_start3A_455 = arith.constant 0 : i32
      %dma_start3A_456 = tpu.memref_slice %arg2[%dma_start3A_454, %dma_start3A_455] : memref<10000x128xf32, #tpu.memory_space<hbm>> -> memref<10000x128xf32, #tpu.memory_space<hbm>>
      tpu.enqueue_indirect_dma source(%dma_start3A_456 : memref<10000x128xf32, #tpu.memory_space<hbm>>) target(%arg11 : memref<125x128xf32, #tpu.memory_space<vmem>>) offsets(%dma_start3A_453 : memref<125xi32, #tpu.memory_space<vmem>>) semaphore(%arg17 : memref<!tpu.dma_semaphore, #tpu.memory_space<semaphore_mem>>)
      %dma_wait3A_457 = arith.constant 0 : i32
      %dma_wait3A_458 = arith.constant 0 : i32
      %dma_wait3A_459 = arith.constant 0 : i32
      %dma_wait3A_460 = tpu.memref_slice %arg8[%dma_wait3A_457, %dma_wait3A_458, %dma_wait3A_459] : memref<2x8x125xi32, #tpu.memory_space<vmem>> -> memref<1x1x125xi32, #tpu.memory_space<vmem>>
      %dma_wait3A_461 = tpu.memref_squeeze %dma_wait3A_460 : memref<1x1x125xi32, #tpu.memory_space<vmem>> -> memref<125xi32, #tpu.memory_space<vmem>>
      %dma_wait3A_462 = arith.constant 0 : i32
      %dma_wait3A_463 = arith.constant 0 : i32
      %dma_wait3A_464 = tpu.memref_slice %arg2[%dma_wait3A_462, %dma_wait3A_463] : memref<10000x128xf32, #tpu.memory_space<hbm>> -> memref<10000x128xf32, #tpu.memory_space<hbm>>
      tpu.wait_indirect_dma semaphore(%arg16 : memref<!tpu.dma_semaphore, #tpu.memory_space<semaphore_mem>>) src(%dma_wait3A_464 : memref<10000x128xf32, #tpu.memory_space<hbm>>) dst(%arg10 : memref<125x128xf32, #tpu.memory_space<vmem>>)
      %run_scoped3A_465 = arith.constant 0 : i32
      %run_scoped3A_466 = arith.constant 6 : i32
      "tpu.region"() ({
        %run_scoped3A_906 = tpu.sem_alloc : memref<!tpu.dma_semaphore, #tpu.memory_space<semaphore_mem>>
        %dma_start3A_907 = arith.constant 0 : i32
        %dma_start3A_908 = tpu.memref_slice %arg9[%run_scoped3A_465, %run_scoped3A_466, %dma_start3A_907] : memref<2x8x125xi32, #tpu.memory_space<vmem>> -> memref<1x1x125xi32, #tpu.memory_space<vmem>>
        %dma_start3A_909 = tpu.memref_squeeze %dma_start3A_908 : memref<1x1x125xi32, #tpu.memory_space<vmem>> -> memref<125xi32, #tpu.memory_space<vmem>>
        %dma_start3A_910 = arith.constant 0 : i32
        %dma_start3A_911 = arith.constant 0 : i32
        %dma_start3A_912 = tpu.memref_slice %arg14[%dma_start3A_910, %dma_start3A_911] : memref<10240x128xf32, #tpu.memory_space<vmem_shared>> -> memref<10240x128xf32, #tpu.memory_space<vmem_shared>>
        tpu.enqueue_indirect_dma source(%arg10 : memref<125x128xf32, #tpu.memory_space<vmem>>) target(%dma_start3A_912 : memref<10240x128xf32, #tpu.memory_space<vmem_shared>>) offsets(%dma_start3A_909 : memref<125xi32, #tpu.memory_space<vmem>>) semaphore(%run_scoped3A_906 : memref<!tpu.dma_semaphore, #tpu.memory_space<semaphore_mem>>) {add = true}
        %dma_wait3A_913 = arith.constant 0 : i32
        %dma_wait3A_914 = tpu.memref_slice %arg9[%run_scoped3A_465, %run_scoped3A_466, %dma_wait3A_913] : memref<2x8x125xi32, #tpu.memory_space<vmem>> -> memref<1x1x125xi32, #tpu.memory_space<vmem>>
        %dma_wait3A_915 = tpu.memref_squeeze %dma_wait3A_914 : memref<1x1x125xi32, #tpu.memory_space<vmem>> -> memref<125xi32, #tpu.memory_space<vmem>>
        %dma_wait3A_916 = arith.constant 0 : i32
        %dma_wait3A_917 = arith.constant 0 : i32
        %dma_wait3A_918 = tpu.memref_slice %arg14[%dma_wait3A_916, %dma_wait3A_917] : memref<10240x128xf32, #tpu.memory_space<vmem_shared>> -> memref<10240x128xf32, #tpu.memory_space<vmem_shared>>
        tpu.wait_indirect_dma semaphore(%run_scoped3A_906 : memref<!tpu.dma_semaphore, #tpu.memory_space<semaphore_mem>>) src(%arg10 : memref<125x128xf32, #tpu.memory_space<vmem>>) dst(%dma_wait3A_918 : memref<10240x128xf32, #tpu.memory_space<vmem_shared>>)
        tpu.yield
      }) : () -> ()
      %dma_start3A_467 = arith.constant 0 : i32
      %dma_start3A_468 = arith.constant 6 : i32
      %dma_start3A_469 = arith.constant 0 : i32
      %dma_start3A_470 = tpu.memref_slice %arg12[%dma_start3A_469] : memref<128xf32, #tpu.memory_space<vmem>> -> memref<125xf32, #tpu.memory_space<vmem>>
      %dma_start3A_471 = arith.constant 0 : i32
      %dma_start3A_472 = tpu.memref_slice %arg9[%dma_start3A_467, %dma_start3A_468, %dma_start3A_471] : memref<2x8x125xi32, #tpu.memory_space<vmem>> -> memref<1x1x125xi32, #tpu.memory_space<vmem>>
      %dma_start3A_473 = tpu.memref_squeeze %dma_start3A_472 : memref<1x1x125xi32, #tpu.memory_space<vmem>> -> memref<125xi32, #tpu.memory_space<vmem>>
      %dma_start3A_474 = arith.constant 0 : i32
      %dma_start3A_475 = tpu.memref_slice %arg15[%dma_start3A_474] : memref<10240xf32, #tpu.memory_space<vmem_shared>> -> memref<10240xf32, #tpu.memory_space<vmem_shared>>
      tpu.enqueue_indirect_dma source(%dma_start3A_470 : memref<125xf32, #tpu.memory_space<vmem>>) target(%dma_start3A_475 : memref<10240xf32, #tpu.memory_space<vmem_shared>>) offsets(%dma_start3A_473 : memref<125xi32, #tpu.memory_space<vmem>>) semaphore(%arg19 : memref<!tpu.dma_semaphore, #tpu.memory_space<semaphore_mem>>) {add = true}
      %dma_wait3A_476 = arith.constant 0 : i32
      %dma_wait3A_477 = arith.constant 1 : i32
      %dma_wait3A_478 = arith.constant 0 : i32
      %dma_wait3A_479 = arith.constant 0 : i32
      %dma_wait3A_480 = tpu.memref_slice %arg8[%dma_wait3A_477, %dma_wait3A_478, %dma_wait3A_479] : memref<2x8x125xi32, #tpu.memory_space<vmem>> -> memref<1x8x125xi32, #tpu.memory_space<vmem>>
      %dma_wait3A_481 = tpu.memref_squeeze %dma_wait3A_480 : memref<1x8x125xi32, #tpu.memory_space<vmem>> -> memref<8x125xi32, #tpu.memory_space<vmem>>
      %dma_wait3A_482 = arith.constant 0 : i32
      %dma_wait3A_483 = arith.constant 0 : i32
      %dma_wait3A_484 = tpu.memref_slice %arg3[%dma_wait3A_476, %add3A, %dma_wait3A_482, %dma_wait3A_483] : memref<2x32x80x125xi32, #tpu.memory_space<hbm>> -> memref<1x1x8x125xi32, #tpu.memory_space<hbm>>
      %dma_wait3A_485 = tpu.memref_squeeze %dma_wait3A_484 : memref<1x1x8x125xi32, #tpu.memory_space<hbm>> -> memref<8x125xi32, #tpu.memory_space<hbm>>
      %dma_wait3A_486 = arith.constant 0 : i32
      %dma_wait3A_487 = arith.constant 0 : i32
      %dma_wait3A_488 = tpu.memref_slice %arg8[%dma_wait3A_477, %dma_wait3A_486, %dma_wait3A_487] : memref<2x8x125xi32, #tpu.memory_space<vmem>> -> memref<1x8x125xi32, #tpu.memory_space<vmem>>
      %dma_wait3A_489 = tpu.memref_squeeze %dma_wait3A_488 : memref<1x8x125xi32, #tpu.memory_space<vmem>> -> memref<8x125xi32, #tpu.memory_space<vmem>>
      %dma_wait3A_490 = arith.constant 0 : i32
      %dma_wait3A_491 = arith.constant 0 : i32
      %dma_wait3A_492 = tpu.memref_slice %arg3[%dma_wait3A_476, %add3A, %dma_wait3A_490, %dma_wait3A_491] : memref<2x32x80x125xi32, #tpu.memory_space<hbm>> -> memref<1x1x8x125xi32, #tpu.memory_space<hbm>>
      %dma_wait3A_493 = tpu.memref_squeeze %dma_wait3A_492 : memref<1x1x8x125xi32, #tpu.memory_space<hbm>> -> memref<8x125xi32, #tpu.memory_space<hbm>>
      tpu.wait_dma2 semaphore(%arg18 : memref<!tpu.dma_semaphore, #tpu.memory_space<semaphore_mem>>) src(%dma_wait3A_493 : memref<8x125xi32, #tpu.memory_space<hbm>>) dst(%dma_wait3A_489 : memref<8x125xi32, #tpu.memory_space<vmem>>)
      %dma_wait3A_494 = arith.constant 1 : i32
      %dma_wait3A_495 = arith.constant 1 : i32
      %dma_wait3A_496 = arith.constant 0 : i32
      %dma_wait3A_497 = arith.constant 0 : i32
      %dma_wait3A_498 = tpu.memref_slice %arg9[%dma_wait3A_495, %dma_wait3A_496, %dma_wait3A_497] : memref<2x8x125xi32, #tpu.memory_space<vmem>> -> memref<1x8x125xi32, #tpu.memory_space<vmem>>
      %dma_wait3A_499 = tpu.memref_squeeze %dma_wait3A_498 : memref<1x8x125xi32, #tpu.memory_space<vmem>> -> memref<8x125xi32, #tpu.memory_space<vmem>>
      %dma_wait3A_500 = arith.constant 0 : i32
      %dma_wait3A_501 = arith.constant 0 : i32
      %dma_wait3A_502 = tpu.memref_slice %arg3[%dma_wait3A_494, %add3A, %dma_wait3A_500, %dma_wait3A_501] : memref<2x32x80x125xi32, #tpu.memory_space<hbm>> -> memref<1x1x8x125xi32, #tpu.memory_space<hbm>>
      %dma_wait3A_503 = tpu.memref_squeeze %dma_wait3A_502 : memref<1x1x8x125xi32, #tpu.memory_space<hbm>> -> memref<8x125xi32, #tpu.memory_space<hbm>>
      %dma_wait3A_504 = arith.constant 0 : i32
      %dma_wait3A_505 = arith.constant 0 : i32
      %dma_wait3A_506 = tpu.memref_slice %arg9[%dma_wait3A_495, %dma_wait3A_504, %dma_wait3A_505] : memref<2x8x125xi32, #tpu.memory_space<vmem>> -> memref<1x8x125xi32, #tpu.memory_space<vmem>>
      %dma_wait3A_507 = tpu.memref_squeeze %dma_wait3A_506 : memref<1x8x125xi32, #tpu.memory_space<vmem>> -> memref<8x125xi32, #tpu.memory_space<vmem>>
      %dma_wait3A_508 = arith.constant 0 : i32
      %dma_wait3A_509 = arith.constant 0 : i32
      %dma_wait3A_510 = tpu.memref_slice %arg3[%dma_wait3A_494, %add3A, %dma_wait3A_508, %dma_wait3A_509] : memref<2x32x80x125xi32, #tpu.memory_space<hbm>> -> memref<1x1x8x125xi32, #tpu.memory_space<hbm>>
      %dma_wait3A_511 = tpu.memref_squeeze %dma_wait3A_510 : memref<1x1x8x125xi32, #tpu.memory_space<hbm>> -> memref<8x125xi32, #tpu.memory_space<hbm>>
      tpu.wait_dma2 semaphore(%arg18 : memref<!tpu.dma_semaphore, #tpu.memory_space<semaphore_mem>>) src(%dma_wait3A_511 : memref<8x125xi32, #tpu.memory_space<hbm>>) dst(%dma_wait3A_507 : memref<8x125xi32, #tpu.memory_space<vmem>>)
      %dma_start3A_512 = arith.constant 1 : i32
      %dma_start3A_513 = arith.constant 0 : i32
      %dma_start3A_514 = arith.constant 0 : i32
      %dma_start3A_515 = tpu.memref_slice %arg8[%dma_start3A_512, %dma_start3A_513, %dma_start3A_514] : memref<2x8x125xi32, #tpu.memory_space<vmem>> -> memref<1x1x125xi32, #tpu.memory_space<vmem>>
      %dma_start3A_516 = tpu.memref_squeeze %dma_start3A_515 : memref<1x1x125xi32, #tpu.memory_space<vmem>> -> memref<125xi32, #tpu.memory_space<vmem>>
      %dma_start3A_517 = arith.constant 0 : i32
      %dma_start3A_518 = arith.constant 0 : i32
      %dma_start3A_519 = tpu.memref_slice %arg2[%dma_start3A_517, %dma_start3A_518] : memref<10000x128xf32, #tpu.memory_space<hbm>> -> memref<10000x128xf32, #tpu.memory_space<hbm>>
      tpu.enqueue_indirect_dma source(%dma_start3A_519 : memref<10000x128xf32, #tpu.memory_space<hbm>>) target(%arg10 : memref<125x128xf32, #tpu.memory_space<vmem>>) offsets(%dma_start3A_516 : memref<125xi32, #tpu.memory_space<vmem>>) semaphore(%arg16 : memref<!tpu.dma_semaphore, #tpu.memory_space<semaphore_mem>>)
      %dma_wait3A_520 = arith.constant 0 : i32
      %dma_wait3A_521 = arith.constant 0 : i32
      %dma_wait3A_522 = arith.constant 0 : i32
      %dma_wait3A_523 = tpu.memref_slice %arg8[%dma_wait3A_520, %dma_wait3A_521, %dma_wait3A_522] : memref<2x8x125xi32, #tpu.memory_space<vmem>> -> memref<1x1x125xi32, #tpu.memory_space<vmem>>
      %dma_wait3A_524 = tpu.memref_squeeze %dma_wait3A_523 : memref<1x1x125xi32, #tpu.memory_space<vmem>> -> memref<125xi32, #tpu.memory_space<vmem>>
      %dma_wait3A_525 = arith.constant 0 : i32
      %dma_wait3A_526 = arith.constant 0 : i32
      %dma_wait3A_527 = tpu.memref_slice %arg2[%dma_wait3A_525, %dma_wait3A_526] : memref<10000x128xf32, #tpu.memory_space<hbm>> -> memref<10000x128xf32, #tpu.memory_space<hbm>>
      tpu.wait_indirect_dma semaphore(%arg17 : memref<!tpu.dma_semaphore, #tpu.memory_space<semaphore_mem>>) src(%dma_wait3A_527 : memref<10000x128xf32, #tpu.memory_space<hbm>>) dst(%arg11 : memref<125x128xf32, #tpu.memory_space<vmem>>)
      %run_scoped3A_528 = arith.constant 0 : i32
      %run_scoped3A_529 = arith.constant 7 : i32
      "tpu.region"() ({
        %run_scoped3A_906 = tpu.sem_alloc : memref<!tpu.dma_semaphore, #tpu.memory_space<semaphore_mem>>
        %dma_start3A_907 = arith.constant 0 : i32
        %dma_start3A_908 = tpu.memref_slice %arg9[%run_scoped3A_528, %run_scoped3A_529, %dma_start3A_907] : memref<2x8x125xi32, #tpu.memory_space<vmem>> -> memref<1x1x125xi32, #tpu.memory_space<vmem>>
        %dma_start3A_909 = tpu.memref_squeeze %dma_start3A_908 : memref<1x1x125xi32, #tpu.memory_space<vmem>> -> memref<125xi32, #tpu.memory_space<vmem>>
        %dma_start3A_910 = arith.constant 0 : i32
        %dma_start3A_911 = arith.constant 0 : i32
        %dma_start3A_912 = tpu.memref_slice %arg14[%dma_start3A_910, %dma_start3A_911] : memref<10240x128xf32, #tpu.memory_space<vmem_shared>> -> memref<10240x128xf32, #tpu.memory_space<vmem_shared>>
        tpu.enqueue_indirect_dma source(%arg11 : memref<125x128xf32, #tpu.memory_space<vmem>>) target(%dma_start3A_912 : memref<10240x128xf32, #tpu.memory_space<vmem_shared>>) offsets(%dma_start3A_909 : memref<125xi32, #tpu.memory_space<vmem>>) semaphore(%run_scoped3A_906 : memref<!tpu.dma_semaphore, #tpu.memory_space<semaphore_mem>>) {add = true}
        %dma_wait3A_913 = arith.constant 0 : i32
        %dma_wait3A_914 = tpu.memref_slice %arg9[%run_scoped3A_528, %run_scoped3A_529, %dma_wait3A_913] : memref<2x8x125xi32, #tpu.memory_space<vmem>> -> memref<1x1x125xi32, #tpu.memory_space<vmem>>
        %dma_wait3A_915 = tpu.memref_squeeze %dma_wait3A_914 : memref<1x1x125xi32, #tpu.memory_space<vmem>> -> memref<125xi32, #tpu.memory_space<vmem>>
        %dma_wait3A_916 = arith.constant 0 : i32
        %dma_wait3A_917 = arith.constant 0 : i32
        %dma_wait3A_918 = tpu.memref_slice %arg14[%dma_wait3A_916, %dma_wait3A_917] : memref<10240x128xf32, #tpu.memory_space<vmem_shared>> -> memref<10240x128xf32, #tpu.memory_space<vmem_shared>>
        tpu.wait_indirect_dma semaphore(%run_scoped3A_906 : memref<!tpu.dma_semaphore, #tpu.memory_space<semaphore_mem>>) src(%arg11 : memref<125x128xf32, #tpu.memory_space<vmem>>) dst(%dma_wait3A_918 : memref<10240x128xf32, #tpu.memory_space<vmem_shared>>)
        tpu.yield
      }) : () -> ()
      %dma_start3A_530 = arith.constant 0 : i32
      %dma_start3A_531 = arith.constant 7 : i32
      %dma_start3A_532 = arith.constant 0 : i32
      %dma_start3A_533 = tpu.memref_slice %arg12[%dma_start3A_532] : memref<128xf32, #tpu.memory_space<vmem>> -> memref<125xf32, #tpu.memory_space<vmem>>
      %dma_start3A_534 = arith.constant 0 : i32
      %dma_start3A_535 = tpu.memref_slice %arg9[%dma_start3A_530, %dma_start3A_531, %dma_start3A_534] : memref<2x8x125xi32, #tpu.memory_space<vmem>> -> memref<1x1x125xi32, #tpu.memory_space<vmem>>
      %dma_start3A_536 = tpu.memref_squeeze %dma_start3A_535 : memref<1x1x125xi32, #tpu.memory_space<vmem>> -> memref<125xi32, #tpu.memory_space<vmem>>
      %dma_start3A_537 = arith.constant 0 : i32
      %dma_start3A_538 = tpu.memref_slice %arg15[%dma_start3A_537] : memref<10240xf32, #tpu.memory_space<vmem_shared>> -> memref<10240xf32, #tpu.memory_space<vmem_shared>>
      tpu.enqueue_indirect_dma source(%dma_start3A_533 : memref<125xf32, #tpu.memory_space<vmem>>) target(%dma_start3A_538 : memref<10240xf32, #tpu.memory_space<vmem_shared>>) offsets(%dma_start3A_536 : memref<125xi32, #tpu.memory_space<vmem>>) semaphore(%arg19 : memref<!tpu.dma_semaphore, #tpu.memory_space<semaphore_mem>>) {add = true}
      %dma_start3A_539 = arith.constant 1 : i32
      %dma_start3A_540 = arith.constant 1 : i32
      %dma_start3A_541 = arith.constant 0 : i32
      %dma_start3A_542 = tpu.memref_slice %arg8[%dma_start3A_539, %dma_start3A_540, %dma_start3A_541] : memref<2x8x125xi32, #tpu.memory_space<vmem>> -> memref<1x1x125xi32, #tpu.memory_space<vmem>>
      %dma_start3A_543 = tpu.memref_squeeze %dma_start3A_542 : memref<1x1x125xi32, #tpu.memory_space<vmem>> -> memref<125xi32, #tpu.memory_space<vmem>>
      %dma_start3A_544 = arith.constant 0 : i32
      %dma_start3A_545 = arith.constant 0 : i32
      %dma_start3A_546 = tpu.memref_slice %arg2[%dma_start3A_544, %dma_start3A_545] : memref<10000x128xf32, #tpu.memory_space<hbm>> -> memref<10000x128xf32, #tpu.memory_space<hbm>>
      tpu.enqueue_indirect_dma source(%dma_start3A_546 : memref<10000x128xf32, #tpu.memory_space<hbm>>) target(%arg11 : memref<125x128xf32, #tpu.memory_space<vmem>>) offsets(%dma_start3A_543 : memref<125xi32, #tpu.memory_space<vmem>>) semaphore(%arg17 : memref<!tpu.dma_semaphore, #tpu.memory_space<semaphore_mem>>)
      %dma_wait3A_547 = arith.constant 0 : i32
      %dma_wait3A_548 = arith.constant 0 : i32
      %dma_wait3A_549 = arith.constant 0 : i32
      %dma_wait3A_550 = tpu.memref_slice %arg12[%dma_wait3A_549] : memref<128xf32, #tpu.memory_space<vmem>> -> memref<125xf32, #tpu.memory_space<vmem>>
      %dma_wait3A_551 = arith.constant 0 : i32
      %dma_wait3A_552 = tpu.memref_slice %arg9[%dma_wait3A_547, %dma_wait3A_548, %dma_wait3A_551] : memref<2x8x125xi32, #tpu.memory_space<vmem>> -> memref<1x1x125xi32, #tpu.memory_space<vmem>>
      %dma_wait3A_553 = tpu.memref_squeeze %dma_wait3A_552 : memref<1x1x125xi32, #tpu.memory_space<vmem>> -> memref<125xi32, #tpu.memory_space<vmem>>
      %dma_wait3A_554 = arith.constant 0 : i32
      %dma_wait3A_555 = tpu.memref_slice %arg15[%dma_wait3A_554] : memref<10240xf32, #tpu.memory_space<vmem_shared>> -> memref<10240xf32, #tpu.memory_space<vmem_shared>>
      tpu.wait_indirect_dma semaphore(%arg19 : memref<!tpu.dma_semaphore, #tpu.memory_space<semaphore_mem>>) src(%dma_wait3A_550 : memref<125xf32, #tpu.memory_space<vmem>>) dst(%dma_wait3A_555 : memref<10240xf32, #tpu.memory_space<vmem_shared>>)
      %dma_wait3A_556 = arith.constant 0 : i32
      %dma_wait3A_557 = arith.constant 0 : i32
      %dma_wait3A_558 = arith.constant 0 : i32
      %dma_wait3A_559 = tpu.memref_slice %arg12[%dma_wait3A_558] : memref<128xf32, #tpu.memory_space<vmem>> -> memref<125xf32, #tpu.memory_space<vmem>>
      %dma_wait3A_560 = arith.constant 0 : i32
      %dma_wait3A_561 = tpu.memref_slice %arg9[%dma_wait3A_556, %dma_wait3A_557, %dma_wait3A_560] : memref<2x8x125xi32, #tpu.memory_space<vmem>> -> memref<1x1x125xi32, #tpu.memory_space<vmem>>
      %dma_wait3A_562 = tpu.memref_squeeze %dma_wait3A_561 : memref<1x1x125xi32, #tpu.memory_space<vmem>> -> memref<125xi32, #tpu.memory_space<vmem>>
      %dma_wait3A_563 = arith.constant 0 : i32
      %dma_wait3A_564 = tpu.memref_slice %arg15[%dma_wait3A_563] : memref<10240xf32, #tpu.memory_space<vmem_shared>> -> memref<10240xf32, #tpu.memory_space<vmem_shared>>
      tpu.wait_indirect_dma semaphore(%arg19 : memref<!tpu.dma_semaphore, #tpu.memory_space<semaphore_mem>>) src(%dma_wait3A_559 : memref<125xf32, #tpu.memory_space<vmem>>) dst(%dma_wait3A_564 : memref<10240xf32, #tpu.memory_space<vmem_shared>>)
      %dma_wait3A_565 = arith.constant 0 : i32
      %dma_wait3A_566 = arith.constant 0 : i32
      %dma_wait3A_567 = arith.constant 0 : i32
      %dma_wait3A_568 = tpu.memref_slice %arg12[%dma_wait3A_567] : memref<128xf32, #tpu.memory_space<vmem>> -> memref<125xf32, #tpu.memory_space<vmem>>
      %dma_wait3A_569 = arith.constant 0 : i32
      %dma_wait3A_570 = tpu.memref_slice %arg9[%dma_wait3A_565, %dma_wait3A_566, %dma_wait3A_569] : memref<2x8x125xi32, #tpu.memory_space<vmem>> -> memref<1x1x125xi32, #tpu.memory_space<vmem>>
      %dma_wait3A_571 = tpu.memref_squeeze %dma_wait3A_570 : memref<1x1x125xi32, #tpu.memory_space<vmem>> -> memref<125xi32, #tpu.memory_space<vmem>>
      %dma_wait3A_572 = arith.constant 0 : i32
      %dma_wait3A_573 = tpu.memref_slice %arg15[%dma_wait3A_572] : memref<10240xf32, #tpu.memory_space<vmem_shared>> -> memref<10240xf32, #tpu.memory_space<vmem_shared>>
      tpu.wait_indirect_dma semaphore(%arg19 : memref<!tpu.dma_semaphore, #tpu.memory_space<semaphore_mem>>) src(%dma_wait3A_568 : memref<125xf32, #tpu.memory_space<vmem>>) dst(%dma_wait3A_573 : memref<10240xf32, #tpu.memory_space<vmem_shared>>)
      %dma_wait3A_574 = arith.constant 0 : i32
      %dma_wait3A_575 = arith.constant 0 : i32
      %dma_wait3A_576 = arith.constant 0 : i32
      %dma_wait3A_577 = tpu.memref_slice %arg12[%dma_wait3A_576] : memref<128xf32, #tpu.memory_space<vmem>> -> memref<125xf32, #tpu.memory_space<vmem>>
      %dma_wait3A_578 = arith.constant 0 : i32
      %dma_wait3A_579 = tpu.memref_slice %arg9[%dma_wait3A_574, %dma_wait3A_575, %dma_wait3A_578] : memref<2x8x125xi32, #tpu.memory_space<vmem>> -> memref<1x1x125xi32, #tpu.memory_space<vmem>>
      %dma_wait3A_580 = tpu.memref_squeeze %dma_wait3A_579 : memref<1x1x125xi32, #tpu.memory_space<vmem>> -> memref<125xi32, #tpu.memory_space<vmem>>
      %dma_wait3A_581 = arith.constant 0 : i32
      %dma_wait3A_582 = tpu.memref_slice %arg15[%dma_wait3A_581] : memref<10240xf32, #tpu.memory_space<vmem_shared>> -> memref<10240xf32, #tpu.memory_space<vmem_shared>>
      tpu.wait_indirect_dma semaphore(%arg19 : memref<!tpu.dma_semaphore, #tpu.memory_space<semaphore_mem>>) src(%dma_wait3A_577 : memref<125xf32, #tpu.memory_space<vmem>>) dst(%dma_wait3A_582 : memref<10240xf32, #tpu.memory_space<vmem_shared>>)
      %dma_wait3A_583 = arith.constant 0 : i32
      %dma_wait3A_584 = arith.constant 0 : i32
      %dma_wait3A_585 = arith.constant 0 : i32
      %dma_wait3A_586 = tpu.memref_slice %arg12[%dma_wait3A_585] : memref<128xf32, #tpu.memory_space<vmem>> -> memref<125xf32, #tpu.memory_space<vmem>>
      %dma_wait3A_587 = arith.constant 0 : i32
      %dma_wait3A_588 = tpu.memref_slice %arg9[%dma_wait3A_583, %dma_wait3A_584, %dma_wait3A_587] : memref<2x8x125xi32, #tpu.memory_space<vmem>> -> memref<1x1x125xi32, #tpu.memory_space<vmem>>
      %dma_wait3A_589 = tpu.memref_squeeze %dma_wait3A_588 : memref<1x1x125xi32, #tpu.memory_space<vmem>> -> memref<125xi32, #tpu.memory_space<vmem>>
      %dma_wait3A_590 = arith.constant 0 : i32
      %dma_wait3A_591 = tpu.memref_slice %arg15[%dma_wait3A_590] : memref<10240xf32, #tpu.memory_space<vmem_shared>> -> memref<10240xf32, #tpu.memory_space<vmem_shared>>
      tpu.wait_indirect_dma semaphore(%arg19 : memref<!tpu.dma_semaphore, #tpu.memory_space<semaphore_mem>>) src(%dma_wait3A_586 : memref<125xf32, #tpu.memory_space<vmem>>) dst(%dma_wait3A_591 : memref<10240xf32, #tpu.memory_space<vmem_shared>>)
      %dma_wait3A_592 = arith.constant 0 : i32
      %dma_wait3A_593 = arith.constant 0 : i32
      %dma_wait3A_594 = arith.constant 0 : i32
      %dma_wait3A_595 = tpu.memref_slice %arg12[%dma_wait3A_594] : memref<128xf32, #tpu.memory_space<vmem>> -> memref<125xf32, #tpu.memory_space<vmem>>
      %dma_wait3A_596 = arith.constant 0 : i32
      %dma_wait3A_597 = tpu.memref_slice %arg9[%dma_wait3A_592, %dma_wait3A_593, %dma_wait3A_596] : memref<2x8x125xi32, #tpu.memory_space<vmem>> -> memref<1x1x125xi32, #tpu.memory_space<vmem>>
      %dma_wait3A_598 = tpu.memref_squeeze %dma_wait3A_597 : memref<1x1x125xi32, #tpu.memory_space<vmem>> -> memref<125xi32, #tpu.memory_space<vmem>>
      %dma_wait3A_599 = arith.constant 0 : i32
      %dma_wait3A_600 = tpu.memref_slice %arg15[%dma_wait3A_599] : memref<10240xf32, #tpu.memory_space<vmem_shared>> -> memref<10240xf32, #tpu.memory_space<vmem_shared>>
      tpu.wait_indirect_dma semaphore(%arg19 : memref<!tpu.dma_semaphore, #tpu.memory_space<semaphore_mem>>) src(%dma_wait3A_595 : memref<125xf32, #tpu.memory_space<vmem>>) dst(%dma_wait3A_600 : memref<10240xf32, #tpu.memory_space<vmem_shared>>)
      %dma_wait3A_601 = arith.constant 0 : i32
      %dma_wait3A_602 = arith.constant 0 : i32
      %dma_wait3A_603 = arith.constant 0 : i32
      %dma_wait3A_604 = tpu.memref_slice %arg12[%dma_wait3A_603] : memref<128xf32, #tpu.memory_space<vmem>> -> memref<125xf32, #tpu.memory_space<vmem>>
      %dma_wait3A_605 = arith.constant 0 : i32
      %dma_wait3A_606 = tpu.memref_slice %arg9[%dma_wait3A_601, %dma_wait3A_602, %dma_wait3A_605] : memref<2x8x125xi32, #tpu.memory_space<vmem>> -> memref<1x1x125xi32, #tpu.memory_space<vmem>>
      %dma_wait3A_607 = tpu.memref_squeeze %dma_wait3A_606 : memref<1x1x125xi32, #tpu.memory_space<vmem>> -> memref<125xi32, #tpu.memory_space<vmem>>
      %dma_wait3A_608 = arith.constant 0 : i32
      %dma_wait3A_609 = tpu.memref_slice %arg15[%dma_wait3A_608] : memref<10240xf32, #tpu.memory_space<vmem_shared>> -> memref<10240xf32, #tpu.memory_space<vmem_shared>>
      tpu.wait_indirect_dma semaphore(%arg19 : memref<!tpu.dma_semaphore, #tpu.memory_space<semaphore_mem>>) src(%dma_wait3A_604 : memref<125xf32, #tpu.memory_space<vmem>>) dst(%dma_wait3A_609 : memref<10240xf32, #tpu.memory_space<vmem_shared>>)
      %dma_wait3A_610 = arith.constant 0 : i32
      %dma_wait3A_611 = arith.constant 0 : i32
      %dma_wait3A_612 = arith.constant 0 : i32
      %dma_wait3A_613 = tpu.memref_slice %arg12[%dma_wait3A_612] : memref<128xf32, #tpu.memory_space<vmem>> -> memref<125xf32, #tpu.memory_space<vmem>>
      %dma_wait3A_614 = arith.constant 0 : i32
      %dma_wait3A_615 = tpu.memref_slice %arg9[%dma_wait3A_610, %dma_wait3A_611, %dma_wait3A_614] : memref<2x8x125xi32, #tpu.memory_space<vmem>> -> memref<1x1x125xi32, #tpu.memory_space<vmem>>
      %dma_wait3A_616 = tpu.memref_squeeze %dma_wait3A_615 : memref<1x1x125xi32, #tpu.memory_space<vmem>> -> memref<125xi32, #tpu.memory_space<vmem>>
      %dma_wait3A_617 = arith.constant 0 : i32
      %dma_wait3A_618 = tpu.memref_slice %arg15[%dma_wait3A_617] : memref<10240xf32, #tpu.memory_space<vmem_shared>> -> memref<10240xf32, #tpu.memory_space<vmem_shared>>
      tpu.wait_indirect_dma semaphore(%arg19 : memref<!tpu.dma_semaphore, #tpu.memory_space<semaphore_mem>>) src(%dma_wait3A_613 : memref<125xf32, #tpu.memory_space<vmem>>) dst(%dma_wait3A_618 : memref<10240xf32, #tpu.memory_space<vmem_shared>>)
      %convert_element_type3A_619 = arith.extui %lt3A_295 : i1 to i32
      %cond3A_620 = arith.constant 0 : i32
      %cond3A_621 = arith.cmpi ne, %convert_element_type3A_619, %cond3A_620 : i32
      scf.if %cond3A_621 {
        %mul3A_906 = arith.constant 2 : i32
        %mul3A_907 = arith.muli %mul3A_906, %scan3A_294 : i32
        %add3A_908 = arith.constant 2 : i32
        %add3A_909 = arith.addi %mul3A_907, %add3A_908 : i32
        %mul3A_910 = arith.constant 8 : i32
        %mul3A_911 = arith.muli %add3A_909, %mul3A_910 : i32
        %dma_start3A_912 = arith.constant 0 : i32
        %dma_start3A_913 = arith.constant 0 : i32
        %dma_start3A_914 = arith.constant 0 : i32
        %dma_start3A_915 = arith.constant 0 : i32
        %dma_start3A_916 = tpu.memref_slice %arg8[%dma_start3A_913, %dma_start3A_914, %dma_start3A_915] : memref<2x8x125xi32, #tpu.memory_space<vmem>> -> memref<1x8x125xi32, #tpu.memory_space<vmem>>
        %dma_start3A_917 = tpu.memref_squeeze %dma_start3A_916 : memref<1x8x125xi32, #tpu.memory_space<vmem>> -> memref<8x125xi32, #tpu.memory_space<vmem>>
        %dma_start3A_918 = arith.constant 0 : i32
        %dma_start3A_919 = tpu.memref_slice %arg3[%dma_start3A_912, %add3A, %mul3A_911, %dma_start3A_918] : memref<2x32x80x125xi32, #tpu.memory_space<hbm>> -> memref<1x1x8x125xi32, #tpu.memory_space<hbm>>
        %dma_start3A_920 = tpu.memref_squeeze %dma_start3A_919 : memref<1x1x8x125xi32, #tpu.memory_space<hbm>> -> memref<8x125xi32, #tpu.memory_space<hbm>>
        %dma_start3A_921 = arith.constant 0 : i32
        %dma_start3A_922 = arith.constant 0 : i32
        %dma_start3A_923 = tpu.memref_slice %arg8[%dma_start3A_913, %dma_start3A_921, %dma_start3A_922] : memref<2x8x125xi32, #tpu.memory_space<vmem>> -> memref<1x8x125xi32, #tpu.memory_space<vmem>>
        %dma_start3A_924 = tpu.memref_squeeze %dma_start3A_923 : memref<1x8x125xi32, #tpu.memory_space<vmem>> -> memref<8x125xi32, #tpu.memory_space<vmem>>
        %dma_start3A_925 = arith.constant 0 : i32
        %dma_start3A_926 = tpu.memref_slice %arg3[%dma_start3A_912, %add3A, %mul3A_911, %dma_start3A_925] : memref<2x32x80x125xi32, #tpu.memory_space<hbm>> -> memref<1x1x8x125xi32, #tpu.memory_space<hbm>>
        %dma_start3A_927 = tpu.memref_squeeze %dma_start3A_926 : memref<1x1x8x125xi32, #tpu.memory_space<hbm>> -> memref<8x125xi32, #tpu.memory_space<hbm>>
        tpu.enqueue_dma source(%dma_start3A_927 : memref<8x125xi32, #tpu.memory_space<hbm>>) target(%dma_start3A_924 : memref<8x125xi32, #tpu.memory_space<vmem>>) target_semaphore(%arg18 : memref<!tpu.dma_semaphore, #tpu.memory_space<semaphore_mem>>)
        %mul3A_928 = arith.constant 8 : i32
        %mul3A_929 = arith.muli %add3A_909, %mul3A_928 : i32
        %dma_start3A_930 = arith.constant 1 : i32
        %dma_start3A_931 = arith.constant 0 : i32
        %dma_start3A_932 = arith.constant 0 : i32
        %dma_start3A_933 = arith.constant 0 : i32
        %dma_start3A_934 = tpu.memref_slice %arg9[%dma_start3A_931, %dma_start3A_932, %dma_start3A_933] : memref<2x8x125xi32, #tpu.memory_space<vmem>> -> memref<1x8x125xi32, #tpu.memory_space<vmem>>
        %dma_start3A_935 = tpu.memref_squeeze %dma_start3A_934 : memref<1x8x125xi32, #tpu.memory_space<vmem>> -> memref<8x125xi32, #tpu.memory_space<vmem>>
        %dma_start3A_936 = arith.constant 0 : i32
        %dma_start3A_937 = tpu.memref_slice %arg3[%dma_start3A_930, %add3A, %mul3A_929, %dma_start3A_936] : memref<2x32x80x125xi32, #tpu.memory_space<hbm>> -> memref<1x1x8x125xi32, #tpu.memory_space<hbm>>
        %dma_start3A_938 = tpu.memref_squeeze %dma_start3A_937 : memref<1x1x8x125xi32, #tpu.memory_space<hbm>> -> memref<8x125xi32, #tpu.memory_space<hbm>>
        %dma_start3A_939 = arith.constant 0 : i32
        %dma_start3A_940 = arith.constant 0 : i32
        %dma_start3A_941 = tpu.memref_slice %arg9[%dma_start3A_931, %dma_start3A_939, %dma_start3A_940] : memref<2x8x125xi32, #tpu.memory_space<vmem>> -> memref<1x8x125xi32, #tpu.memory_space<vmem>>
        %dma_start3A_942 = tpu.memref_squeeze %dma_start3A_941 : memref<1x8x125xi32, #tpu.memory_space<vmem>> -> memref<8x125xi32, #tpu.memory_space<vmem>>
        %dma_start3A_943 = arith.constant 0 : i32
        %dma_start3A_944 = tpu.memref_slice %arg3[%dma_start3A_930, %add3A, %mul3A_929, %dma_start3A_943] : memref<2x32x80x125xi32, #tpu.memory_space<hbm>> -> memref<1x1x8x125xi32, #tpu.memory_space<hbm>>
        %dma_start3A_945 = tpu.memref_squeeze %dma_start3A_944 : memref<1x1x8x125xi32, #tpu.memory_space<hbm>> -> memref<8x125xi32, #tpu.memory_space<hbm>>
        tpu.enqueue_dma source(%dma_start3A_945 : memref<8x125xi32, #tpu.memory_space<hbm>>) target(%dma_start3A_942 : memref<8x125xi32, #tpu.memory_space<vmem>>) target_semaphore(%arg18 : memref<!tpu.dma_semaphore, #tpu.memory_space<semaphore_mem>>)
      } else {
      }
      %dma_wait3A_622 = arith.constant 0 : i32
      %dma_wait3A_623 = arith.constant 0 : i32
      %dma_wait3A_624 = arith.constant 0 : i32
      %dma_wait3A_625 = tpu.memref_slice %arg8[%dma_wait3A_622, %dma_wait3A_623, %dma_wait3A_624] : memref<2x8x125xi32, #tpu.memory_space<vmem>> -> memref<1x1x125xi32, #tpu.memory_space<vmem>>
      %dma_wait3A_626 = tpu.memref_squeeze %dma_wait3A_625 : memref<1x1x125xi32, #tpu.memory_space<vmem>> -> memref<125xi32, #tpu.memory_space<vmem>>
      %dma_wait3A_627 = arith.constant 0 : i32
      %dma_wait3A_628 = arith.constant 0 : i32
      %dma_wait3A_629 = tpu.memref_slice %arg2[%dma_wait3A_627, %dma_wait3A_628] : memref<10000x128xf32, #tpu.memory_space<hbm>> -> memref<10000x128xf32, #tpu.memory_space<hbm>>
      tpu.wait_indirect_dma semaphore(%arg16 : memref<!tpu.dma_semaphore, #tpu.memory_space<semaphore_mem>>) src(%dma_wait3A_629 : memref<10000x128xf32, #tpu.memory_space<hbm>>) dst(%arg10 : memref<125x128xf32, #tpu.memory_space<vmem>>)
      %run_scoped3A_630 = arith.constant 1 : i32
      %run_scoped3A_631 = arith.constant 0 : i32
      "tpu.region"() ({
        %run_scoped3A_906 = tpu.sem_alloc : memref<!tpu.dma_semaphore, #tpu.memory_space<semaphore_mem>>
        %dma_start3A_907 = arith.constant 0 : i32
        %dma_start3A_908 = tpu.memref_slice %arg9[%run_scoped3A_630, %run_scoped3A_631, %dma_start3A_907] : memref<2x8x125xi32, #tpu.memory_space<vmem>> -> memref<1x1x125xi32, #tpu.memory_space<vmem>>
        %dma_start3A_909 = tpu.memref_squeeze %dma_start3A_908 : memref<1x1x125xi32, #tpu.memory_space<vmem>> -> memref<125xi32, #tpu.memory_space<vmem>>
        %dma_start3A_910 = arith.constant 0 : i32
        %dma_start3A_911 = arith.constant 0 : i32
        %dma_start3A_912 = tpu.memref_slice %arg14[%dma_start3A_910, %dma_start3A_911] : memref<10240x128xf32, #tpu.memory_space<vmem_shared>> -> memref<10240x128xf32, #tpu.memory_space<vmem_shared>>
        tpu.enqueue_indirect_dma source(%arg10 : memref<125x128xf32, #tpu.memory_space<vmem>>) target(%dma_start3A_912 : memref<10240x128xf32, #tpu.memory_space<vmem_shared>>) offsets(%dma_start3A_909 : memref<125xi32, #tpu.memory_space<vmem>>) semaphore(%run_scoped3A_906 : memref<!tpu.dma_semaphore, #tpu.memory_space<semaphore_mem>>) {add = true}
        %dma_wait3A_913 = arith.constant 0 : i32
        %dma_wait3A_914 = tpu.memref_slice %arg9[%run_scoped3A_630, %run_scoped3A_631, %dma_wait3A_913] : memref<2x8x125xi32, #tpu.memory_space<vmem>> -> memref<1x1x125xi32, #tpu.memory_space<vmem>>
        %dma_wait3A_915 = tpu.memref_squeeze %dma_wait3A_914 : memref<1x1x125xi32, #tpu.memory_space<vmem>> -> memref<125xi32, #tpu.memory_space<vmem>>
        %dma_wait3A_916 = arith.constant 0 : i32
        %dma_wait3A_917 = arith.constant 0 : i32
        %dma_wait3A_918 = tpu.memref_slice %arg14[%dma_wait3A_916, %dma_wait3A_917] : memref<10240x128xf32, #tpu.memory_space<vmem_shared>> -> memref<10240x128xf32, #tpu.memory_space<vmem_shared>>
        tpu.wait_indirect_dma semaphore(%run_scoped3A_906 : memref<!tpu.dma_semaphore, #tpu.memory_space<semaphore_mem>>) src(%arg10 : memref<125x128xf32, #tpu.memory_space<vmem>>) dst(%dma_wait3A_918 : memref<10240x128xf32, #tpu.memory_space<vmem_shared>>)
        tpu.yield
      }) : () -> ()
      %dma_start3A_632 = arith.constant 1 : i32
      %dma_start3A_633 = arith.constant 0 : i32
      %dma_start3A_634 = arith.constant 0 : i32
      %dma_start3A_635 = tpu.memref_slice %arg12[%dma_start3A_634] : memref<128xf32, #tpu.memory_space<vmem>> -> memref<125xf32, #tpu.memory_space<vmem>>
      %dma_start3A_636 = arith.constant 0 : i32
      %dma_start3A_637 = tpu.memref_slice %arg9[%dma_start3A_632, %dma_start3A_633, %dma_start3A_636] : memref<2x8x125xi32, #tpu.memory_space<vmem>> -> memref<1x1x125xi32, #tpu.memory_space<vmem>>
      %dma_start3A_638 = tpu.memref_squeeze %dma_start3A_637 : memref<1x1x125xi32, #tpu.memory_space<vmem>> -> memref<125xi32, #tpu.memory_space<vmem>>
      %dma_start3A_639 = arith.constant 0 : i32
      %dma_start3A_640 = tpu.memref_slice %arg15[%dma_start3A_639] : memref<10240xf32, #tpu.memory_space<vmem_shared>> -> memref<10240xf32, #tpu.memory_space<vmem_shared>>
      tpu.enqueue_indirect_dma source(%dma_start3A_635 : memref<125xf32, #tpu.memory_space<vmem>>) target(%dma_start3A_640 : memref<10240xf32, #tpu.memory_space<vmem_shared>>) offsets(%dma_start3A_638 : memref<125xi32, #tpu.memory_space<vmem>>) semaphore(%arg19 : memref<!tpu.dma_semaphore, #tpu.memory_space<semaphore_mem>>) {add = true}
      %dma_start3A_641 = arith.constant 1 : i32
      %dma_start3A_642 = arith.constant 2 : i32
      %dma_start3A_643 = arith.constant 0 : i32
      %dma_start3A_644 = tpu.memref_slice %arg8[%dma_start3A_641, %dma_start3A_642, %dma_start3A_643] : memref<2x8x125xi32, #tpu.memory_space<vmem>> -> memref<1x1x125xi32, #tpu.memory_space<vmem>>
      %dma_start3A_645 = tpu.memref_squeeze %dma_start3A_644 : memref<1x1x125xi32, #tpu.memory_space<vmem>> -> memref<125xi32, #tpu.memory_space<vmem>>
      %dma_start3A_646 = arith.constant 0 : i32
      %dma_start3A_647 = arith.constant 0 : i32
      %dma_start3A_648 = tpu.memref_slice %arg2[%dma_start3A_646, %dma_start3A_647] : memref<10000x128xf32, #tpu.memory_space<hbm>> -> memref<10000x128xf32, #tpu.memory_space<hbm>>
      tpu.enqueue_indirect_dma source(%dma_start3A_648 : memref<10000x128xf32, #tpu.memory_space<hbm>>) target(%arg10 : memref<125x128xf32, #tpu.memory_space<vmem>>) offsets(%dma_start3A_645 : memref<125xi32, #tpu.memory_space<vmem>>) semaphore(%arg16 : memref<!tpu.dma_semaphore, #tpu.memory_space<semaphore_mem>>)
      %dma_wait3A_649 = arith.constant 0 : i32
      %dma_wait3A_650 = arith.constant 0 : i32
      %dma_wait3A_651 = arith.constant 0 : i32
      %dma_wait3A_652 = tpu.memref_slice %arg8[%dma_wait3A_649, %dma_wait3A_650, %dma_wait3A_651] : memref<2x8x125xi32, #tpu.memory_space<vmem>> -> memref<1x1x125xi32, #tpu.memory_space<vmem>>
      %dma_wait3A_653 = tpu.memref_squeeze %dma_wait3A_652 : memref<1x1x125xi32, #tpu.memory_space<vmem>> -> memref<125xi32, #tpu.memory_space<vmem>>
      %dma_wait3A_654 = arith.constant 0 : i32
      %dma_wait3A_655 = arith.constant 0 : i32
      %dma_wait3A_656 = tpu.memref_slice %arg2[%dma_wait3A_654, %dma_wait3A_655] : memref<10000x128xf32, #tpu.memory_space<hbm>> -> memref<10000x128xf32, #tpu.memory_space<hbm>>
      tpu.wait_indirect_dma semaphore(%arg17 : memref<!tpu.dma_semaphore, #tpu.memory_space<semaphore_mem>>) src(%dma_wait3A_656 : memref<10000x128xf32, #tpu.memory_space<hbm>>) dst(%arg11 : memref<125x128xf32, #tpu.memory_space<vmem>>)
      %run_scoped3A_657 = arith.constant 1 : i32
      %run_scoped3A_658 = arith.constant 1 : i32
      "tpu.region"() ({
        %run_scoped3A_906 = tpu.sem_alloc : memref<!tpu.dma_semaphore, #tpu.memory_space<semaphore_mem>>
        %dma_start3A_907 = arith.constant 0 : i32
        %dma_start3A_908 = tpu.memref_slice %arg9[%run_scoped3A_657, %run_scoped3A_658, %dma_start3A_907] : memref<2x8x125xi32, #tpu.memory_space<vmem>> -> memref<1x1x125xi32, #tpu.memory_space<vmem>>
        %dma_start3A_909 = tpu.memref_squeeze %dma_start3A_908 : memref<1x1x125xi32, #tpu.memory_space<vmem>> -> memref<125xi32, #tpu.memory_space<vmem>>
        %dma_start3A_910 = arith.constant 0 : i32
        %dma_start3A_911 = arith.constant 0 : i32
        %dma_start3A_912 = tpu.memref_slice %arg14[%dma_start3A_910, %dma_start3A_911] : memref<10240x128xf32, #tpu.memory_space<vmem_shared>> -> memref<10240x128xf32, #tpu.memory_space<vmem_shared>>
        tpu.enqueue_indirect_dma source(%arg11 : memref<125x128xf32, #tpu.memory_space<vmem>>) target(%dma_start3A_912 : memref<10240x128xf32, #tpu.memory_space<vmem_shared>>) offsets(%dma_start3A_909 : memref<125xi32, #tpu.memory_space<vmem>>) semaphore(%run_scoped3A_906 : memref<!tpu.dma_semaphore, #tpu.memory_space<semaphore_mem>>) {add = true}
        %dma_wait3A_913 = arith.constant 0 : i32
        %dma_wait3A_914 = tpu.memref_slice %arg9[%run_scoped3A_657, %run_scoped3A_658, %dma_wait3A_913] : memref<2x8x125xi32, #tpu.memory_space<vmem>> -> memref<1x1x125xi32, #tpu.memory_space<vmem>>
        %dma_wait3A_915 = tpu.memref_squeeze %dma_wait3A_914 : memref<1x1x125xi32, #tpu.memory_space<vmem>> -> memref<125xi32, #tpu.memory_space<vmem>>
        %dma_wait3A_916 = arith.constant 0 : i32
        %dma_wait3A_917 = arith.constant 0 : i32
        %dma_wait3A_918 = tpu.memref_slice %arg14[%dma_wait3A_916, %dma_wait3A_917] : memref<10240x128xf32, #tpu.memory_space<vmem_shared>> -> memref<10240x128xf32, #tpu.memory_space<vmem_shared>>
        tpu.wait_indirect_dma semaphore(%run_scoped3A_906 : memref<!tpu.dma_semaphore, #tpu.memory_space<semaphore_mem>>) src(%arg11 : memref<125x128xf32, #tpu.memory_space<vmem>>) dst(%dma_wait3A_918 : memref<10240x128xf32, #tpu.memory_space<vmem_shared>>)
        tpu.yield
      }) : () -> ()
      %dma_start3A_659 = arith.constant 1 : i32
      %dma_start3A_660 = arith.constant 1 : i32
      %dma_start3A_661 = arith.constant 0 : i32
      %dma_start3A_662 = tpu.memref_slice %arg12[%dma_start3A_661] : memref<128xf32, #tpu.memory_space<vmem>> -> memref<125xf32, #tpu.memory_space<vmem>>
      %dma_start3A_663 = arith.constant 0 : i32
      %dma_start3A_664 = tpu.memref_slice %arg9[%dma_start3A_659, %dma_start3A_660, %dma_start3A_663] : memref<2x8x125xi32, #tpu.memory_space<vmem>> -> memref<1x1x125xi32, #tpu.memory_space<vmem>>
      %dma_start3A_665 = tpu.memref_squeeze %dma_start3A_664 : memref<1x1x125xi32, #tpu.memory_space<vmem>> -> memref<125xi32, #tpu.memory_space<vmem>>
      %dma_start3A_666 = arith.constant 0 : i32
      %dma_start3A_667 = tpu.memref_slice %arg15[%dma_start3A_666] : memref<10240xf32, #tpu.memory_space<vmem_shared>> -> memref<10240xf32, #tpu.memory_space<vmem_shared>>
      tpu.enqueue_indirect_dma source(%dma_start3A_662 : memref<125xf32, #tpu.memory_space<vmem>>) target(%dma_start3A_667 : memref<10240xf32, #tpu.memory_space<vmem_shared>>) offsets(%dma_start3A_665 : memref<125xi32, #tpu.memory_space<vmem>>) semaphore(%arg19 : memref<!tpu.dma_semaphore, #tpu.memory_space<semaphore_mem>>) {add = true}
      %dma_start3A_668 = arith.constant 1 : i32
      %dma_start3A_669 = arith.constant 3 : i32
      %dma_start3A_670 = arith.constant 0 : i32
      %dma_start3A_671 = tpu.memref_slice %arg8[%dma_start3A_668, %dma_start3A_669, %dma_start3A_670] : memref<2x8x125xi32, #tpu.memory_space<vmem>> -> memref<1x1x125xi32, #tpu.memory_space<vmem>>
      %dma_start3A_672 = tpu.memref_squeeze %dma_start3A_671 : memref<1x1x125xi32, #tpu.memory_space<vmem>> -> memref<125xi32, #tpu.memory_space<vmem>>
      %dma_start3A_673 = arith.constant 0 : i32
      %dma_start3A_674 = arith.constant 0 : i32
      %dma_start3A_675 = tpu.memref_slice %arg2[%dma_start3A_673, %dma_start3A_674] : memref<10000x128xf32, #tpu.memory_space<hbm>> -> memref<10000x128xf32, #tpu.memory_space<hbm>>
      tpu.enqueue_indirect_dma source(%dma_start3A_675 : memref<10000x128xf32, #tpu.memory_space<hbm>>) target(%arg11 : memref<125x128xf32, #tpu.memory_space<vmem>>) offsets(%dma_start3A_672 : memref<125xi32, #tpu.memory_space<vmem>>) semaphore(%arg17 : memref<!tpu.dma_semaphore, #tpu.memory_space<semaphore_mem>>)
      %dma_wait3A_676 = arith.constant 0 : i32
      %dma_wait3A_677 = arith.constant 0 : i32
      %dma_wait3A_678 = arith.constant 0 : i32
      %dma_wait3A_679 = tpu.memref_slice %arg8[%dma_wait3A_676, %dma_wait3A_677, %dma_wait3A_678] : memref<2x8x125xi32, #tpu.memory_space<vmem>> -> memref<1x1x125xi32, #tpu.memory_space<vmem>>
      %dma_wait3A_680 = tpu.memref_squeeze %dma_wait3A_679 : memref<1x1x125xi32, #tpu.memory_space<vmem>> -> memref<125xi32, #tpu.memory_space<vmem>>
      %dma_wait3A_681 = arith.constant 0 : i32
      %dma_wait3A_682 = arith.constant 0 : i32
      %dma_wait3A_683 = tpu.memref_slice %arg2[%dma_wait3A_681, %dma_wait3A_682] : memref<10000x128xf32, #tpu.memory_space<hbm>> -> memref<10000x128xf32, #tpu.memory_space<hbm>>
      tpu.wait_indirect_dma semaphore(%arg16 : memref<!tpu.dma_semaphore, #tpu.memory_space<semaphore_mem>>) src(%dma_wait3A_683 : memref<10000x128xf32, #tpu.memory_space<hbm>>) dst(%arg10 : memref<125x128xf32, #tpu.memory_space<vmem>>)
      %run_scoped3A_684 = arith.constant 1 : i32
      %run_scoped3A_685 = arith.constant 2 : i32
      "tpu.region"() ({
        %run_scoped3A_906 = tpu.sem_alloc : memref<!tpu.dma_semaphore, #tpu.memory_space<semaphore_mem>>
        %dma_start3A_907 = arith.constant 0 : i32
        %dma_start3A_908 = tpu.memref_slice %arg9[%run_scoped3A_684, %run_scoped3A_685, %dma_start3A_907] : memref<2x8x125xi32, #tpu.memory_space<vmem>> -> memref<1x1x125xi32, #tpu.memory_space<vmem>>
        %dma_start3A_909 = tpu.memref_squeeze %dma_start3A_908 : memref<1x1x125xi32, #tpu.memory_space<vmem>> -> memref<125xi32, #tpu.memory_space<vmem>>
        %dma_start3A_910 = arith.constant 0 : i32
        %dma_start3A_911 = arith.constant 0 : i32
        %dma_start3A_912 = tpu.memref_slice %arg14[%dma_start3A_910, %dma_start3A_911] : memref<10240x128xf32, #tpu.memory_space<vmem_shared>> -> memref<10240x128xf32, #tpu.memory_space<vmem_shared>>
        tpu.enqueue_indirect_dma source(%arg10 : memref<125x128xf32, #tpu.memory_space<vmem>>) target(%dma_start3A_912 : memref<10240x128xf32, #tpu.memory_space<vmem_shared>>) offsets(%dma_start3A_909 : memref<125xi32, #tpu.memory_space<vmem>>) semaphore(%run_scoped3A_906 : memref<!tpu.dma_semaphore, #tpu.memory_space<semaphore_mem>>) {add = true}
        %dma_wait3A_913 = arith.constant 0 : i32
        %dma_wait3A_914 = tpu.memref_slice %arg9[%run_scoped3A_684, %run_scoped3A_685, %dma_wait3A_913] : memref<2x8x125xi32, #tpu.memory_space<vmem>> -> memref<1x1x125xi32, #tpu.memory_space<vmem>>
        %dma_wait3A_915 = tpu.memref_squeeze %dma_wait3A_914 : memref<1x1x125xi32, #tpu.memory_space<vmem>> -> memref<125xi32, #tpu.memory_space<vmem>>
        %dma_wait3A_916 = arith.constant 0 : i32
        %dma_wait3A_917 = arith.constant 0 : i32
        %dma_wait3A_918 = tpu.memref_slice %arg14[%dma_wait3A_916, %dma_wait3A_917] : memref<10240x128xf32, #tpu.memory_space<vmem_shared>> -> memref<10240x128xf32, #tpu.memory_space<vmem_shared>>
        tpu.wait_indirect_dma semaphore(%run_scoped3A_906 : memref<!tpu.dma_semaphore, #tpu.memory_space<semaphore_mem>>) src(%arg10 : memref<125x128xf32, #tpu.memory_space<vmem>>) dst(%dma_wait3A_918 : memref<10240x128xf32, #tpu.memory_space<vmem_shared>>)
        tpu.yield
      }) : () -> ()
      %dma_start3A_686 = arith.constant 1 : i32
      %dma_start3A_687 = arith.constant 2 : i32
      %dma_start3A_688 = arith.constant 0 : i32
      %dma_start3A_689 = tpu.memref_slice %arg12[%dma_start3A_688] : memref<128xf32, #tpu.memory_space<vmem>> -> memref<125xf32, #tpu.memory_space<vmem>>
      %dma_start3A_690 = arith.constant 0 : i32
      %dma_start3A_691 = tpu.memref_slice %arg9[%dma_start3A_686, %dma_start3A_687, %dma_start3A_690] : memref<2x8x125xi32, #tpu.memory_space<vmem>> -> memref<1x1x125xi32, #tpu.memory_space<vmem>>
      %dma_start3A_692 = tpu.memref_squeeze %dma_start3A_691 : memref<1x1x125xi32, #tpu.memory_space<vmem>> -> memref<125xi32, #tpu.memory_space<vmem>>
      %dma_start3A_693 = arith.constant 0 : i32
      %dma_start3A_694 = tpu.memref_slice %arg15[%dma_start3A_693] : memref<10240xf32, #tpu.memory_space<vmem_shared>> -> memref<10240xf32, #tpu.memory_space<vmem_shared>>
      tpu.enqueue_indirect_dma source(%dma_start3A_689 : memref<125xf32, #tpu.memory_space<vmem>>) target(%dma_start3A_694 : memref<10240xf32, #tpu.memory_space<vmem_shared>>) offsets(%dma_start3A_692 : memref<125xi32, #tpu.memory_space<vmem>>) semaphore(%arg19 : memref<!tpu.dma_semaphore, #tpu.memory_space<semaphore_mem>>) {add = true}
      %dma_start3A_695 = arith.constant 1 : i32
      %dma_start3A_696 = arith.constant 4 : i32
      %dma_start3A_697 = arith.constant 0 : i32
      %dma_start3A_698 = tpu.memref_slice %arg8[%dma_start3A_695, %dma_start3A_696, %dma_start3A_697] : memref<2x8x125xi32, #tpu.memory_space<vmem>> -> memref<1x1x125xi32, #tpu.memory_space<vmem>>
      %dma_start3A_699 = tpu.memref_squeeze %dma_start3A_698 : memref<1x1x125xi32, #tpu.memory_space<vmem>> -> memref<125xi32, #tpu.memory_space<vmem>>
      %dma_start3A_700 = arith.constant 0 : i32
      %dma_start3A_701 = arith.constant 0 : i32
      %dma_start3A_702 = tpu.memref_slice %arg2[%dma_start3A_700, %dma_start3A_701] : memref<10000x128xf32, #tpu.memory_space<hbm>> -> memref<10000x128xf32, #tpu.memory_space<hbm>>
      tpu.enqueue_indirect_dma source(%dma_start3A_702 : memref<10000x128xf32, #tpu.memory_space<hbm>>) target(%arg10 : memref<125x128xf32, #tpu.memory_space<vmem>>) offsets(%dma_start3A_699 : memref<125xi32, #tpu.memory_space<vmem>>) semaphore(%arg16 : memref<!tpu.dma_semaphore, #tpu.memory_space<semaphore_mem>>)
      %dma_wait3A_703 = arith.constant 0 : i32
      %dma_wait3A_704 = arith.constant 0 : i32
      %dma_wait3A_705 = arith.constant 0 : i32
      %dma_wait3A_706 = tpu.memref_slice %arg8[%dma_wait3A_703, %dma_wait3A_704, %dma_wait3A_705] : memref<2x8x125xi32, #tpu.memory_space<vmem>> -> memref<1x1x125xi32, #tpu.memory_space<vmem>>
      %dma_wait3A_707 = tpu.memref_squeeze %dma_wait3A_706 : memref<1x1x125xi32, #tpu.memory_space<vmem>> -> memref<125xi32, #tpu.memory_space<vmem>>
      %dma_wait3A_708 = arith.constant 0 : i32
      %dma_wait3A_709 = arith.constant 0 : i32
      %dma_wait3A_710 = tpu.memref_slice %arg2[%dma_wait3A_708, %dma_wait3A_709] : memref<10000x128xf32, #tpu.memory_space<hbm>> -> memref<10000x128xf32, #tpu.memory_space<hbm>>
      tpu.wait_indirect_dma semaphore(%arg17 : memref<!tpu.dma_semaphore, #tpu.memory_space<semaphore_mem>>) src(%dma_wait3A_710 : memref<10000x128xf32, #tpu.memory_space<hbm>>) dst(%arg11 : memref<125x128xf32, #tpu.memory_space<vmem>>)
      %run_scoped3A_711 = arith.constant 1 : i32
      %run_scoped3A_712 = arith.constant 3 : i32
      "tpu.region"() ({
        %run_scoped3A_906 = tpu.sem_alloc : memref<!tpu.dma_semaphore, #tpu.memory_space<semaphore_mem>>
        %dma_start3A_907 = arith.constant 0 : i32
        %dma_start3A_908 = tpu.memref_slice %arg9[%run_scoped3A_711, %run_scoped3A_712, %dma_start3A_907] : memref<2x8x125xi32, #tpu.memory_space<vmem>> -> memref<1x1x125xi32, #tpu.memory_space<vmem>>
        %dma_start3A_909 = tpu.memref_squeeze %dma_start3A_908 : memref<1x1x125xi32, #tpu.memory_space<vmem>> -> memref<125xi32, #tpu.memory_space<vmem>>
        %dma_start3A_910 = arith.constant 0 : i32
        %dma_start3A_911 = arith.constant 0 : i32
        %dma_start3A_912 = tpu.memref_slice %arg14[%dma_start3A_910, %dma_start3A_911] : memref<10240x128xf32, #tpu.memory_space<vmem_shared>> -> memref<10240x128xf32, #tpu.memory_space<vmem_shared>>
        tpu.enqueue_indirect_dma source(%arg11 : memref<125x128xf32, #tpu.memory_space<vmem>>) target(%dma_start3A_912 : memref<10240x128xf32, #tpu.memory_space<vmem_shared>>) offsets(%dma_start3A_909 : memref<125xi32, #tpu.memory_space<vmem>>) semaphore(%run_scoped3A_906 : memref<!tpu.dma_semaphore, #tpu.memory_space<semaphore_mem>>) {add = true}
        %dma_wait3A_913 = arith.constant 0 : i32
        %dma_wait3A_914 = tpu.memref_slice %arg9[%run_scoped3A_711, %run_scoped3A_712, %dma_wait3A_913] : memref<2x8x125xi32, #tpu.memory_space<vmem>> -> memref<1x1x125xi32, #tpu.memory_space<vmem>>
        %dma_wait3A_915 = tpu.memref_squeeze %dma_wait3A_914 : memref<1x1x125xi32, #tpu.memory_space<vmem>> -> memref<125xi32, #tpu.memory_space<vmem>>
        %dma_wait3A_916 = arith.constant 0 : i32
        %dma_wait3A_917 = arith.constant 0 : i32
        %dma_wait3A_918 = tpu.memref_slice %arg14[%dma_wait3A_916, %dma_wait3A_917] : memref<10240x128xf32, #tpu.memory_space<vmem_shared>> -> memref<10240x128xf32, #tpu.memory_space<vmem_shared>>
        tpu.wait_indirect_dma semaphore(%run_scoped3A_906 : memref<!tpu.dma_semaphore, #tpu.memory_space<semaphore_mem>>) src(%arg11 : memref<125x128xf32, #tpu.memory_space<vmem>>) dst(%dma_wait3A_918 : memref<10240x128xf32, #tpu.memory_space<vmem_shared>>)
        tpu.yield
      }) : () -> ()
      %dma_start3A_713 = arith.constant 1 : i32
      %dma_start3A_714 = arith.constant 3 : i32
      %dma_start3A_715 = arith.constant 0 : i32
      %dma_start3A_716 = tpu.memref_slice %arg12[%dma_start3A_715] : memref<128xf32, #tpu.memory_space<vmem>> -> memref<125xf32, #tpu.memory_space<vmem>>
      %dma_start3A_717 = arith.constant 0 : i32
      %dma_start3A_718 = tpu.memref_slice %arg9[%dma_start3A_713, %dma_start3A_714, %dma_start3A_717] : memref<2x8x125xi32, #tpu.memory_space<vmem>> -> memref<1x1x125xi32, #tpu.memory_space<vmem>>
      %dma_start3A_719 = tpu.memref_squeeze %dma_start3A_718 : memref<1x1x125xi32, #tpu.memory_space<vmem>> -> memref<125xi32, #tpu.memory_space<vmem>>
      %dma_start3A_720 = arith.constant 0 : i32
      %dma_start3A_721 = tpu.memref_slice %arg15[%dma_start3A_720] : memref<10240xf32, #tpu.memory_space<vmem_shared>> -> memref<10240xf32, #tpu.memory_space<vmem_shared>>
      tpu.enqueue_indirect_dma source(%dma_start3A_716 : memref<125xf32, #tpu.memory_space<vmem>>) target(%dma_start3A_721 : memref<10240xf32, #tpu.memory_space<vmem_shared>>) offsets(%dma_start3A_719 : memref<125xi32, #tpu.memory_space<vmem>>) semaphore(%arg19 : memref<!tpu.dma_semaphore, #tpu.memory_space<semaphore_mem>>) {add = true}
      %dma_start3A_722 = arith.constant 1 : i32
      %dma_start3A_723 = arith.constant 5 : i32
      %dma_start3A_724 = arith.constant 0 : i32
      %dma_start3A_725 = tpu.memref_slice %arg8[%dma_start3A_722, %dma_start3A_723, %dma_start3A_724] : memref<2x8x125xi32, #tpu.memory_space<vmem>> -> memref<1x1x125xi32, #tpu.memory_space<vmem>>
      %dma_start3A_726 = tpu.memref_squeeze %dma_start3A_725 : memref<1x1x125xi32, #tpu.memory_space<vmem>> -> memref<125xi32, #tpu.memory_space<vmem>>
      %dma_start3A_727 = arith.constant 0 : i32
      %dma_start3A_728 = arith.constant 0 : i32
      %dma_start3A_729 = tpu.memref_slice %arg2[%dma_start3A_727, %dma_start3A_728] : memref<10000x128xf32, #tpu.memory_space<hbm>> -> memref<10000x128xf32, #tpu.memory_space<hbm>>
      tpu.enqueue_indirect_dma source(%dma_start3A_729 : memref<10000x128xf32, #tpu.memory_space<hbm>>) target(%arg11 : memref<125x128xf32, #tpu.memory_space<vmem>>) offsets(%dma_start3A_726 : memref<125xi32, #tpu.memory_space<vmem>>) semaphore(%arg17 : memref<!tpu.dma_semaphore, #tpu.memory_space<semaphore_mem>>)
      %dma_wait3A_730 = arith.constant 0 : i32
      %dma_wait3A_731 = arith.constant 0 : i32
      %dma_wait3A_732 = arith.constant 0 : i32
      %dma_wait3A_733 = tpu.memref_slice %arg8[%dma_wait3A_730, %dma_wait3A_731, %dma_wait3A_732] : memref<2x8x125xi32, #tpu.memory_space<vmem>> -> memref<1x1x125xi32, #tpu.memory_space<vmem>>
      %dma_wait3A_734 = tpu.memref_squeeze %dma_wait3A_733 : memref<1x1x125xi32, #tpu.memory_space<vmem>> -> memref<125xi32, #tpu.memory_space<vmem>>
      %dma_wait3A_735 = arith.constant 0 : i32
      %dma_wait3A_736 = arith.constant 0 : i32
      %dma_wait3A_737 = tpu.memref_slice %arg2[%dma_wait3A_735, %dma_wait3A_736] : memref<10000x128xf32, #tpu.memory_space<hbm>> -> memref<10000x128xf32, #tpu.memory_space<hbm>>
      tpu.wait_indirect_dma semaphore(%arg16 : memref<!tpu.dma_semaphore, #tpu.memory_space<semaphore_mem>>) src(%dma_wait3A_737 : memref<10000x128xf32, #tpu.memory_space<hbm>>) dst(%arg10 : memref<125x128xf32, #tpu.memory_space<vmem>>)
      %run_scoped3A_738 = arith.constant 1 : i32
      %run_scoped3A_739 = arith.constant 4 : i32
      "tpu.region"() ({
        %run_scoped3A_906 = tpu.sem_alloc : memref<!tpu.dma_semaphore, #tpu.memory_space<semaphore_mem>>
        %dma_start3A_907 = arith.constant 0 : i32
        %dma_start3A_908 = tpu.memref_slice %arg9[%run_scoped3A_738, %run_scoped3A_739, %dma_start3A_907] : memref<2x8x125xi32, #tpu.memory_space<vmem>> -> memref<1x1x125xi32, #tpu.memory_space<vmem>>
        %dma_start3A_909 = tpu.memref_squeeze %dma_start3A_908 : memref<1x1x125xi32, #tpu.memory_space<vmem>> -> memref<125xi32, #tpu.memory_space<vmem>>
        %dma_start3A_910 = arith.constant 0 : i32
        %dma_start3A_911 = arith.constant 0 : i32
        %dma_start3A_912 = tpu.memref_slice %arg14[%dma_start3A_910, %dma_start3A_911] : memref<10240x128xf32, #tpu.memory_space<vmem_shared>> -> memref<10240x128xf32, #tpu.memory_space<vmem_shared>>
        tpu.enqueue_indirect_dma source(%arg10 : memref<125x128xf32, #tpu.memory_space<vmem>>) target(%dma_start3A_912 : memref<10240x128xf32, #tpu.memory_space<vmem_shared>>) offsets(%dma_start3A_909 : memref<125xi32, #tpu.memory_space<vmem>>) semaphore(%run_scoped3A_906 : memref<!tpu.dma_semaphore, #tpu.memory_space<semaphore_mem>>) {add = true}
        %dma_wait3A_913 = arith.constant 0 : i32
        %dma_wait3A_914 = tpu.memref_slice %arg9[%run_scoped3A_738, %run_scoped3A_739, %dma_wait3A_913] : memref<2x8x125xi32, #tpu.memory_space<vmem>> -> memref<1x1x125xi32, #tpu.memory_space<vmem>>
        %dma_wait3A_915 = tpu.memref_squeeze %dma_wait3A_914 : memref<1x1x125xi32, #tpu.memory_space<vmem>> -> memref<125xi32, #tpu.memory_space<vmem>>
        %dma_wait3A_916 = arith.constant 0 : i32
        %dma_wait3A_917 = arith.constant 0 : i32
        %dma_wait3A_918 = tpu.memref_slice %arg14[%dma_wait3A_916, %dma_wait3A_917] : memref<10240x128xf32, #tpu.memory_space<vmem_shared>> -> memref<10240x128xf32, #tpu.memory_space<vmem_shared>>
        tpu.wait_indirect_dma semaphore(%run_scoped3A_906 : memref<!tpu.dma_semaphore, #tpu.memory_space<semaphore_mem>>) src(%arg10 : memref<125x128xf32, #tpu.memory_space<vmem>>) dst(%dma_wait3A_918 : memref<10240x128xf32, #tpu.memory_space<vmem_shared>>)
        tpu.yield
      }) : () -> ()
      %dma_start3A_740 = arith.constant 1 : i32
      %dma_start3A_741 = arith.constant 4 : i32
      %dma_start3A_742 = arith.constant 0 : i32
      %dma_start3A_743 = tpu.memref_slice %arg12[%dma_start3A_742] : memref<128xf32, #tpu.memory_space<vmem>> -> memref<125xf32, #tpu.memory_space<vmem>>
      %dma_start3A_744 = arith.constant 0 : i32
      %dma_start3A_745 = tpu.memref_slice %arg9[%dma_start3A_740, %dma_start3A_741, %dma_start3A_744] : memref<2x8x125xi32, #tpu.memory_space<vmem>> -> memref<1x1x125xi32, #tpu.memory_space<vmem>>
      %dma_start3A_746 = tpu.memref_squeeze %dma_start3A_745 : memref<1x1x125xi32, #tpu.memory_space<vmem>> -> memref<125xi32, #tpu.memory_space<vmem>>
      %dma_start3A_747 = arith.constant 0 : i32
      %dma_start3A_748 = tpu.memref_slice %arg15[%dma_start3A_747] : memref<10240xf32, #tpu.memory_space<vmem_shared>> -> memref<10240xf32, #tpu.memory_space<vmem_shared>>
      tpu.enqueue_indirect_dma source(%dma_start3A_743 : memref<125xf32, #tpu.memory_space<vmem>>) target(%dma_start3A_748 : memref<10240xf32, #tpu.memory_space<vmem_shared>>) offsets(%dma_start3A_746 : memref<125xi32, #tpu.memory_space<vmem>>) semaphore(%arg19 : memref<!tpu.dma_semaphore, #tpu.memory_space<semaphore_mem>>) {add = true}
      %dma_start3A_749 = arith.constant 1 : i32
      %dma_start3A_750 = arith.constant 6 : i32
      %dma_start3A_751 = arith.constant 0 : i32
      %dma_start3A_752 = tpu.memref_slice %arg8[%dma_start3A_749, %dma_start3A_750, %dma_start3A_751] : memref<2x8x125xi32, #tpu.memory_space<vmem>> -> memref<1x1x125xi32, #tpu.memory_space<vmem>>
      %dma_start3A_753 = tpu.memref_squeeze %dma_start3A_752 : memref<1x1x125xi32, #tpu.memory_space<vmem>> -> memref<125xi32, #tpu.memory_space<vmem>>
      %dma_start3A_754 = arith.constant 0 : i32
      %dma_start3A_755 = arith.constant 0 : i32
      %dma_start3A_756 = tpu.memref_slice %arg2[%dma_start3A_754, %dma_start3A_755] : memref<10000x128xf32, #tpu.memory_space<hbm>> -> memref<10000x128xf32, #tpu.memory_space<hbm>>
      tpu.enqueue_indirect_dma source(%dma_start3A_756 : memref<10000x128xf32, #tpu.memory_space<hbm>>) target(%arg10 : memref<125x128xf32, #tpu.memory_space<vmem>>) offsets(%dma_start3A_753 : memref<125xi32, #tpu.memory_space<vmem>>) semaphore(%arg16 : memref<!tpu.dma_semaphore, #tpu.memory_space<semaphore_mem>>)
      %dma_wait3A_757 = arith.constant 0 : i32
      %dma_wait3A_758 = arith.constant 0 : i32
      %dma_wait3A_759 = arith.constant 0 : i32
      %dma_wait3A_760 = tpu.memref_slice %arg8[%dma_wait3A_757, %dma_wait3A_758, %dma_wait3A_759] : memref<2x8x125xi32, #tpu.memory_space<vmem>> -> memref<1x1x125xi32, #tpu.memory_space<vmem>>
      %dma_wait3A_761 = tpu.memref_squeeze %dma_wait3A_760 : memref<1x1x125xi32, #tpu.memory_space<vmem>> -> memref<125xi32, #tpu.memory_space<vmem>>
      %dma_wait3A_762 = arith.constant 0 : i32
      %dma_wait3A_763 = arith.constant 0 : i32
      %dma_wait3A_764 = tpu.memref_slice %arg2[%dma_wait3A_762, %dma_wait3A_763] : memref<10000x128xf32, #tpu.memory_space<hbm>> -> memref<10000x128xf32, #tpu.memory_space<hbm>>
      tpu.wait_indirect_dma semaphore(%arg17 : memref<!tpu.dma_semaphore, #tpu.memory_space<semaphore_mem>>) src(%dma_wait3A_764 : memref<10000x128xf32, #tpu.memory_space<hbm>>) dst(%arg11 : memref<125x128xf32, #tpu.memory_space<vmem>>)
      %run_scoped3A_765 = arith.constant 1 : i32
      %run_scoped3A_766 = arith.constant 5 : i32
      "tpu.region"() ({
        %run_scoped3A_906 = tpu.sem_alloc : memref<!tpu.dma_semaphore, #tpu.memory_space<semaphore_mem>>
        %dma_start3A_907 = arith.constant 0 : i32
        %dma_start3A_908 = tpu.memref_slice %arg9[%run_scoped3A_765, %run_scoped3A_766, %dma_start3A_907] : memref<2x8x125xi32, #tpu.memory_space<vmem>> -> memref<1x1x125xi32, #tpu.memory_space<vmem>>
        %dma_start3A_909 = tpu.memref_squeeze %dma_start3A_908 : memref<1x1x125xi32, #tpu.memory_space<vmem>> -> memref<125xi32, #tpu.memory_space<vmem>>
        %dma_start3A_910 = arith.constant 0 : i32
        %dma_start3A_911 = arith.constant 0 : i32
        %dma_start3A_912 = tpu.memref_slice %arg14[%dma_start3A_910, %dma_start3A_911] : memref<10240x128xf32, #tpu.memory_space<vmem_shared>> -> memref<10240x128xf32, #tpu.memory_space<vmem_shared>>
        tpu.enqueue_indirect_dma source(%arg11 : memref<125x128xf32, #tpu.memory_space<vmem>>) target(%dma_start3A_912 : memref<10240x128xf32, #tpu.memory_space<vmem_shared>>) offsets(%dma_start3A_909 : memref<125xi32, #tpu.memory_space<vmem>>) semaphore(%run_scoped3A_906 : memref<!tpu.dma_semaphore, #tpu.memory_space<semaphore_mem>>) {add = true}
        %dma_wait3A_913 = arith.constant 0 : i32
        %dma_wait3A_914 = tpu.memref_slice %arg9[%run_scoped3A_765, %run_scoped3A_766, %dma_wait3A_913] : memref<2x8x125xi32, #tpu.memory_space<vmem>> -> memref<1x1x125xi32, #tpu.memory_space<vmem>>
        %dma_wait3A_915 = tpu.memref_squeeze %dma_wait3A_914 : memref<1x1x125xi32, #tpu.memory_space<vmem>> -> memref<125xi32, #tpu.memory_space<vmem>>
        %dma_wait3A_916 = arith.constant 0 : i32
        %dma_wait3A_917 = arith.constant 0 : i32
        %dma_wait3A_918 = tpu.memref_slice %arg14[%dma_wait3A_916, %dma_wait3A_917] : memref<10240x128xf32, #tpu.memory_space<vmem_shared>> -> memref<10240x128xf32, #tpu.memory_space<vmem_shared>>
        tpu.wait_indirect_dma semaphore(%run_scoped3A_906 : memref<!tpu.dma_semaphore, #tpu.memory_space<semaphore_mem>>) src(%arg11 : memref<125x128xf32, #tpu.memory_space<vmem>>) dst(%dma_wait3A_918 : memref<10240x128xf32, #tpu.memory_space<vmem_shared>>)
        tpu.yield
      }) : () -> ()
      %dma_start3A_767 = arith.constant 1 : i32
      %dma_start3A_768 = arith.constant 5 : i32
      %dma_start3A_769 = arith.constant 0 : i32
      %dma_start3A_770 = tpu.memref_slice %arg12[%dma_start3A_769] : memref<128xf32, #tpu.memory_space<vmem>> -> memref<125xf32, #tpu.memory_space<vmem>>
      %dma_start3A_771 = arith.constant 0 : i32
      %dma_start3A_772 = tpu.memref_slice %arg9[%dma_start3A_767, %dma_start3A_768, %dma_start3A_771] : memref<2x8x125xi32, #tpu.memory_space<vmem>> -> memref<1x1x125xi32, #tpu.memory_space<vmem>>
      %dma_start3A_773 = tpu.memref_squeeze %dma_start3A_772 : memref<1x1x125xi32, #tpu.memory_space<vmem>> -> memref<125xi32, #tpu.memory_space<vmem>>
      %dma_start3A_774 = arith.constant 0 : i32
      %dma_start3A_775 = tpu.memref_slice %arg15[%dma_start3A_774] : memref<10240xf32, #tpu.memory_space<vmem_shared>> -> memref<10240xf32, #tpu.memory_space<vmem_shared>>
      tpu.enqueue_indirect_dma source(%dma_start3A_770 : memref<125xf32, #tpu.memory_space<vmem>>) target(%dma_start3A_775 : memref<10240xf32, #tpu.memory_space<vmem_shared>>) offsets(%dma_start3A_773 : memref<125xi32, #tpu.memory_space<vmem>>) semaphore(%arg19 : memref<!tpu.dma_semaphore, #tpu.memory_space<semaphore_mem>>) {add = true}
      %dma_start3A_776 = arith.constant 1 : i32
      %dma_start3A_777 = arith.constant 7 : i32
      %dma_start3A_778 = arith.constant 0 : i32
      %dma_start3A_779 = tpu.memref_slice %arg8[%dma_start3A_776, %dma_start3A_777, %dma_start3A_778] : memref<2x8x125xi32, #tpu.memory_space<vmem>> -> memref<1x1x125xi32, #tpu.memory_space<vmem>>
      %dma_start3A_780 = tpu.memref_squeeze %dma_start3A_779 : memref<1x1x125xi32, #tpu.memory_space<vmem>> -> memref<125xi32, #tpu.memory_space<vmem>>
      %dma_start3A_781 = arith.constant 0 : i32
      %dma_start3A_782 = arith.constant 0 : i32
      %dma_start3A_783 = tpu.memref_slice %arg2[%dma_start3A_781, %dma_start3A_782] : memref<10000x128xf32, #tpu.memory_space<hbm>> -> memref<10000x128xf32, #tpu.memory_space<hbm>>
      tpu.enqueue_indirect_dma source(%dma_start3A_783 : memref<10000x128xf32, #tpu.memory_space<hbm>>) target(%arg11 : memref<125x128xf32, #tpu.memory_space<vmem>>) offsets(%dma_start3A_780 : memref<125xi32, #tpu.memory_space<vmem>>) semaphore(%arg17 : memref<!tpu.dma_semaphore, #tpu.memory_space<semaphore_mem>>)
      %dma_wait3A_784 = arith.constant 0 : i32
      %dma_wait3A_785 = arith.constant 0 : i32
      %dma_wait3A_786 = arith.constant 0 : i32
      %dma_wait3A_787 = tpu.memref_slice %arg8[%dma_wait3A_784, %dma_wait3A_785, %dma_wait3A_786] : memref<2x8x125xi32, #tpu.memory_space<vmem>> -> memref<1x1x125xi32, #tpu.memory_space<vmem>>
      %dma_wait3A_788 = tpu.memref_squeeze %dma_wait3A_787 : memref<1x1x125xi32, #tpu.memory_space<vmem>> -> memref<125xi32, #tpu.memory_space<vmem>>
      %dma_wait3A_789 = arith.constant 0 : i32
      %dma_wait3A_790 = arith.constant 0 : i32
      %dma_wait3A_791 = tpu.memref_slice %arg2[%dma_wait3A_789, %dma_wait3A_790] : memref<10000x128xf32, #tpu.memory_space<hbm>> -> memref<10000x128xf32, #tpu.memory_space<hbm>>
      tpu.wait_indirect_dma semaphore(%arg16 : memref<!tpu.dma_semaphore, #tpu.memory_space<semaphore_mem>>) src(%dma_wait3A_791 : memref<10000x128xf32, #tpu.memory_space<hbm>>) dst(%arg10 : memref<125x128xf32, #tpu.memory_space<vmem>>)
      %run_scoped3A_792 = arith.constant 1 : i32
      %run_scoped3A_793 = arith.constant 6 : i32
      "tpu.region"() ({
        %run_scoped3A_906 = tpu.sem_alloc : memref<!tpu.dma_semaphore, #tpu.memory_space<semaphore_mem>>
        %dma_start3A_907 = arith.constant 0 : i32
        %dma_start3A_908 = tpu.memref_slice %arg9[%run_scoped3A_792, %run_scoped3A_793, %dma_start3A_907] : memref<2x8x125xi32, #tpu.memory_space<vmem>> -> memref<1x1x125xi32, #tpu.memory_space<vmem>>
        %dma_start3A_909 = tpu.memref_squeeze %dma_start3A_908 : memref<1x1x125xi32, #tpu.memory_space<vmem>> -> memref<125xi32, #tpu.memory_space<vmem>>
        %dma_start3A_910 = arith.constant 0 : i32
        %dma_start3A_911 = arith.constant 0 : i32
        %dma_start3A_912 = tpu.memref_slice %arg14[%dma_start3A_910, %dma_start3A_911] : memref<10240x128xf32, #tpu.memory_space<vmem_shared>> -> memref<10240x128xf32, #tpu.memory_space<vmem_shared>>
        tpu.enqueue_indirect_dma source(%arg10 : memref<125x128xf32, #tpu.memory_space<vmem>>) target(%dma_start3A_912 : memref<10240x128xf32, #tpu.memory_space<vmem_shared>>) offsets(%dma_start3A_909 : memref<125xi32, #tpu.memory_space<vmem>>) semaphore(%run_scoped3A_906 : memref<!tpu.dma_semaphore, #tpu.memory_space<semaphore_mem>>) {add = true}
        %dma_wait3A_913 = arith.constant 0 : i32
        %dma_wait3A_914 = tpu.memref_slice %arg9[%run_scoped3A_792, %run_scoped3A_793, %dma_wait3A_913] : memref<2x8x125xi32, #tpu.memory_space<vmem>> -> memref<1x1x125xi32, #tpu.memory_space<vmem>>
        %dma_wait3A_915 = tpu.memref_squeeze %dma_wait3A_914 : memref<1x1x125xi32, #tpu.memory_space<vmem>> -> memref<125xi32, #tpu.memory_space<vmem>>
        %dma_wait3A_916 = arith.constant 0 : i32
        %dma_wait3A_917 = arith.constant 0 : i32
        %dma_wait3A_918 = tpu.memref_slice %arg14[%dma_wait3A_916, %dma_wait3A_917] : memref<10240x128xf32, #tpu.memory_space<vmem_shared>> -> memref<10240x128xf32, #tpu.memory_space<vmem_shared>>
        tpu.wait_indirect_dma semaphore(%run_scoped3A_906 : memref<!tpu.dma_semaphore, #tpu.memory_space<semaphore_mem>>) src(%arg10 : memref<125x128xf32, #tpu.memory_space<vmem>>) dst(%dma_wait3A_918 : memref<10240x128xf32, #tpu.memory_space<vmem_shared>>)
        tpu.yield
      }) : () -> ()
      %dma_start3A_794 = arith.constant 1 : i32
      %dma_start3A_795 = arith.constant 6 : i32
      %dma_start3A_796 = arith.constant 0 : i32
      %dma_start3A_797 = tpu.memref_slice %arg12[%dma_start3A_796] : memref<128xf32, #tpu.memory_space<vmem>> -> memref<125xf32, #tpu.memory_space<vmem>>
      %dma_start3A_798 = arith.constant 0 : i32
      %dma_start3A_799 = tpu.memref_slice %arg9[%dma_start3A_794, %dma_start3A_795, %dma_start3A_798] : memref<2x8x125xi32, #tpu.memory_space<vmem>> -> memref<1x1x125xi32, #tpu.memory_space<vmem>>
      %dma_start3A_800 = tpu.memref_squeeze %dma_start3A_799 : memref<1x1x125xi32, #tpu.memory_space<vmem>> -> memref<125xi32, #tpu.memory_space<vmem>>
      %dma_start3A_801 = arith.constant 0 : i32
      %dma_start3A_802 = tpu.memref_slice %arg15[%dma_start3A_801] : memref<10240xf32, #tpu.memory_space<vmem_shared>> -> memref<10240xf32, #tpu.memory_space<vmem_shared>>
      tpu.enqueue_indirect_dma source(%dma_start3A_797 : memref<125xf32, #tpu.memory_space<vmem>>) target(%dma_start3A_802 : memref<10240xf32, #tpu.memory_space<vmem_shared>>) offsets(%dma_start3A_800 : memref<125xi32, #tpu.memory_space<vmem>>) semaphore(%arg19 : memref<!tpu.dma_semaphore, #tpu.memory_space<semaphore_mem>>) {add = true}
      %convert_element_type3A_803 = arith.extui %lt3A_295 : i1 to i32
      %cond3A_804 = arith.constant 0 : i32
      %cond3A_805 = arith.cmpi ne, %convert_element_type3A_803, %cond3A_804 : i32
      scf.if %cond3A_805 {
        %dma_wait3A_906 = arith.constant 0 : i32
        %dma_wait3A_907 = arith.constant 0 : i32
        %dma_wait3A_908 = arith.constant 0 : i32
        %dma_wait3A_909 = arith.constant 0 : i32
        %dma_wait3A_910 = tpu.memref_slice %arg8[%dma_wait3A_907, %dma_wait3A_908, %dma_wait3A_909] : memref<2x8x125xi32, #tpu.memory_space<vmem>> -> memref<1x8x125xi32, #tpu.memory_space<vmem>>
        %dma_wait3A_911 = tpu.memref_squeeze %dma_wait3A_910 : memref<1x8x125xi32, #tpu.memory_space<vmem>> -> memref<8x125xi32, #tpu.memory_space<vmem>>
        %dma_wait3A_912 = arith.constant 0 : i32
        %dma_wait3A_913 = arith.constant 0 : i32
        %dma_wait3A_914 = tpu.memref_slice %arg3[%dma_wait3A_906, %add3A, %dma_wait3A_912, %dma_wait3A_913] : memref<2x32x80x125xi32, #tpu.memory_space<hbm>> -> memref<1x1x8x125xi32, #tpu.memory_space<hbm>>
        %dma_wait3A_915 = tpu.memref_squeeze %dma_wait3A_914 : memref<1x1x8x125xi32, #tpu.memory_space<hbm>> -> memref<8x125xi32, #tpu.memory_space<hbm>>
        %dma_wait3A_916 = arith.constant 0 : i32
        %dma_wait3A_917 = arith.constant 0 : i32
        %dma_wait3A_918 = tpu.memref_slice %arg8[%dma_wait3A_907, %dma_wait3A_916, %dma_wait3A_917] : memref<2x8x125xi32, #tpu.memory_space<vmem>> -> memref<1x8x125xi32, #tpu.memory_space<vmem>>
        %dma_wait3A_919 = tpu.memref_squeeze %dma_wait3A_918 : memref<1x8x125xi32, #tpu.memory_space<vmem>> -> memref<8x125xi32, #tpu.memory_space<vmem>>
        %dma_wait3A_920 = arith.constant 0 : i32
        %dma_wait3A_921 = arith.constant 0 : i32
        %dma_wait3A_922 = tpu.memref_slice %arg3[%dma_wait3A_906, %add3A, %dma_wait3A_920, %dma_wait3A_921] : memref<2x32x80x125xi32, #tpu.memory_space<hbm>> -> memref<1x1x8x125xi32, #tpu.memory_space<hbm>>
        %dma_wait3A_923 = tpu.memref_squeeze %dma_wait3A_922 : memref<1x1x8x125xi32, #tpu.memory_space<hbm>> -> memref<8x125xi32, #tpu.memory_space<hbm>>
        tpu.wait_dma2 semaphore(%arg18 : memref<!tpu.dma_semaphore, #tpu.memory_space<semaphore_mem>>) src(%dma_wait3A_923 : memref<8x125xi32, #tpu.memory_space<hbm>>) dst(%dma_wait3A_919 : memref<8x125xi32, #tpu.memory_space<vmem>>)
        %dma_wait3A_924 = arith.constant 1 : i32
        %dma_wait3A_925 = arith.constant 0 : i32
        %dma_wait3A_926 = arith.constant 0 : i32
        %dma_wait3A_927 = arith.constant 0 : i32
        %dma_wait3A_928 = tpu.memref_slice %arg9[%dma_wait3A_925, %dma_wait3A_926, %dma_wait3A_927] : memref<2x8x125xi32, #tpu.memory_space<vmem>> -> memref<1x8x125xi32, #tpu.memory_space<vmem>>
        %dma_wait3A_929 = tpu.memref_squeeze %dma_wait3A_928 : memref<1x8x125xi32, #tpu.memory_space<vmem>> -> memref<8x125xi32, #tpu.memory_space<vmem>>
        %dma_wait3A_930 = arith.constant 0 : i32
        %dma_wait3A_931 = arith.constant 0 : i32
        %dma_wait3A_932 = tpu.memref_slice %arg3[%dma_wait3A_924, %add3A, %dma_wait3A_930, %dma_wait3A_931] : memref<2x32x80x125xi32, #tpu.memory_space<hbm>> -> memref<1x1x8x125xi32, #tpu.memory_space<hbm>>
        %dma_wait3A_933 = tpu.memref_squeeze %dma_wait3A_932 : memref<1x1x8x125xi32, #tpu.memory_space<hbm>> -> memref<8x125xi32, #tpu.memory_space<hbm>>
        %dma_wait3A_934 = arith.constant 0 : i32
        %dma_wait3A_935 = arith.constant 0 : i32
        %dma_wait3A_936 = tpu.memref_slice %arg9[%dma_wait3A_925, %dma_wait3A_934, %dma_wait3A_935] : memref<2x8x125xi32, #tpu.memory_space<vmem>> -> memref<1x8x125xi32, #tpu.memory_space<vmem>>
        %dma_wait3A_937 = tpu.memref_squeeze %dma_wait3A_936 : memref<1x8x125xi32, #tpu.memory_space<vmem>> -> memref<8x125xi32, #tpu.memory_space<vmem>>
        %dma_wait3A_938 = arith.constant 0 : i32
        %dma_wait3A_939 = arith.constant 0 : i32
        %dma_wait3A_940 = tpu.memref_slice %arg3[%dma_wait3A_924, %add3A, %dma_wait3A_938, %dma_wait3A_939] : memref<2x32x80x125xi32, #tpu.memory_space<hbm>> -> memref<1x1x8x125xi32, #tpu.memory_space<hbm>>
        %dma_wait3A_941 = tpu.memref_squeeze %dma_wait3A_940 : memref<1x1x8x125xi32, #tpu.memory_space<hbm>> -> memref<8x125xi32, #tpu.memory_space<hbm>>
        tpu.wait_dma2 semaphore(%arg18 : memref<!tpu.dma_semaphore, #tpu.memory_space<semaphore_mem>>) src(%dma_wait3A_941 : memref<8x125xi32, #tpu.memory_space<hbm>>) dst(%dma_wait3A_937 : memref<8x125xi32, #tpu.memory_space<vmem>>)
      } else {
      }
      %convert_element_type3A_806 = arith.extui %lt3A_295 : i1 to i32
      %cond3A_807 = arith.constant 0 : i32
      %cond3A_808 = arith.cmpi ne, %convert_element_type3A_806, %cond3A_807 : i32
      scf.if %cond3A_808 {
        %dma_start3A_906 = arith.constant 0 : i32
        %dma_start3A_907 = arith.constant 0 : i32
        %dma_start3A_908 = arith.constant 0 : i32
        %dma_start3A_909 = tpu.memref_slice %arg8[%dma_start3A_906, %dma_start3A_907, %dma_start3A_908] : memref<2x8x125xi32, #tpu.memory_space<vmem>> -> memref<1x1x125xi32, #tpu.memory_space<vmem>>
        %dma_start3A_910 = tpu.memref_squeeze %dma_start3A_909 : memref<1x1x125xi32, #tpu.memory_space<vmem>> -> memref<125xi32, #tpu.memory_space<vmem>>
        %dma_start3A_911 = arith.constant 0 : i32
        %dma_start3A_912 = arith.constant 0 : i32
        %dma_start3A_913 = tpu.memref_slice %arg2[%dma_start3A_911, %dma_start3A_912] : memref<10000x128xf32, #tpu.memory_space<hbm>> -> memref<10000x128xf32, #tpu.memory_space<hbm>>
        tpu.enqueue_indirect_dma source(%dma_start3A_913 : memref<10000x128xf32, #tpu.memory_space<hbm>>) target(%arg10 : memref<125x128xf32, #tpu.memory_space<vmem>>) offsets(%dma_start3A_910 : memref<125xi32, #tpu.memory_space<vmem>>) semaphore(%arg16 : memref<!tpu.dma_semaphore, #tpu.memory_space<semaphore_mem>>)
      } else {
      }
      %dma_wait3A_809 = arith.constant 0 : i32
      %dma_wait3A_810 = arith.constant 0 : i32
      %dma_wait3A_811 = arith.constant 0 : i32
      %dma_wait3A_812 = tpu.memref_slice %arg8[%dma_wait3A_809, %dma_wait3A_810, %dma_wait3A_811] : memref<2x8x125xi32, #tpu.memory_space<vmem>> -> memref<1x1x125xi32, #tpu.memory_space<vmem>>
      %dma_wait3A_813 = tpu.memref_squeeze %dma_wait3A_812 : memref<1x1x125xi32, #tpu.memory_space<vmem>> -> memref<125xi32, #tpu.memory_space<vmem>>
      %dma_wait3A_814 = arith.constant 0 : i32
      %dma_wait3A_815 = arith.constant 0 : i32
      %dma_wait3A_816 = tpu.memref_slice %arg2[%dma_wait3A_814, %dma_wait3A_815] : memref<10000x128xf32, #tpu.memory_space<hbm>> -> memref<10000x128xf32, #tpu.memory_space<hbm>>
      tpu.wait_indirect_dma semaphore(%arg17 : memref<!tpu.dma_semaphore, #tpu.memory_space<semaphore_mem>>) src(%dma_wait3A_816 : memref<10000x128xf32, #tpu.memory_space<hbm>>) dst(%arg11 : memref<125x128xf32, #tpu.memory_space<vmem>>)
      %run_scoped3A_817 = arith.constant 1 : i32
      %run_scoped3A_818 = arith.constant 7 : i32
      "tpu.region"() ({
        %run_scoped3A_906 = tpu.sem_alloc : memref<!tpu.dma_semaphore, #tpu.memory_space<semaphore_mem>>
        %dma_start3A_907 = arith.constant 0 : i32
        %dma_start3A_908 = tpu.memref_slice %arg9[%run_scoped3A_817, %run_scoped3A_818, %dma_start3A_907] : memref<2x8x125xi32, #tpu.memory_space<vmem>> -> memref<1x1x125xi32, #tpu.memory_space<vmem>>
        %dma_start3A_909 = tpu.memref_squeeze %dma_start3A_908 : memref<1x1x125xi32, #tpu.memory_space<vmem>> -> memref<125xi32, #tpu.memory_space<vmem>>
        %dma_start3A_910 = arith.constant 0 : i32
        %dma_start3A_911 = arith.constant 0 : i32
        %dma_start3A_912 = tpu.memref_slice %arg14[%dma_start3A_910, %dma_start3A_911] : memref<10240x128xf32, #tpu.memory_space<vmem_shared>> -> memref<10240x128xf32, #tpu.memory_space<vmem_shared>>
        tpu.enqueue_indirect_dma source(%arg11 : memref<125x128xf32, #tpu.memory_space<vmem>>) target(%dma_start3A_912 : memref<10240x128xf32, #tpu.memory_space<vmem_shared>>) offsets(%dma_start3A_909 : memref<125xi32, #tpu.memory_space<vmem>>) semaphore(%run_scoped3A_906 : memref<!tpu.dma_semaphore, #tpu.memory_space<semaphore_mem>>) {add = true}
        %dma_wait3A_913 = arith.constant 0 : i32
        %dma_wait3A_914 = tpu.memref_slice %arg9[%run_scoped3A_817, %run_scoped3A_818, %dma_wait3A_913] : memref<2x8x125xi32, #tpu.memory_space<vmem>> -> memref<1x1x125xi32, #tpu.memory_space<vmem>>
        %dma_wait3A_915 = tpu.memref_squeeze %dma_wait3A_914 : memref<1x1x125xi32, #tpu.memory_space<vmem>> -> memref<125xi32, #tpu.memory_space<vmem>>
        %dma_wait3A_916 = arith.constant 0 : i32
        %dma_wait3A_917 = arith.constant 0 : i32
        %dma_wait3A_918 = tpu.memref_slice %arg14[%dma_wait3A_916, %dma_wait3A_917] : memref<10240x128xf32, #tpu.memory_space<vmem_shared>> -> memref<10240x128xf32, #tpu.memory_space<vmem_shared>>
        tpu.wait_indirect_dma semaphore(%run_scoped3A_906 : memref<!tpu.dma_semaphore, #tpu.memory_space<semaphore_mem>>) src(%arg11 : memref<125x128xf32, #tpu.memory_space<vmem>>) dst(%dma_wait3A_918 : memref<10240x128xf32, #tpu.memory_space<vmem_shared>>)
        tpu.yield
      }) : () -> ()
      %dma_start3A_819 = arith.constant 1 : i32
      %dma_start3A_820 = arith.constant 7 : i32
      %dma_start3A_821 = arith.constant 0 : i32
      %dma_start3A_822 = tpu.memref_slice %arg12[%dma_start3A_821] : memref<128xf32, #tpu.memory_space<vmem>> -> memref<125xf32, #tpu.memory_space<vmem>>
      %dma_start3A_823 = arith.constant 0 : i32
      %dma_start3A_824 = tpu.memref_slice %arg9[%dma_start3A_819, %dma_start3A_820, %dma_start3A_823] : memref<2x8x125xi32, #tpu.memory_space<vmem>> -> memref<1x1x125xi32, #tpu.memory_space<vmem>>
      %dma_start3A_825 = tpu.memref_squeeze %dma_start3A_824 : memref<1x1x125xi32, #tpu.memory_space<vmem>> -> memref<125xi32, #tpu.memory_space<vmem>>
      %dma_start3A_826 = arith.constant 0 : i32
      %dma_start3A_827 = tpu.memref_slice %arg15[%dma_start3A_826] : memref<10240xf32, #tpu.memory_space<vmem_shared>> -> memref<10240xf32, #tpu.memory_space<vmem_shared>>
      tpu.enqueue_indirect_dma source(%dma_start3A_822 : memref<125xf32, #tpu.memory_space<vmem>>) target(%dma_start3A_827 : memref<10240xf32, #tpu.memory_space<vmem_shared>>) offsets(%dma_start3A_825 : memref<125xi32, #tpu.memory_space<vmem>>) semaphore(%arg19 : memref<!tpu.dma_semaphore, #tpu.memory_space<semaphore_mem>>) {add = true}
      %convert_element_type3A_828 = arith.extui %lt3A_295 : i1 to i32
      %cond3A_829 = arith.constant 0 : i32
      %cond3A_830 = arith.cmpi ne, %convert_element_type3A_828, %cond3A_829 : i32
      scf.if %cond3A_830 {
        %dma_start3A_906 = arith.constant 0 : i32
        %dma_start3A_907 = arith.constant 1 : i32
        %dma_start3A_908 = arith.constant 0 : i32
        %dma_start3A_909 = tpu.memref_slice %arg8[%dma_start3A_906, %dma_start3A_907, %dma_start3A_908] : memref<2x8x125xi32, #tpu.memory_space<vmem>> -> memref<1x1x125xi32, #tpu.memory_space<vmem>>
        %dma_start3A_910 = tpu.memref_squeeze %dma_start3A_909 : memref<1x1x125xi32, #tpu.memory_space<vmem>> -> memref<125xi32, #tpu.memory_space<vmem>>
        %dma_start3A_911 = arith.constant 0 : i32
        %dma_start3A_912 = arith.constant 0 : i32
        %dma_start3A_913 = tpu.memref_slice %arg2[%dma_start3A_911, %dma_start3A_912] : memref<10000x128xf32, #tpu.memory_space<hbm>> -> memref<10000x128xf32, #tpu.memory_space<hbm>>
        tpu.enqueue_indirect_dma source(%dma_start3A_913 : memref<10000x128xf32, #tpu.memory_space<hbm>>) target(%arg11 : memref<125x128xf32, #tpu.memory_space<vmem>>) offsets(%dma_start3A_910 : memref<125xi32, #tpu.memory_space<vmem>>) semaphore(%arg17 : memref<!tpu.dma_semaphore, #tpu.memory_space<semaphore_mem>>)
      } else {
      }
      %dma_wait3A_831 = arith.constant 0 : i32
      %dma_wait3A_832 = arith.constant 0 : i32
      %dma_wait3A_833 = arith.constant 0 : i32
      %dma_wait3A_834 = tpu.memref_slice %arg12[%dma_wait3A_833] : memref<128xf32, #tpu.memory_space<vmem>> -> memref<125xf32, #tpu.memory_space<vmem>>
      %dma_wait3A_835 = arith.constant 0 : i32
      %dma_wait3A_836 = tpu.memref_slice %arg9[%dma_wait3A_831, %dma_wait3A_832, %dma_wait3A_835] : memref<2x8x125xi32, #tpu.memory_space<vmem>> -> memref<1x1x125xi32, #tpu.memory_space<vmem>>
      %dma_wait3A_837 = tpu.memref_squeeze %dma_wait3A_836 : memref<1x1x125xi32, #tpu.memory_space<vmem>> -> memref<125xi32, #tpu.memory_space<vmem>>
      %dma_wait3A_838 = arith.constant 0 : i32
      %dma_wait3A_839 = tpu.memref_slice %arg15[%dma_wait3A_838] : memref<10240xf32, #tpu.memory_space<vmem_shared>> -> memref<10240xf32, #tpu.memory_space<vmem_shared>>
      tpu.wait_indirect_dma semaphore(%arg19 : memref<!tpu.dma_semaphore, #tpu.memory_space<semaphore_mem>>) src(%dma_wait3A_834 : memref<125xf32, #tpu.memory_space<vmem>>) dst(%dma_wait3A_839 : memref<10240xf32, #tpu.memory_space<vmem_shared>>)
      %dma_wait3A_840 = arith.constant 0 : i32
      %dma_wait3A_841 = arith.constant 0 : i32
      %dma_wait3A_842 = arith.constant 0 : i32
      %dma_wait3A_843 = tpu.memref_slice %arg12[%dma_wait3A_842] : memref<128xf32, #tpu.memory_space<vmem>> -> memref<125xf32, #tpu.memory_space<vmem>>
      %dma_wait3A_844 = arith.constant 0 : i32
      %dma_wait3A_845 = tpu.memref_slice %arg9[%dma_wait3A_840, %dma_wait3A_841, %dma_wait3A_844] : memref<2x8x125xi32, #tpu.memory_space<vmem>> -> memref<1x1x125xi32, #tpu.memory_space<vmem>>
      %dma_wait3A_846 = tpu.memref_squeeze %dma_wait3A_845 : memref<1x1x125xi32, #tpu.memory_space<vmem>> -> memref<125xi32, #tpu.memory_space<vmem>>
      %dma_wait3A_847 = arith.constant 0 : i32
      %dma_wait3A_848 = tpu.memref_slice %arg15[%dma_wait3A_847] : memref<10240xf32, #tpu.memory_space<vmem_shared>> -> memref<10240xf32, #tpu.memory_space<vmem_shared>>
      tpu.wait_indirect_dma semaphore(%arg19 : memref<!tpu.dma_semaphore, #tpu.memory_space<semaphore_mem>>) src(%dma_wait3A_843 : memref<125xf32, #tpu.memory_space<vmem>>) dst(%dma_wait3A_848 : memref<10240xf32, #tpu.memory_space<vmem_shared>>)
      %dma_wait3A_849 = arith.constant 0 : i32
      %dma_wait3A_850 = arith.constant 0 : i32
      %dma_wait3A_851 = arith.constant 0 : i32
      %dma_wait3A_852 = tpu.memref_slice %arg12[%dma_wait3A_851] : memref<128xf32, #tpu.memory_space<vmem>> -> memref<125xf32, #tpu.memory_space<vmem>>
      %dma_wait3A_853 = arith.constant 0 : i32
      %dma_wait3A_854 = tpu.memref_slice %arg9[%dma_wait3A_849, %dma_wait3A_850, %dma_wait3A_853] : memref<2x8x125xi32, #tpu.memory_space<vmem>> -> memref<1x1x125xi32, #tpu.memory_space<vmem>>
      %dma_wait3A_855 = tpu.memref_squeeze %dma_wait3A_854 : memref<1x1x125xi32, #tpu.memory_space<vmem>> -> memref<125xi32, #tpu.memory_space<vmem>>
      %dma_wait3A_856 = arith.constant 0 : i32
      %dma_wait3A_857 = tpu.memref_slice %arg15[%dma_wait3A_856] : memref<10240xf32, #tpu.memory_space<vmem_shared>> -> memref<10240xf32, #tpu.memory_space<vmem_shared>>
      tpu.wait_indirect_dma semaphore(%arg19 : memref<!tpu.dma_semaphore, #tpu.memory_space<semaphore_mem>>) src(%dma_wait3A_852 : memref<125xf32, #tpu.memory_space<vmem>>) dst(%dma_wait3A_857 : memref<10240xf32, #tpu.memory_space<vmem_shared>>)
      %dma_wait3A_858 = arith.constant 0 : i32
      %dma_wait3A_859 = arith.constant 0 : i32
      %dma_wait3A_860 = arith.constant 0 : i32
      %dma_wait3A_861 = tpu.memref_slice %arg12[%dma_wait3A_860] : memref<128xf32, #tpu.memory_space<vmem>> -> memref<125xf32, #tpu.memory_space<vmem>>
      %dma_wait3A_862 = arith.constant 0 : i32
      %dma_wait3A_863 = tpu.memref_slice %arg9[%dma_wait3A_858, %dma_wait3A_859, %dma_wait3A_862] : memref<2x8x125xi32, #tpu.memory_space<vmem>> -> memref<1x1x125xi32, #tpu.memory_space<vmem>>
      %dma_wait3A_864 = tpu.memref_squeeze %dma_wait3A_863 : memref<1x1x125xi32, #tpu.memory_space<vmem>> -> memref<125xi32, #tpu.memory_space<vmem>>
      %dma_wait3A_865 = arith.constant 0 : i32
      %dma_wait3A_866 = tpu.memref_slice %arg15[%dma_wait3A_865] : memref<10240xf32, #tpu.memory_space<vmem_shared>> -> memref<10240xf32, #tpu.memory_space<vmem_shared>>
      tpu.wait_indirect_dma semaphore(%arg19 : memref<!tpu.dma_semaphore, #tpu.memory_space<semaphore_mem>>) src(%dma_wait3A_861 : memref<125xf32, #tpu.memory_space<vmem>>) dst(%dma_wait3A_866 : memref<10240xf32, #tpu.memory_space<vmem_shared>>)
      %dma_wait3A_867 = arith.constant 0 : i32
      %dma_wait3A_868 = arith.constant 0 : i32
      %dma_wait3A_869 = arith.constant 0 : i32
      %dma_wait3A_870 = tpu.memref_slice %arg12[%dma_wait3A_869] : memref<128xf32, #tpu.memory_space<vmem>> -> memref<125xf32, #tpu.memory_space<vmem>>
      %dma_wait3A_871 = arith.constant 0 : i32
      %dma_wait3A_872 = tpu.memref_slice %arg9[%dma_wait3A_867, %dma_wait3A_868, %dma_wait3A_871] : memref<2x8x125xi32, #tpu.memory_space<vmem>> -> memref<1x1x125xi32, #tpu.memory_space<vmem>>
      %dma_wait3A_873 = tpu.memref_squeeze %dma_wait3A_872 : memref<1x1x125xi32, #tpu.memory_space<vmem>> -> memref<125xi32, #tpu.memory_space<vmem>>
      %dma_wait3A_874 = arith.constant 0 : i32
      %dma_wait3A_875 = tpu.memref_slice %arg15[%dma_wait3A_874] : memref<10240xf32, #tpu.memory_space<vmem_shared>> -> memref<10240xf32, #tpu.memory_space<vmem_shared>>
      tpu.wait_indirect_dma semaphore(%arg19 : memref<!tpu.dma_semaphore, #tpu.memory_space<semaphore_mem>>) src(%dma_wait3A_870 : memref<125xf32, #tpu.memory_space<vmem>>) dst(%dma_wait3A_875 : memref<10240xf32, #tpu.memory_space<vmem_shared>>)
      %dma_wait3A_876 = arith.constant 0 : i32
      %dma_wait3A_877 = arith.constant 0 : i32
      %dma_wait3A_878 = arith.constant 0 : i32
      %dma_wait3A_879 = tpu.memref_slice %arg12[%dma_wait3A_878] : memref<128xf32, #tpu.memory_space<vmem>> -> memref<125xf32, #tpu.memory_space<vmem>>
      %dma_wait3A_880 = arith.constant 0 : i32
      %dma_wait3A_881 = tpu.memref_slice %arg9[%dma_wait3A_876, %dma_wait3A_877, %dma_wait3A_880] : memref<2x8x125xi32, #tpu.memory_space<vmem>> -> memref<1x1x125xi32, #tpu.memory_space<vmem>>
      %dma_wait3A_882 = tpu.memref_squeeze %dma_wait3A_881 : memref<1x1x125xi32, #tpu.memory_space<vmem>> -> memref<125xi32, #tpu.memory_space<vmem>>
      %dma_wait3A_883 = arith.constant 0 : i32
      %dma_wait3A_884 = tpu.memref_slice %arg15[%dma_wait3A_883] : memref<10240xf32, #tpu.memory_space<vmem_shared>> -> memref<10240xf32, #tpu.memory_space<vmem_shared>>
      tpu.wait_indirect_dma semaphore(%arg19 : memref<!tpu.dma_semaphore, #tpu.memory_space<semaphore_mem>>) src(%dma_wait3A_879 : memref<125xf32, #tpu.memory_space<vmem>>) dst(%dma_wait3A_884 : memref<10240xf32, #tpu.memory_space<vmem_shared>>)
      %dma_wait3A_885 = arith.constant 0 : i32
      %dma_wait3A_886 = arith.constant 0 : i32
      %dma_wait3A_887 = arith.constant 0 : i32
      %dma_wait3A_888 = tpu.memref_slice %arg12[%dma_wait3A_887] : memref<128xf32, #tpu.memory_space<vmem>> -> memref<125xf32, #tpu.memory_space<vmem>>
      %dma_wait3A_889 = arith.constant 0 : i32
      %dma_wait3A_890 = tpu.memref_slice %arg9[%dma_wait3A_885, %dma_wait3A_886, %dma_wait3A_889] : memref<2x8x125xi32, #tpu.memory_space<vmem>> -> memref<1x1x125xi32, #tpu.memory_space<vmem>>
      %dma_wait3A_891 = tpu.memref_squeeze %dma_wait3A_890 : memref<1x1x125xi32, #tpu.memory_space<vmem>> -> memref<125xi32, #tpu.memory_space<vmem>>
      %dma_wait3A_892 = arith.constant 0 : i32
      %dma_wait3A_893 = tpu.memref_slice %arg15[%dma_wait3A_892] : memref<10240xf32, #tpu.memory_space<vmem_shared>> -> memref<10240xf32, #tpu.memory_space<vmem_shared>>
      tpu.wait_indirect_dma semaphore(%arg19 : memref<!tpu.dma_semaphore, #tpu.memory_space<semaphore_mem>>) src(%dma_wait3A_888 : memref<125xf32, #tpu.memory_space<vmem>>) dst(%dma_wait3A_893 : memref<10240xf32, #tpu.memory_space<vmem_shared>>)
      %dma_wait3A_894 = arith.constant 0 : i32
      %dma_wait3A_895 = arith.constant 0 : i32
      %dma_wait3A_896 = arith.constant 0 : i32
      %dma_wait3A_897 = tpu.memref_slice %arg12[%dma_wait3A_896] : memref<128xf32, #tpu.memory_space<vmem>> -> memref<125xf32, #tpu.memory_space<vmem>>
      %dma_wait3A_898 = arith.constant 0 : i32
      %dma_wait3A_899 = tpu.memref_slice %arg9[%dma_wait3A_894, %dma_wait3A_895, %dma_wait3A_898] : memref<2x8x125xi32, #tpu.memory_space<vmem>> -> memref<1x1x125xi32, #tpu.memory_space<vmem>>
      %dma_wait3A_900 = tpu.memref_squeeze %dma_wait3A_899 : memref<1x1x125xi32, #tpu.memory_space<vmem>> -> memref<125xi32, #tpu.memory_space<vmem>>
      %dma_wait3A_901 = arith.constant 0 : i32
      %dma_wait3A_902 = tpu.memref_slice %arg15[%dma_wait3A_901] : memref<10240xf32, #tpu.memory_space<vmem_shared>> -> memref<10240xf32, #tpu.memory_space<vmem_shared>>
      tpu.wait_indirect_dma semaphore(%arg19 : memref<!tpu.dma_semaphore, #tpu.memory_space<semaphore_mem>>) src(%dma_wait3A_897 : memref<125xf32, #tpu.memory_space<vmem>>) dst(%dma_wait3A_902 : memref<10240xf32, #tpu.memory_space<vmem_shared>>)
      %convert_element_type3A_903 = arith.extui %lt3A_295 : i1 to i32
      %cond3A_904 = arith.constant 0 : i32
      %cond3A_905 = arith.cmpi ne, %convert_element_type3A_903, %cond3A_904 : i32
      scf.if %cond3A_905 {
        %mul3A_906 = arith.constant 2 : i32
        %mul3A_907 = arith.muli %mul3A_906, %scan3A_294 : i32
        %add3A_908 = arith.constant 3 : i32
        %add3A_909 = arith.addi %mul3A_907, %add3A_908 : i32
        %mul3A_910 = arith.constant 8 : i32
        %mul3A_911 = arith.muli %add3A_909, %mul3A_910 : i32
        %dma_start3A_912 = arith.constant 0 : i32
        %dma_start3A_913 = arith.constant 1 : i32
        %dma_start3A_914 = arith.constant 0 : i32
        %dma_start3A_915 = arith.constant 0 : i32
        %dma_start3A_916 = tpu.memref_slice %arg8[%dma_start3A_913, %dma_start3A_914, %dma_start3A_915] : memref<2x8x125xi32, #tpu.memory_space<vmem>> -> memref<1x8x125xi32, #tpu.memory_space<vmem>>
        %dma_start3A_917 = tpu.memref_squeeze %dma_start3A_916 : memref<1x8x125xi32, #tpu.memory_space<vmem>> -> memref<8x125xi32, #tpu.memory_space<vmem>>
        %dma_start3A_918 = arith.constant 0 : i32
        %dma_start3A_919 = tpu.memref_slice %arg3[%dma_start3A_912, %add3A, %mul3A_911, %dma_start3A_918] : memref<2x32x80x125xi32, #tpu.memory_space<hbm>> -> memref<1x1x8x125xi32, #tpu.memory_space<hbm>>
        %dma_start3A_920 = tpu.memref_squeeze %dma_start3A_919 : memref<1x1x8x125xi32, #tpu.memory_space<hbm>> -> memref<8x125xi32, #tpu.memory_space<hbm>>
        %dma_start3A_921 = arith.constant 0 : i32
        %dma_start3A_922 = arith.constant 0 : i32
        %dma_start3A_923 = tpu.memref_slice %arg8[%dma_start3A_913, %dma_start3A_921, %dma_start3A_922] : memref<2x8x125xi32, #tpu.memory_space<vmem>> -> memref<1x8x125xi32, #tpu.memory_space<vmem>>
        %dma_start3A_924 = tpu.memref_squeeze %dma_start3A_923 : memref<1x8x125xi32, #tpu.memory_space<vmem>> -> memref<8x125xi32, #tpu.memory_space<vmem>>
        %dma_start3A_925 = arith.constant 0 : i32
        %dma_start3A_926 = tpu.memref_slice %arg3[%dma_start3A_912, %add3A, %mul3A_911, %dma_start3A_925] : memref<2x32x80x125xi32, #tpu.memory_space<hbm>> -> memref<1x1x8x125xi32, #tpu.memory_space<hbm>>
        %dma_start3A_927 = tpu.memref_squeeze %dma_start3A_926 : memref<1x1x8x125xi32, #tpu.memory_space<hbm>> -> memref<8x125xi32, #tpu.memory_space<hbm>>
        tpu.enqueue_dma source(%dma_start3A_927 : memref<8x125xi32, #tpu.memory_space<hbm>>) target(%dma_start3A_924 : memref<8x125xi32, #tpu.memory_space<vmem>>) target_semaphore(%arg18 : memref<!tpu.dma_semaphore, #tpu.memory_space<semaphore_mem>>)
        %mul3A_928 = arith.constant 8 : i32
        %mul3A_929 = arith.muli %add3A_909, %mul3A_928 : i32
        %dma_start3A_930 = arith.constant 1 : i32
        %dma_start3A_931 = arith.constant 1 : i32
        %dma_start3A_932 = arith.constant 0 : i32
        %dma_start3A_933 = arith.constant 0 : i32
        %dma_start3A_934 = tpu.memref_slice %arg9[%dma_start3A_931, %dma_start3A_932, %dma_start3A_933] : memref<2x8x125xi32, #tpu.memory_space<vmem>> -> memref<1x8x125xi32, #tpu.memory_space<vmem>>
        %dma_start3A_935 = tpu.memref_squeeze %dma_start3A_934 : memref<1x8x125xi32, #tpu.memory_space<vmem>> -> memref<8x125xi32, #tpu.memory_space<vmem>>
        %dma_start3A_936 = arith.constant 0 : i32
        %dma_start3A_937 = tpu.memref_slice %arg3[%dma_start3A_930, %add3A, %mul3A_929, %dma_start3A_936] : memref<2x32x80x125xi32, #tpu.memory_space<hbm>> -> memref<1x1x8x125xi32, #tpu.memory_space<hbm>>
        %dma_start3A_938 = tpu.memref_squeeze %dma_start3A_937 : memref<1x1x8x125xi32, #tpu.memory_space<hbm>> -> memref<8x125xi32, #tpu.memory_space<hbm>>
        %dma_start3A_939 = arith.constant 0 : i32
        %dma_start3A_940 = arith.constant 0 : i32
        %dma_start3A_941 = tpu.memref_slice %arg9[%dma_start3A_931, %dma_start3A_939, %dma_start3A_940] : memref<2x8x125xi32, #tpu.memory_space<vmem>> -> memref<1x8x125xi32, #tpu.memory_space<vmem>>
        %dma_start3A_942 = tpu.memref_squeeze %dma_start3A_941 : memref<1x8x125xi32, #tpu.memory_space<vmem>> -> memref<8x125xi32, #tpu.memory_space<vmem>>
        %dma_start3A_943 = arith.constant 0 : i32
        %dma_start3A_944 = tpu.memref_slice %arg3[%dma_start3A_930, %add3A, %mul3A_929, %dma_start3A_943] : memref<2x32x80x125xi32, #tpu.memory_space<hbm>> -> memref<1x1x8x125xi32, #tpu.memory_space<hbm>>
        %dma_start3A_945 = tpu.memref_squeeze %dma_start3A_944 : memref<1x1x8x125xi32, #tpu.memory_space<hbm>> -> memref<8x125xi32, #tpu.memory_space<hbm>>
        tpu.enqueue_dma source(%dma_start3A_945 : memref<8x125xi32, #tpu.memory_space<hbm>>) target(%dma_start3A_942 : memref<8x125xi32, #tpu.memory_space<vmem>>) target_semaphore(%arg18 : memref<!tpu.dma_semaphore, #tpu.memory_space<semaphore_mem>>)
      } else {
      }
    }
    %scan3A_285 = arith.constant 5 : i32
    %barrier3A_286 = arith.constant 0 : index
    tpu.barrier barrier_id(%barrier3A_286)
    %eq3A = arith.constant 0 : i32
    %eq3A_287 = arith.cmpi eq, %arg0, %eq3A : i32
    %convert_element_type3A = arith.extui %eq3A_287 : i1 to i32
    %cond3A = arith.constant 0 : i32
    %cond3A_288 = arith.cmpi ne, %convert_element_type3A, %cond3A : i32
    scf.if %cond3A_288 {
      %mul3A_294 = arith.constant 640 : i32
      %mul3A_295 = arith.muli %arg1, %mul3A_294 : i32
      %mul3A_296 = arith.constant 640 : i32
      %mul3A_297 = arith.muli %arg1, %mul3A_296 : i32
      "tpu.region"() ({
        %run_scoped3A_302 = tpu.sem_alloc : memref<!tpu.dma_semaphore, #tpu.memory_space<semaphore_mem>>
        %dma_start3A_303 = arith.constant 0 : i32
        %dma_start3A_304 = tpu.memref_slice %arg4[%mul3A_297, %dma_start3A_303] : memref<10240x128xf32, #tpu.memory_space<hbm>> -> memref<640x128xf32, #tpu.memory_space<hbm>>
        %dma_start3A_305 = arith.constant 0 : i32
        %dma_start3A_306 = tpu.memref_slice %arg14[%mul3A_295, %dma_start3A_305] : memref<10240x128xf32, #tpu.memory_space<vmem_shared>> -> memref<640x128xf32, #tpu.memory_space<vmem_shared>>
        tpu.enqueue_dma source(%dma_start3A_306 : memref<640x128xf32, #tpu.memory_space<vmem_shared>>) target(%dma_start3A_304 : memref<640x128xf32, #tpu.memory_space<hbm>>) target_semaphore(%run_scoped3A_302 : memref<!tpu.dma_semaphore, #tpu.memory_space<semaphore_mem>>)
        %dma_wait3A = arith.constant 0 : i32
        %dma_wait3A_307 = tpu.memref_slice %arg4[%mul3A_297, %dma_wait3A] : memref<10240x128xf32, #tpu.memory_space<hbm>> -> memref<640x128xf32, #tpu.memory_space<hbm>>
        %dma_wait3A_308 = arith.constant 0 : i32
        %dma_wait3A_309 = tpu.memref_slice %arg14[%mul3A_295, %dma_wait3A_308] : memref<10240x128xf32, #tpu.memory_space<vmem_shared>> -> memref<640x128xf32, #tpu.memory_space<vmem_shared>>
        tpu.wait_dma2 semaphore(%run_scoped3A_302 : memref<!tpu.dma_semaphore, #tpu.memory_space<semaphore_mem>>) src(%dma_wait3A_309 : memref<640x128xf32, #tpu.memory_space<vmem_shared>>) dst(%dma_wait3A_307 : memref<640x128xf32, #tpu.memory_space<hbm>>)
        tpu.yield
      }) : () -> ()
      %mul3A_298 = arith.constant 640 : i32
      %mul3A_299 = arith.muli %arg1, %mul3A_298 : i32
      %mul3A_300 = arith.constant 640 : i32
      %mul3A_301 = arith.muli %arg1, %mul3A_300 : i32
      "tpu.region"() ({
        %run_scoped3A_302 = tpu.sem_alloc : memref<!tpu.dma_semaphore, #tpu.memory_space<semaphore_mem>>
        %dma_start3A_303 = tpu.memref_slice %arg6[%mul3A_301] : memref<10240xf32, #tpu.memory_space<hbm>> -> memref<640xf32, #tpu.memory_space<hbm>>
        %dma_start3A_304 = tpu.memref_slice %arg15[%mul3A_299] : memref<10240xf32, #tpu.memory_space<vmem_shared>> -> memref<640xf32, #tpu.memory_space<vmem_shared>>
        tpu.enqueue_dma source(%dma_start3A_304 : memref<640xf32, #tpu.memory_space<vmem_shared>>) target(%dma_start3A_303 : memref<640xf32, #tpu.memory_space<hbm>>) target_semaphore(%run_scoped3A_302 : memref<!tpu.dma_semaphore, #tpu.memory_space<semaphore_mem>>)
        %dma_wait3A = tpu.memref_slice %arg6[%mul3A_301] : memref<10240xf32, #tpu.memory_space<hbm>> -> memref<640xf32, #tpu.memory_space<hbm>>
        %dma_wait3A_305 = tpu.memref_slice %arg15[%mul3A_299] : memref<10240xf32, #tpu.memory_space<vmem_shared>> -> memref<640xf32, #tpu.memory_space<vmem_shared>>
        tpu.wait_dma2 semaphore(%run_scoped3A_302 : memref<!tpu.dma_semaphore, #tpu.memory_space<semaphore_mem>>) src(%dma_wait3A_305 : memref<640xf32, #tpu.memory_space<vmem_shared>>) dst(%dma_wait3A : memref<640xf32, #tpu.memory_space<hbm>>)
        tpu.yield
      }) : () -> ()
    } else {
    }
    %eq3A_289 = arith.constant 1 : i32
    %eq3A_290 = arith.cmpi eq, %arg0, %eq3A_289 : i32
    %convert_element_type3A_291 = arith.extui %eq3A_290 : i1 to i32
    %cond3A_292 = arith.constant 0 : i32
    %cond3A_293 = arith.cmpi ne, %convert_element_type3A_291, %cond3A_292 : i32
    scf.if %cond3A_293 {
      %mul3A_294 = arith.constant 640 : i32
      %mul3A_295 = arith.muli %arg1, %mul3A_294 : i32
      %mul3A_296 = arith.constant 640 : i32
      %mul3A_297 = arith.muli %arg1, %mul3A_296 : i32
      "tpu.region"() ({
        %run_scoped3A_302 = tpu.sem_alloc : memref<!tpu.dma_semaphore, #tpu.memory_space<semaphore_mem>>
        %dma_start3A_303 = arith.constant 0 : i32
        %dma_start3A_304 = tpu.memref_slice %arg5[%mul3A_297, %dma_start3A_303] : memref<10240x128xf32, #tpu.memory_space<hbm>> -> memref<640x128xf32, #tpu.memory_space<hbm>>
        %dma_start3A_305 = arith.constant 0 : i32
        %dma_start3A_306 = tpu.memref_slice %arg14[%mul3A_295, %dma_start3A_305] : memref<10240x128xf32, #tpu.memory_space<vmem_shared>> -> memref<640x128xf32, #tpu.memory_space<vmem_shared>>
        tpu.enqueue_dma source(%dma_start3A_306 : memref<640x128xf32, #tpu.memory_space<vmem_shared>>) target(%dma_start3A_304 : memref<640x128xf32, #tpu.memory_space<hbm>>) target_semaphore(%run_scoped3A_302 : memref<!tpu.dma_semaphore, #tpu.memory_space<semaphore_mem>>)
        %dma_wait3A = arith.constant 0 : i32
        %dma_wait3A_307 = tpu.memref_slice %arg5[%mul3A_297, %dma_wait3A] : memref<10240x128xf32, #tpu.memory_space<hbm>> -> memref<640x128xf32, #tpu.memory_space<hbm>>
        %dma_wait3A_308 = arith.constant 0 : i32
        %dma_wait3A_309 = tpu.memref_slice %arg14[%mul3A_295, %dma_wait3A_308] : memref<10240x128xf32, #tpu.memory_space<vmem_shared>> -> memref<640x128xf32, #tpu.memory_space<vmem_shared>>
        tpu.wait_dma2 semaphore(%run_scoped3A_302 : memref<!tpu.dma_semaphore, #tpu.memory_space<semaphore_mem>>) src(%dma_wait3A_309 : memref<640x128xf32, #tpu.memory_space<vmem_shared>>) dst(%dma_wait3A_307 : memref<640x128xf32, #tpu.memory_space<hbm>>)
        tpu.yield
      }) : () -> ()
      %mul3A_298 = arith.constant 640 : i32
      %mul3A_299 = arith.muli %arg1, %mul3A_298 : i32
      %mul3A_300 = arith.constant 640 : i32
      %mul3A_301 = arith.muli %arg1, %mul3A_300 : i32
      "tpu.region"() ({
        %run_scoped3A_302 = tpu.sem_alloc : memref<!tpu.dma_semaphore, #tpu.memory_space<semaphore_mem>>
        %dma_start3A_303 = tpu.memref_slice %arg7[%mul3A_301] : memref<10240xf32, #tpu.memory_space<hbm>> -> memref<640xf32, #tpu.memory_space<hbm>>
        %dma_start3A_304 = tpu.memref_slice %arg15[%mul3A_299] : memref<10240xf32, #tpu.memory_space<vmem_shared>> -> memref<640xf32, #tpu.memory_space<vmem_shared>>
        tpu.enqueue_dma source(%dma_start3A_304 : memref<640xf32, #tpu.memory_space<vmem_shared>>) target(%dma_start3A_303 : memref<640xf32, #tpu.memory_space<hbm>>) target_semaphore(%run_scoped3A_302 : memref<!tpu.dma_semaphore, #tpu.memory_space<semaphore_mem>>)
        %dma_wait3A = tpu.memref_slice %arg7[%mul3A_301] : memref<10240xf32, #tpu.memory_space<hbm>> -> memref<640xf32, #tpu.memory_space<hbm>>
        %dma_wait3A_305 = tpu.memref_slice %arg15[%mul3A_299] : memref<10240xf32, #tpu.memory_space<vmem_shared>> -> memref<640xf32, #tpu.memory_space<vmem_shared>>
        tpu.wait_dma2 semaphore(%run_scoped3A_302 : memref<!tpu.dma_semaphore, #tpu.memory_space<semaphore_mem>>) src(%dma_wait3A_305 : memref<640xf32, #tpu.memory_space<vmem_shared>>) dst(%dma_wait3A : memref<640xf32, #tpu.memory_space<hbm>>)
        tpu.yield
      }) : () -> ()
    } else {
    }
    return
  }
}

module attributes {stable_mosaic.version = 14 : i64} {
  func.func @_finish_body(%arg0: memref<10240x128xf32, #tpu.memory_space<vmem>>, %arg1: memref<10240x128xf32, #tpu.memory_space<vmem>>, %arg2: memref<10000x1xf32, #tpu.memory_space<vmem>>, %arg3: memref<10000x128xf32, #tpu.memory_space<vmem>>, %arg4: memref<128x128xf32, #tpu.memory_space<vmem>>, %arg5: memref<128x128xf32, #tpu.memory_space<vmem>>, %arg6: memref<10000x128xf32, #tpu.memory_space<vmem>>) attributes {dimension_semantics = [], scalar_prefetch = 0 : i64, scratch_operands = 0 : i64, tpu.core_type = #tpu.core_type<tc>} {
    %get3A = arith.constant 0 : index
    %get3A_0 = arith.constant 0 : index
    %get3A_1 = vector.load %arg0[%get3A, %get3A_0] : memref<10240x128xf32, #tpu.memory_space<vmem>>, vector<10000x128xf32>
    %get3A_2 = arith.constant 0 : index
    %get3A_3 = arith.constant 0 : index
    %get3A_4 = vector.load %arg1[%get3A_2, %get3A_3] : memref<10240x128xf32, #tpu.memory_space<vmem>>, vector<10000x128xf32>
    %add3A = arith.addf %get3A_1, %get3A_4 : vector<10000x128xf32>
    %get3A_5 = arith.constant 0 : index
    %get3A_6 = arith.constant 0 : index
    %get3A_7 = vector.load %arg2[%get3A_5, %get3A_6] : memref<10000x1xf32, #tpu.memory_space<vmem>>, vector<10000x1xf32>
    %mul3A = vector.broadcast %get3A_7 : vector<10000x1xf32> to vector<10000x128xf32>
    %mul3A_8 = arith.mulf %add3A, %mul3A : vector<10000x128xf32>
    %get3A_9 = arith.constant 0 : index
    %get3A_10 = arith.constant 0 : index
    %get3A_11 = vector.load %arg4[%get3A_9, %get3A_10] : memref<128x128xf32, #tpu.memory_space<vmem>>, vector<128x128xf32>
    %dot_general3A = arith.constant dense<0.000000e+00> : vector<10000x128xf32>
    %dot_general3A_12 = tpu.matmul %mul3A_8, %get3A_11, %dot_general3A {dimension_numbers = #tpu.dot_dimension_numbers<[1], [1], [0], [0], [0, 0, 1, 0], [], []>, transpose_lhs_hint = false} : vector<10000x128xf32>, vector<128x128xf32>, vector<10000x128xf32> -> vector<10000x128xf32>
    %get3A_13 = arith.constant 0 : index
    %get3A_14 = arith.constant 0 : index
    %get3A_15 = vector.load %arg3[%get3A_13, %get3A_14] : memref<10000x128xf32, #tpu.memory_space<vmem>>, vector<10000x128xf32>
    %get3A_16 = arith.constant 0 : index
    %get3A_17 = arith.constant 0 : index
    %get3A_18 = vector.load %arg5[%get3A_16, %get3A_17] : memref<128x128xf32, #tpu.memory_space<vmem>>, vector<128x128xf32>
    %dot_general3A_19 = arith.constant dense<0.000000e+00> : vector<10000x128xf32>
    %dot_general3A_20 = tpu.matmul %get3A_15, %get3A_18, %dot_general3A_19 {dimension_numbers = #tpu.dot_dimension_numbers<[1], [1], [0], [0], [0, 0, 1, 0], [], []>, transpose_lhs_hint = false} : vector<10000x128xf32>, vector<128x128xf32>, vector<10000x128xf32> -> vector<10000x128xf32>
    %add3A_21 = arith.addf %dot_general3A_12, %dot_general3A_20 : vector<10000x128xf32>
    %swap3A = arith.constant 0 : index
    %swap3A_22 = arith.constant 0 : index
    %swap3A_23 = vector.load %arg6[%swap3A, %swap3A_22] : memref<10000x128xf32, #tpu.memory_space<vmem>>, vector<10000x128xf32>
    tpu.vector_store %arg6[%swap3A, %swap3A_22], %add3A_21 {strides = array<i32>} : memref<10000x128xf32, #tpu.memory_space<vmem>>, vector<10000x128xf32>,
    return
  }
}

</mosaic_0001>

<sc_bundles>
// kernel: kernel.4.cloned.1.call-start
scs
__scs_entry_jumppad:
0x0: {  	(pc) =	sbr.rel $0x88, $3  }
0x1: {  	(tag) =	ssettag $0x0;
	lr =	simm.s32 $0x1  }
0x2: {  	[smem:$0x3F9D] =	sst lr;
	_ =	strace $0xD0000000  }
0x3: {  	_ = 	snop  }
0x4: {  	_ = 	snop  }
0x5: {  	_ = 	snop  }
0x6: {  	_ = 	snop  }
0x7: {  	_ = 	snop  }
__scs_overlays_trampoline_lowered:
0x8: {  	[smem:$0x3FAC] =	sst s0  }
0x9: {  	[smem:$0x3FAD] =	sst s1  }
0xa: {  	[smem:$0x3FAE] =	sst s2  }
0xb: {  	[smem:$0x3FAF] =	sst s3  }
0xc: {  	[smem:$0x3FB0] =	sst s4  }
0xd: {  	[smem:$0x3FB1] =	sst s5  }
0xe: {  	[smem:$0x3FB2] =	sst s6  }
0xf: {  	[smem:$0x3FB3] =	sst s7  }
0x10: {  	[smem:$0x3FB4] =	sst s8  }
0x11: {  	[smem:$0x3FB5] =	sst s9;
	s0 =	simm.s32 @!p0 $0x0  }
0x12: {  	s1 =	sld [smem:$0x3F9B];
	s0 =	simm.s32 @p0 $0x1  }
0x13: {  	[smem:$0x3FB6] =	sst s0;
	s0 =	simm.s32 @!p1 $0x0  }
0x14: {  	s2 =	sld [smem:$0x3F9A];
	s0 =	simm.s32 @p1 $0x1  }
0x15: {  	[smem:$0x3FB7] =	sst s0;
	s0 =	simm.s32 @!p2 $0x0  }
0x16: {  	s3 =	sld [smem:$0x3FDB];
	s0 =	simm.s32 @p2 $0x1  }
0x17: {  	s4 =	simm.s32 $0x1BF5;
	[smem:$0x3FB9] =	sst s0  }
0x18: {  	s0 =	sld [smem:$0x3F9C];
	_ =	swait.ge [sflag:s4], $0x0  }
0x19: {  	s7 =	sld [smem:$0x3F9D]  }
0x1a: {  	s8 =	sadd.s32 $0xFFFFE003, lr  }
0x1b: {  	s9 =	sadd.s32 $0xFFFFFEF7, lr;
	s5 =	simm.s32 $0xFFFFFFFF;
	p2 =	slt.u32 s8, $0xFFFFF086  }
0x1c: {  	p1 =	slt.u32 s9, $0xF7A;
	s5 =	simm.s32 @!p2 $0x0  }
0x1d: {  	s5 =	simm.s32 @p1 $0x1;
	p0 =	seq.s32 s7, s2  }
0x1e: {  	s7 =	smul.u32 @!p0 $0xF7A, s2;
	p2 =	seq.s32 @!p0 s5, $0x0  }
0x1f: {  	s9 =	smul.u32 $0xF7A, s1;
	s8 =	simm.s32 @!p0 $0x1BF5;
	p2 =	por !p2, p0  }
0x20: {  	[sflag:s8] =	ssyncset.s32 @!p0 $0xFFFFF086;
	s6 =	sadd.s32 @!p0 s3, s7;
	s7 =	simm.s32 @!p0 $0x108  }
0x21: {  	s3 =	sadd.s32 s3, s9;
	s6 =	sadd.s32 @!p0 $0x88, s6;
	s7 =	simm.s32 @p2 $0x1082  }
0x22: {  	[simem:s7], [sflag:s8] =	dma.local @!p0 [hbm:s6], $0xF7A  }
0x23: {  	s9 =	sor.u32 $0xD0000000, s2;
	s6 =	simm.s32 $0x108;
	_ =	swait.ge @!p0 [sflag:s8], $0x0  }
0x24: {  	s3 =	sadd.s32 $0x88, s3;
	s6 =	simm.s32 @!p1 $0x1082;
	[sflag:s4] =	ssyncset.s32 $0xFFFFF086  }
0x25: {  	[simem:s6], [sflag:s4] =	dma.local [hbm:s3], $0xF7A  }
0x26: {  	[smem:$0x3F9D] =	sst s1;
	(tag) =	ssettag s2;
	_ =	strace s9  }
0x27: {  	s1 =	sld [smem:$0x3FAD]  }
0x28: {  	s2 =	sld [smem:$0x3FAE]  }
0x29: {  	s4 =	sld [smem:$0x3FB0]  }
0x2a: {  	p0 =	seq.s32 s5, $0x0;
	s5 =	sld [smem:$0x3FB1]  }
0x2b: {  	s6 =	sld [smem:$0x3FB2]  }
0x2c: {  	s7 =	sld [smem:$0x3FB3]  }
0x2d: {  	s3 =	simm.s32 $0x108;
	s8 =	sld [smem:$0x3FB4]  }
0x2e: {  	s3 =	simm.s32 @!p0 $0x1082;
	s9 =	sld [smem:$0x3FB5]  }
0x2f: {  	lr =	sadd.s32 s0, s3;
	s0 =	sld [smem:$0x3FAC]  }
0x30: {  	s3 =	sld [smem:$0x3FAF]  }
0x31: {  	[smem:$0x3FB8] =	sst s10  }
0x32: {  	s10 =	sld [smem:$0x3FB6];
	_ =	sdelay $0x3  }
0x33: {  	p0 =	seq.s32 s10, $0x1;
	s10 =	sld [smem:$0x3FB8];
	_ =	sdelay $0x3  }
0x34: {  	[smem:$0x3FB8] =	sst s10  }
0x35: {  	s10 =	sld [smem:$0x3FB7];
	_ =	sdelay $0x3  }
0x36: {  	p1 =	seq.s32 s10, $0x1;
	s10 =	sld [smem:$0x3FB8];
	_ =	sdelay $0x3  }
0x37: {  	[smem:$0x3FB8] =	sst s10  }
0x38: {  	s10 =	sld [smem:$0x3FB9]  }
0x39: {  	_ = 	snop;
	(pc) =	sbr.ind lr, $3  }
0x3a: {  	_ = 	snop  }
0x3b: {  	_ = 	snop  }
0x3c: {  	p2 =	seq.s32 s10, $0x1;
	s10 =	sld [smem:$0x3FB8]  }
0x3d: {  	_ =	shalt  }
0x3e: {  	_ =	shalt  }
0x3f: {  	_ =	shalt  }
0x40: {  	_ =	shalt  }
0x41: {  	_ =	shalt  }
0x42: {  	_ =	shalt  }
0x43: {  	_ =	shalt  }
0x44: {  	_ =	shalt  }
0x45: {  	_ =	shalt  }
0x46: {  	_ =	shalt  }
0x47: {  	_ =	shalt  }
0x48: {  	_ =	shalt  }
0x49: {  	_ =	shalt  }
0x4a: {  	_ =	shalt  }
0x4b: {  	_ =	shalt  }
0x4c: {  	_ =	shalt  }
0x4d: {  	_ =	shalt  }
0x4e: {  	_ =	shalt  }
0x4f: {  	_ =	shalt  }
0x50: {  	_ =	shalt  }
0x51: {  	_ =	shalt  }
0x52: {  	_ =	shalt  }
0x53: {  	_ =	shalt  }
0x54: {  	_ =	shalt  }
0x55: {  	_ =	shalt  }
0x56: {  	_ =	shalt  }
0x57: {  	_ =	shalt  }
0x58: {  	_ =	shalt  }
0x59: {  	_ =	shalt  }
0x5a: {  	_ =	shalt  }
0x5b: {  	_ =	shalt  }
0x5c: {  	_ =	shalt  }
0x5d: {  	_ =	shalt  }
0x5e: {  	_ =	shalt  }
0x5f: {  	_ =	shalt  }
0x60: {  	_ =	shalt  }
0x61: {  	_ =	shalt  }
0x62: {  	_ =	shalt  }
0x63: {  	_ =	shalt  }
0x64: {  	_ =	shalt  }
0x65: {  	_ =	shalt  }
0x66: {  	_ =	shalt  }
0x67: {  	_ =	shalt  }
0x68: {  	_ =	shalt  }
0x69: {  	_ =	shalt  }
0x6a: {  	_ =	shalt  }
0x6b: {  	_ =	shalt  }
0x6c: {  	_ =	shalt  }
0x6d: {  	_ =	shalt  }
0x6e: {  	_ =	shalt  }
0x6f: {  	_ =	shalt  }
0x70: {  	_ =	shalt  }
0x71: {  	_ =	shalt  }
0x72: {  	_ =	shalt  }
0x73: {  	_ =	shalt  }
0x74: {  	_ =	shalt  }
0x75: {  	_ =	shalt  }
0x76: {  	_ =	shalt  }
0x77: {  	_ =	shalt  }
0x78: {  	_ =	shalt  }
0x79: {  	_ =	shalt  }
0x7a: {  	_ =	shalt  }
0x7b: {  	_ =	shalt  }
0x7c: {  	_ =	shalt  }
0x7d: {  	_ =	shalt  }
0x7e: {  	_ =	shalt  }
0x7f: {  	_ =	shalt  }
0x80: {  	_ =	shalt  }
0x81: {  	_ =	shalt  }
0x82: {  	_ =	shalt  }
0x83: {  	_ =	shalt  }
0x84: {  	_ =	shalt  }
0x85: {  	_ =	shalt  }
0x86: {  	_ =	shalt  }
0x87: {  	_ =	shalt  }
.Lfunc_end0:
.L_simem_size_0:
called_computation_lowered:
.L_overlay_start_0:
0x88: {  	s2 =	sld [smem:$0x3FD9]  }
0x89: {  	s3 =	sld [smem:$0x3FFE];
	_ =	sdelay $0x1  }
0x8a: {  	s1 =	srdreg.scid  }
0x8b: {  	s0 =	sand.u32 $0x1, s1  }
0x8c: {  	s17 =	sshll.u32 s0, $0xA;
	s2 =	sadd.s32 s3, s2  }
0x8d: {  	s2 =	sadd.s32 s2, s17  }
0x8e: {  	[smem:$0x3FC4] =	sst s2  }
0x8f: {  	_ = 	snop  }
0x90: {  	s2 =	sld [smem:$0x3FC9]  }
0x91: {  	s18 =	sld [smem:$0x3FD0];
	(tm) =	ssettm $0x1  }
0x92: {  	s4 =	sld [smem:$0x3FFB];
	_ =	sdelay $0x3  }
0x93: {  	_ =	strace s4  }
0x94: {  	s4 =	sld [smem:$0x3FFC];
	_ =	sdelay $0x3  }
0x95: {  	_ =	strace s4  }
0x96: {  	s4 =	sld [smem:$0x3FFD];
	_ =	sdelay $0x3  }
0x97: {  	_ =	strace s4  }
0x98: {  	_ =	strace $0x8FFFFFFF  }
0x99: {  	s19 =	sld [smem:$0x3FDB];
	_ =	sdelay $0x1  }
0x9a: {  	s5 =	simm.s32 $_scs_section_size  }
0x9b: {  	s6 =	simm.s32 $_size__tile_overlayer_lowered;
	s7 =	simm.s32 $_tile_overlayer_lowered  }
0x9c: {  	s22 =	simm.s32 $0x1BFF;
	s21 =	sshll.u32 s7, $0x1;
	s4 =	sadd.s32 s5, s19  }
0x9d: {  	s8 =	simm.s32 $0x0;
	s20 =	sshll.u32 s6, $0x1;
	s6 =	sadd.s32 s21, s4  }
0x9e: {  	[timem:s8], [sflag:s22] =	dma.local [hbm:s6], s20  }
0x9f: {  	_ =	swait.ge [sflag:s22], s20  }
0xa0: {  	s5 =	ssub.s32 $0x0, s20;
	[sflag:s22] =	ssyncset.done $0x0  }
0xa1: {  	[sflag:s22] =	ssyncadd.s32 s5;
	_ =	sdelay $0x1  }
0xa2: {  	s23 =	simm.s32 $0x1B8B  }
0xa3: {  	_ =	swait.ge [sflag:s23], $0x1  }
0xa4: {  	[sflag:s23] =	ssyncset.done $0x0  }
0xa5: {  	s25 =	simm.s32 $0x1B8E;
	s24 =	sld [smem:$0x3FFE];
	[sflag:s23] =	ssyncadd.s32 $0xFFFFFFFF  }
0xa6: {  	s26 =	simm.s32 $execute0_lowered;
	[smem:$0x3FD2] =	sst s25  }
0xa7: {  	s6 =	sshll.u32 s26, $0x1;
	_ =	strace $0x80000046;
	[dreg:$0x1] =	wrdreg $0xFFFFFFFF  }
0xa8: {  	s28 =	simm.s32 $_size_execute0_lowered;
	s4 =	sadd.s32 s4, s6;
	[dreg:$0x0] =	wrdreg $0x0  }
0xa9: {  	s6 =	sshll.u32 s28, $0x1;
	[dreg:$0x2] =	wrdreg s4  }
0xaa: {  	[dreg:$0x3] =	wrdreg s6  }
0xab: {  	[dreg:$0x4] =	wrdreg $0xC0  }
0xac: {  	_ =	task [dreg:s8], $0x5FFFF  }
0xad: {  	[dreg:$0x1] =	wrdreg $0xFFFFFFFF  }
0xae: {  	[dreg:$0x0] =	wrdreg $0x60  }
0xaf: {  	[dreg:$0x2] =	wrdreg s2  }
0xb0: {  	[dreg:$0x3] =	wrdreg s18  }
0xb1: {  	[dreg:$0x4] =	wrdreg s24  }
0xb2: {  	[dreg:$0x5] =	wrdreg $0x93000  }
0xb3: {  	[dreg:$0x6] =	wrdreg $0x1D3000  }
0xb4: {  	[dreg:$0x7] =	wrdreg $0x9  }
0xb5: {  	_ =	task.clear_ibuf [dreg:s8], $0x8FFFF;
	_ =	strace $0x90000046  }
0xb6: {  	s29 =	simm.s32 $0x9;
	_ =	strace $0x80000048  }
0xb7: {  	_ =	swait.ge [sflag:s29], $0x1  }
0xb8: {  	[sflag:s29] =	ssyncadd.s32 $0xFFFFFFFF  }
0xb9: {  	_ =	strace $0x90000048  }
0xba: {  	_ =	sfence  }
0xbb: {  	s30 =	sld [smem:$0x0];
	_ =	sdelay $0x2  }
0xbc: {  	s31 =	sshll.u32 s1, $0xD;
	s1 =	sshrl.u32 s1, $0x2  }
0xbd: {  	s3 =	sand.u32 $0x4000, s31;
	s1 =	sadd.s32 s1, s30  }
0xbe: {  	s0 =	sor.u32 s3, s0;
	s1 =	sshll.u32 s1, $0x11  }
0xbf: {  	s0 =	sor.u32 s1, s0  }
0xc0: {  	s0 =	sadd.s32 $0x8F2B, s0  }
0xc1: {  	[sflag:s0] =	ssyncadd.remote.s32 $0x1  }
0xc2: {  	_ =	sfence.sel $0xFFFF  }
0xc3: {  	[dreg:$0x0] =	wrdreg $0xFFFFFFFF;
	(pc) =	sbr.abs _section_cstart, $3  }
0xc4: {  	[dreg:$0x1] =	wrdreg $0xFFFFFFFF  }
0xc5: {  	_ =	task.clear_ibuf [dreg:s8], $0x2FFFF;
	_ =	strace $0x9FFFFFFF  }
0xc6: {  	(tm) =	ssettm $0x7FFFFFFF  }
0xc7: {  	_ =	shalt  }
tec
execute0_lowered:
.L_overlay_start_1:
0x0: {  	(tag) =	ssettag $0x1  }
0x1: {  	s1 =	rddreg [dreg:$0x0]  }
0x2: {  	s12 =	rddreg [dreg:$0x1]  }
0x3: {  	s0 =	rddreg [dreg:$0x2]  }
0x4: {  	s3 =	rddreg [dreg:$0x3]  }
0x5: {  	s4 =	rddreg [dreg:$0x4];
	s2 =	simm.s32 $0x0  }
0x6: {  	s13 =	stileid.u32;
	s7 =	srdreg.scid;
	s30 =	simm.s32 $0x400  }
0x7: {  	s31 =	simm.s32 $0xC00;
	s28 =	simm.s32 $0x5000;
	[smem:$0x7FF] =	sst s2  }
0x8: {  	s2 =	sadd.s32 $0x2400, s0;
	s5 =	sadd.s32 $0x2A400, s0;
	s8 =	smul.u32 $0x50000, s13  }
0x9: {  	s6 =	sadd.s32 $0x1800, s0;
	s0 =	sadd.s32 $0x1E00, s0;
	s22 =	smul.u32 $0x280, s13  }
0xa: {  	s7 =	sand.u32 $0x1, s7;
	s9 =	sshll.u32 s13, $0x1;
	s17 =	smul.u32 $0x5000, s13  }
0xb: {  	s18 =	smul.u32 $0x2800, s13;
	s13 =	simm.s32 $0xD00;
	_ =	strace $0x80000047  }
0xc: {  	s10 =	ssub.s32 $0x2, s7;
	s9 =	sor.u32 s7, s9;
	p0 =	seq.s32 s7, $0x1  }
0xd: {  	s7 =	smul.u32 $0x2800, s7;
	s8 =	sshrl.u32 s8, $0x2;
	s11 =	sshrl.u32 s10, $0x1  }
0xe: {  	s20 =	smul.u32 $0x2800, s9;
	s29 =	sadd.s32 s22, s4;
	s2 =	smov.u32 @p0 s5  }
0xf: {  	s6 =	smov.u32 @p0 s0;
	s5 =	simm.s32 $0xF00;
	s24 =	sadd.s32 s8, s3  }
0x10: {  	s21 =	ssub.s32 s10, s11;
	s2 =	sadd.s32 s2, s18;
	[dreg:$0xd] =	wrdreg s29  }
0x11: {  	s10 =	sshrl.u32 s22, $0x3;
	s7 =	sadd.s32 s7, s17;
	[dreg:$0x12] =	wrdreg s2  }
0x12: {  	s18 =	simm.s32 $0xC80;
	s23 =	sadd.s32 $0x3C00, s24;
	[dreg:$0x6] =	wrdreg s24  }
0x13: {  	s17 =	simm.s32 $0x0;
	s25 =	sadd.s32 $0x7800, s24;
	[dreg:$0x7] =	wrdreg s23  }
0x14: {  	s26 =	sadd.s32 $0xB400, s24;
	s8 =	sshrl.u32 s20, $0x3;
	[dreg:$0x8] =	wrdreg s25  }
0x15: {  	s14 =	sadd.s32 $0xF000, s24;
	s15 =	sadd.s32 $0x12C00, s24;
	[dreg:$0x9] =	wrdreg s26  }
0x16: {  	s9 =	smax.u32 s21, $0x1;
	s19 =	sadd.s32 $0xC00, s7;
	[dreg:$0xa] =	wrdreg s14  }
0x17: {  	s20 =	sadd.s32 s6, s10;
	s21 =	sadd.s32 $0x50C00, s7;
	[dreg:$0xb] =	wrdreg s15  }
0x18: {  	s6 =	simm.s32 $0x1;
	s10 =	simm.s32 $0x2;
	[dreg:$0x11] =	wrdreg s9  }
0x19: {  	s2 =	simm.s32 $0xB80;
	s16 =	sadd.s32 s12, s8;
	[dreg:$0x13] =	wrdreg s20  }
0x1a: {  	s0 =	sshrl.u32 s19, $0x3;
	s22 =	sshrl.u32 s21, $0x3;
	s23 =	sadd.s32 $0x50800, s7  }
0x1b: {  	s25 =	sadd.s32 $0x800, s7;
	s15 =	simm.s32 $0x800;
	s19 =	simm.s32 $0xA00  }
0x1c: {  	s7 =	simm.s32 $0x3;
	s9 =	simm.s32 $0xE00;
	[dreg:$0xc] =	wrdreg s16  }
0x1d: {  	s20 =	simm.s32 $0xE80;
	s8 =	sadd.s32 $0xA000, s16;
	[dreg:$0x16] =	wrdreg s25  }
0x1e: {  	s14 =	sadd.s32 $0x80, s16;
	s11 =	sadd.s32 $0xA080, s16;
	[dreg:$0xe] =	wrdreg s8  }
0x1f: {  	s0 =	sadd.s32 s0, s12;
	s26 =	sshrl.u32 s23, $0x3;
	[dreg:$0xf] =	wrdreg s14  }
.Ltmp0:
0x20: {  	s25 =	simm.s32 $0x1000;
	[dreg:$0x10] =	wrdreg s11;
	(pc) =	sbr.rel .LBB2_1-.Ltmp0, $4  }
0x21: {  	s23 =	simm.s32 $0xA80;
	s16 =	simm.s32 $0xD80;
	[dreg:$0x14] =	wrdreg s0  }
0x22: {  	s0 =	sadd.s32 s22, s12;
	s8 =	simm.s32 $0x9000;
	s14 =	simm.s32 $0xB00  }
0x23: {  	[dreg:$0x15] =	wrdreg s0;
	s0 =	sadd.s32 s26, s12;
	s26 =	simm.s32 $0x5  }
0x24: {  	v0 =	vimm.f32 $0.0e+00;
	v1 =	vimm.f32 $1.000000000e+00;
	s12 =	simm.s32 $0x4;
	[dreg:$0x17] =	wrdreg s0;
	s0 =	simm.s32 $0x7D  }
.LBB2_6:
0x25: {  	s11 =	stileid.u32;
	[bflag:$0x0] =	sbarrier.arrive $0xFFFF  }
0x26: {  	s11 =	sshll.u32 s11, $0x6;
	s24 =	rddreg [dreg:$0x6]  }
0x27: {  	s22 =	rddreg [dreg:$0x12];
	s11 =	sor.u32 $0x1C05, s11;
	s21 =	sshrl.u32 s24, $0x3  }
0x28: {  	[hbm:s22], [sflag:s11] =	dma.local [spmem:s21], $0x2800  }
0x29: {  	_ =	swait.ge [sflag:s26], $0x2800  }
0x2a: {  	[sflag:s26] =	ssyncset.done $0x0;
	s29 =	rddreg [dreg:$0xd]  }
0x2b: {  	s17 =	rddreg [dreg:$0x13];
	[sflag:s26] =	ssyncadd.s32 $0xFFFFD800;
	s22 =	sshrl.u32 s29, $0x3  }
0x2c: {  	[hbm:s17], [sflag:s11] =	dma.local [spmem:s22], $0x50  }
0x2d: {  	_ =	swait.ge [sflag:s26], $0x50  }
0x2e: {  	s17 =	rddreg [dreg:$0x18]  }
0x2f: {  	s22 =	rddreg [dreg:$0x11];
	s17 =	sadd.s32 $0x1, s17  }
0x30: {  	p0 =	sne.s32 s17, s22  }
.Ltmp1:
0x31: {  	_ = 	snop;
	(pc) =	sbr.rel @!p0 .LBB2_7-.Ltmp1, $3  }
0x32: {  	_ =	sdelay $0x1  }
0x33: {  	[sflag:s26] =	ssyncset.done $0x0  }
0x34: {  	s30 =	simm.s32 $0x400;
	[sflag:s26] =	ssyncadd.s32 $0xFFFFFFB0  }
.LBB2_1:
0x35: {  	[dreg:$0x18] =	wrdreg s17;
	s21 =	simm.s32 $0x0;
	s22 =	simm.s32 $0x200  }
.LBB2_2:
0x36: {  	p0 =	sne.s32 s22, $0xF800;
	[tilespmem:s21+$0x1070] =	vst v0  }
0x37: {  	[tilespmem:s21+$0x1000] =	vst v0  }
0x38: {  	[tilespmem:s21+$0x1010] =	vst v0  }
.Ltmp2:
0x39: {  	[tilespmem:s21+$0x1020] =	vst v0;
	(pc) =	sbr.rel @p0 .LBB2_2-.Ltmp2, $4  }
0x3a: {  	[tilespmem:s21+$0x1030] =	vst v0  }
0x3b: {  	[tilespmem:s21+$0x1040] =	vst v0  }
0x3c: {  	[tilespmem:s21+$0x1050] =	vst v0  }
0x3d: {  	[tilespmem:s21+$0x1060] =	vst v0;
	s21 =	sshra.s32 s22, $0x2;
	s22 =	sadd.s32 $0x200, s22  }
0x3e: {  	[tilespmem:s21+$0x1070] =	vst v0  }
0x3f: {  	[tilespmem:s21+$0x1000] =	vst v0  }
0x40: {  	[tilespmem:s21+$0x1010] =	vst v0  }
0x41: {  	[tilespmem:s21+$0x1020] =	vst v0  }
0x42: {  	[tilespmem:s21+$0x1030] =	vst v0  }
0x43: {  	[tilespmem:s21+$0x1040] =	vst v0  }
0x44: {  	[tilespmem:s21+$0x1050] =	vst v0  }
0x45: {  	[tilespmem:s21+$0x1060] =	vst v0  }
0x46: {  	[tilespmem:$0x9000] =	vst v1  }
0x47: {  	[tilespmem:$0x9010] =	vst v1  }
0x48: {  	[tilespmem:$0x9020] =	vst v1  }
0x49: {  	[tilespmem:$0x9030] =	vst v1  }
0x4a: {  	[tilespmem:$0x9040] =	vst v1  }
0x4b: {  	[tilespmem:$0x9050] =	vst v1  }
0x4c: {  	[tilespmem:$0x9060] =	vst v1  }
0x4d: {  	[tilespmem:$0x9070] =	vst v1  }
0x4e: {  	[tilespmem:$0x9080] =	vst v0  }
0x4f: {  	[tilespmem:$0x9090] =	vst v0  }
0x50: {  	[tilespmem:$0x90A0] =	vst v0  }
0x51: {  	[tilespmem:$0x90B0] =	vst v0  }
0x52: {  	[tilespmem:$0x90C0] =	vst v0  }
0x53: {  	[tilespmem:$0x90D0] =	vst v0  }
0x54: {  	[tilespmem:$0x90E0] =	vst v0  }
0x55: {  	[tilespmem:$0x90F0] =	vst v0  }
0x56: {  	[tilespmem:$0x9100] =	vst v0  }
0x57: {  	[tilespmem:$0x9110] =	vst v0  }
0x58: {  	[tilespmem:$0x9120] =	vst v0  }
0x59: {  	[tilespmem:$0x9130] =	vst v0  }
0x5a: {  	[tilespmem:$0x9140] =	vst v0  }
0x5b: {  	[tilespmem:$0x9150] =	vst v0  }
0x5c: {  	[tilespmem:$0x9160] =	vst v0  }
0x5d: {  	[tilespmem:$0x9170] =	vst v0  }
0x5e: {  	[tilespmem:$0x9180] =	vst v0  }
0x5f: {  	[tilespmem:$0x9190] =	vst v0  }
0x60: {  	[tilespmem:$0x91A0] =	vst v0  }
0x61: {  	[tilespmem:$0x91B0] =	vst v0  }
0x62: {  	[tilespmem:$0x91C0] =	vst v0  }
0x63: {  	[tilespmem:$0x91D0] =	vst v0  }
0x64: {  	[tilespmem:$0x91E0] =	vst v0  }
0x65: {  	[tilespmem:$0x91F0] =	vst v0  }
0x66: {  	[tilespmem:$0x9200] =	vst v0  }
0x67: {  	[tilespmem:$0x9210] =	vst v0  }
0x68: {  	[tilespmem:$0x9220] =	vst v0  }
0x69: {  	[tilespmem:$0x9230] =	vst v0  }
0x6a: {  	[tilespmem:$0x9240] =	vst v0  }
0x6b: {  	[tilespmem:$0x9250] =	vst v0  }
0x6c: {  	[tilespmem:$0x9260] =	vst v0  }
0x6d: {  	[tilespmem:$0x9270] =	vst v0  }
0x6e: {  	[tilespmem:$0x9280] =	vst v0  }
0x6f: {  	[tilespmem:$0x9290] =	vst v0  }
0x70: {  	[tilespmem:$0x92A0] =	vst v0  }
0x71: {  	[tilespmem:$0x92B0] =	vst v0  }
0x72: {  	[tilespmem:$0x92C0] =	vst v0  }
0x73: {  	[tilespmem:$0x92D0] =	vst v0  }
0x74: {  	[tilespmem:$0x92E0] =	vst v0  }
0x75: {  	[tilespmem:$0x92F0] =	vst v0  }
0x76: {  	[spmem:s24] =	stream.linear.scatter [tilespmem:s25], [sflag:$0x5], $0x3C00, $0x38;
	[tilespmem:$0x1D580] =	vst v63  }
0x77: {  	_ =	swait.ge [sflag:s26], $0x3C00  }
0x78: {  	[sflag:s26] =	ssyncset.done $0x0  }
0x79: {  	s11 =	rddreg [dreg:$0x7];
	[sflag:s26] =	ssyncadd.s32 $0xFFFFC400  }
0x7a: {  	[spmem:s11] =	stream.linear.scatter [tilespmem:s25], [sflag:$0x5], $0x3C00, $0x38;
	[tilespmem:$0x1D580] =	vst v63  }
0x7b: {  	_ =	swait.ge [sflag:s26], $0x3C00  }
0x7c: {  	[sflag:s26] =	ssyncset.done $0x0  }
0x7d: {  	s24 =	rddreg [dreg:$0x8];
	[sflag:s26] =	ssyncadd.s32 $0xFFFFC400  }
0x7e: {  	[spmem:s24] =	stream.linear.scatter [tilespmem:s25], [sflag:$0x5], $0x3C00, $0x38;
	[tilespmem:$0x1D580] =	vst v63  }
0x7f: {  	_ =	swait.ge [sflag:s26], $0x3C00  }
0x80: {  	[sflag:s26] =	ssyncset.done $0x0  }
0x81: {  	s17 =	rddreg [dreg:$0x9];
	[sflag:s26] =	ssyncadd.s32 $0xFFFFC400  }
0x82: {  	[spmem:s17] =	stream.linear.scatter [tilespmem:s25], [sflag:$0x5], $0x3C00, $0x38;
	[tilespmem:$0x1D580] =	vst v63  }
0x83: {  	_ =	swait.ge [sflag:s26], $0x3C00  }
0x84: {  	[sflag:s26] =	ssyncset.done $0x0  }
0x85: {  	s21 =	rddreg [dreg:$0xa];
	[sflag:s26] =	ssyncadd.s32 $0xFFFFC400  }
0x86: {  	[spmem:s21] =	stream.linear.scatter [tilespmem:s25], [sflag:$0x5], $0x3C00, $0x38;
	[tilespmem:$0x1D580] =	vst v63  }
0x87: {  	_ =	swait.ge [sflag:s26], $0x3C00  }
0x88: {  	[sflag:s26] =	ssyncset.done $0x0  }
0x89: {  	s22 =	rddreg [dreg:$0xb];
	[sflag:s26] =	ssyncadd.s32 $0xFFFFC400  }
0x8a: {  	[spmem:s22] =	stream.linear.scatter [tilespmem:s25], [sflag:$0x5], $0x1400, $0x38;
	[tilespmem:$0x1D580] =	vst v63  }
0x8b: {  	_ =	swait.ge [sflag:s26], $0x1400  }
0x8c: {  	[sflag:s26] =	ssyncset.done $0x0  }
0x8d: {  	s24 =	simm.s32 $0x9080;
	[sflag:s26] =	ssyncadd.s32 $0xFFFFEC00  }
0x8e: {  	[spmem:s29] =	stream.linear.scatter [tilespmem:s24], [sflag:$0x5], $0x280, $0x38;
	[tilespmem:$0x1D580] =	vst v63  }
0x8f: {  	_ =	swait.ge [sflag:s26], $0x280  }
0x90: {  	[sflag:s26] =	ssyncset.done $0x0  }
0x91: {  	s21 =	simm.s32 $0x0;
	s29 =	rddreg [dreg:$0xc];
	[sflag:s26] =	ssyncadd.s32 $0xFFFFFD80  }
0x92: {  	[tilespmem:s21], [sflag:$0x5] =	stream.linear.gather [hbm4b:s29+s21], $0x400, $0x38;
	[tilespmem:$0x1D580] =	vst v63  }
0x93: {  	_ =	swait.ge [sflag:s26], $0x400  }
0x94: {  	[sflag:s26] =	ssyncset.done $0x0  }
0x95: {  	s17 =	rddreg [dreg:$0xe];
	[sflag:s26] =	ssyncadd.s32 $0xFFFFFC00  }
0x96: {  	[tilespmem:s15], [sflag:$0x5] =	stream.linear.gather [hbm4b:s17+s21], $0x400, $0x38;
	[tilespmem:$0x1D580] =	vst v63  }
0x97: {  	_ =	swait.ge [sflag:s26], $0x400  }
0x98: {  	[sflag:s26] =	ssyncset.done $0x0  }
0x99: {  	s22 =	rddreg [dreg:$0xf];
	[sflag:s26] =	ssyncadd.s32 $0xFFFFFC00  }
0x9a: {  	[tilespmem:s30], [sflag:$0x3] =	stream.linear.gather [hbm4b:s22+s21], $0x400, $0x38;
	[tilespmem:$0x1D580] =	vst v63  }
0x9b: {  	s24 =	rddreg [dreg:$0x10]  }
0x9c: {  	[tilespmem:s31], [sflag:$0x3] =	stream.linear.gather [hbm4b:s24+s21], $0x400, $0x38;
	[tilespmem:$0x1D580] =	vst v63  }
0x9d: {  	[bflag:$0x0] =	sbarrier.arrive $0xFFFF  }
0x9e: {  	[tilespmem:s25], [sflag:$0x1] =	stream.indirect.gather [hbm4b:s1+s0], $0x80, s21, s0, $0xb8;
	[tilespmem:$0x1D580] =	vst v63  }
0x9f: {  	s29 =	simm.s32 $0x80;
	s22 =	rddreg [dreg:$0x16]  }
0xa0: {  	[tilespmem:s28], [sflag:$0x2] =	stream.indirect.gather [hbm4b:s1+s0], $0x80, s29, s0, $0xb8;
	[tilespmem:$0x1D580] =	vst v63  }
.LBB2_4:
0xa1: {  	_ =	swait.ge [sflag:s6], $0x3E80  }
0xa2: {  	[sflag:s6] =	ssyncset.done $0x0  }
0xa3: {  	s11 =	simm.s32 $0x800;
	[sflag:s6] =	ssyncadd.s32 $0xFFFFC180  }
0xa4: {  	[spmem:s3] =	stream.indirect.scatter.add.f32 [tilespmem:s25], [sflag:$0x5], $0x80, s11, s0, $0xb8;
	[tilespmem:$0x1D580] =	vst v63  }
0xa5: {  	_ =	swait.ge [sflag:s26], $0x3E80  }
0xa6: {  	[sflag:s26] =	ssyncset.done $0x0  }
0xa7: {  	[sflag:s26] =	ssyncadd.s32 $0xFFFFC180  }
0xa8: {  	[spmem:s4] =	stream.indirect.scatter.add.f32 [tilespmem:s8], [sflag:$0x4], $0x1, s11, s0, $0xb8;
	[tilespmem:$0x1D580] =	vst v63  }
0xa9: {  	s24 =	simm.s32 $0x100  }
0xaa: {  	[tilespmem:s25], [sflag:$0x1] =	stream.indirect.gather [hbm4b:s1+s0], $0x80, s24, s0, $0xb8;
	[tilespmem:$0x1D580] =	vst v63  }
0xab: {  	_ =	swait.ge [sflag:s10], $0x3E80  }
0xac: {  	[sflag:s10] =	ssyncset.done $0x0  }
0xad: {  	s29 =	simm.s32 $0x880;
	[sflag:s10] =	ssyncadd.s32 $0xFFFFC180  }
0xae: {  	[spmem:s3] =	stream.indirect.scatter.add.f32 [tilespmem:s28], [sflag:$0x5], $0x80, s29, s0, $0xb8;
	[tilespmem:$0x1D580] =	vst v63  }
0xaf: {  	_ =	swait.ge [sflag:s26], $0x3E80  }
0xb0: {  	[sflag:s26] =	ssyncset.done $0x0  }
0xb1: {  	[sflag:s26] =	ssyncadd.s32 $0xFFFFC180  }
0xb2: {  	[spmem:s4] =	stream.indirect.scatter.add.f32 [tilespmem:s8], [sflag:$0x4], $0x1, s29, s0, $0xb8;
	[tilespmem:$0x1D580] =	vst v63  }
0xb3: {  	s17 =	simm.s32 $0x180  }
0xb4: {  	[tilespmem:s28], [sflag:$0x2] =	stream.indirect.gather [hbm4b:s1+s0], $0x80, s17, s0, $0xb8;
	[tilespmem:$0x1D580] =	vst v63  }
0xb5: {  	_ =	swait.ge [sflag:s6], $0x3E80  }
0xb6: {  	[sflag:s6] =	ssyncset.done $0x0  }
0xb7: {  	s24 =	simm.s32 $0x900;
	[sflag:s6] =	ssyncadd.s32 $0xFFFFC180  }
0xb8: {  	[spmem:s3] =	stream.indirect.scatter.add.f32 [tilespmem:s25], [sflag:$0x5], $0x80, s24, s0, $0xb8;
	[tilespmem:$0x1D580] =	vst v63  }
0xb9: {  	_ =	swait.ge [sflag:s26], $0x3E80  }
0xba: {  	[sflag:s26] =	ssyncset.done $0x0  }
0xbb: {  	[sflag:s26] =	ssyncadd.s32 $0xFFFFC180  }
0xbc: {  	[spmem:s4] =	stream.indirect.scatter.add.f32 [tilespmem:s8], [sflag:$0x4], $0x1, s24, s0, $0xb8;
	[tilespmem:$0x1D580] =	vst v63  }
0xbd: {  	s29 =	simm.s32 $0x200  }
0xbe: {  	[tilespmem:s25], [sflag:$0x1] =	stream.indirect.gather [hbm4b:s1+s0], $0x80, s29, s0, $0xb8;
	[tilespmem:$0x1D580] =	vst v63  }
0xbf: {  	_ =	swait.ge [sflag:s10], $0x3E80  }
0xc0: {  	[sflag:s10] =	ssyncset.done $0x0  }
0xc1: {  	s17 =	simm.s32 $0x980;
	[sflag:s10] =	ssyncadd.s32 $0xFFFFC180  }
0xc2: {  	[spmem:s3] =	stream.indirect.scatter.add.f32 [tilespmem:s28], [sflag:$0x5], $0x80, s17, s0, $0xb8;
	[tilespmem:$0x1D580] =	vst v63  }
0xc3: {  	_ =	swait.ge [sflag:s26], $0x3E80  }
0xc4: {  	[sflag:s26] =	ssyncset.done $0x0  }
0xc5: {  	[sflag:s26] =	ssyncadd.s32 $0xFFFFC180  }
0xc6: {  	[spmem:s4] =	stream.indirect.scatter.add.f32 [tilespmem:s8], [sflag:$0x4], $0x1, s17, s0, $0xb8;
	[tilespmem:$0x1D580] =	vst v63  }
0xc7: {  	s24 =	simm.s32 $0x280  }
0xc8: {  	[tilespmem:s28], [sflag:$0x2] =	stream.indirect.gather [hbm4b:s1+s0], $0x80, s24, s0, $0xb8;
	[tilespmem:$0x1D580] =	vst v63  }
0xc9: {  	_ =	swait.ge [sflag:s6], $0x3E80  }
0xca: {  	[sflag:s6] =	ssyncset.done $0x0  }
0xcb: {  	[sflag:s6] =	ssyncadd.s32 $0xFFFFC180  }
0xcc: {  	[spmem:s3] =	stream.indirect.scatter.add.f32 [tilespmem:s25], [sflag:$0x5], $0x80, s19, s0, $0xb8;
	[tilespmem:$0x1D580] =	vst v63  }
0xcd: {  	_ =	swait.ge [sflag:s26], $0x3E80  }
0xce: {  	[sflag:s26] =	ssyncset.done $0x0  }
0xcf: {  	[sflag:s26] =	ssyncadd.s32 $0xFFFFC180  }
0xd0: {  	[spmem:s4] =	stream.indirect.scatter.add.f32 [tilespmem:s8], [sflag:$0x4], $0x1, s19, s0, $0xb8;
	[tilespmem:$0x1D580] =	vst v63  }
0xd1: {  	s29 =	simm.s32 $0x300  }
0xd2: {  	[tilespmem:s25], [sflag:$0x1] =	stream.indirect.gather [hbm4b:s1+s0], $0x80, s29, s0, $0xb8;
	[tilespmem:$0x1D580] =	vst v63  }
0xd3: {  	_ =	swait.ge [sflag:s10], $0x3E80  }
0xd4: {  	[sflag:s10] =	ssyncset.done $0x0  }
0xd5: {  	[sflag:s10] =	ssyncadd.s32 $0xFFFFC180  }
0xd6: {  	[spmem:s3] =	stream.indirect.scatter.add.f32 [tilespmem:s28], [sflag:$0x5], $0x80, s23, s0, $0xb8;
	[tilespmem:$0x1D580] =	vst v63  }
0xd7: {  	_ =	swait.ge [sflag:s26], $0x3E80  }
0xd8: {  	[sflag:s26] =	ssyncset.done $0x0  }
0xd9: {  	[sflag:s26] =	ssyncadd.s32 $0xFFFFC180  }
0xda: {  	[spmem:s4] =	stream.indirect.scatter.add.f32 [tilespmem:s8], [sflag:$0x4], $0x1, s23, s0, $0xb8;
	[tilespmem:$0x1D580] =	vst v63  }
0xdb: {  	s17 =	simm.s32 $0x380  }
0xdc: {  	[tilespmem:s28], [sflag:$0x2] =	stream.indirect.gather [hbm4b:s1+s0], $0x80, s17, s0, $0xb8;
	[tilespmem:$0x1D580] =	vst v63  }
0xdd: {  	_ =	swait.ge [sflag:s6], $0x3E80  }
0xde: {  	[sflag:s6] =	ssyncset.done $0x0  }
0xdf: {  	[sflag:s6] =	ssyncadd.s32 $0xFFFFC180  }
0xe0: {  	[spmem:s3] =	stream.indirect.scatter.add.f32 [tilespmem:s25], [sflag:$0x5], $0x80, s14, s0, $0xb8;
	[tilespmem:$0x1D580] =	vst v63  }
0xe1: {  	_ =	swait.ge [sflag:s26], $0x3E80  }
0xe2: {  	[sflag:s26] =	ssyncset.done $0x0  }
0xe3: {  	[sflag:s26] =	ssyncadd.s32 $0xFFFFC180  }
0xe4: {  	[spmem:s4] =	stream.indirect.scatter.add.f32 [tilespmem:s8], [sflag:$0x4], $0x1, s14, s0, $0xb8;
	[tilespmem:$0x1D580] =	vst v63  }
0xe5: {  	_ =	swait.ge [sflag:s7], $0x400  }
0xe6: {  	[sflag:s7] =	ssyncset.done $0x0  }
0xe7: {  	[sflag:s7] =	ssyncadd.s32 $0xFFFFFC00  }
0xe8: {  	_ =	swait.ge [sflag:s7], $0x400  }
0xe9: {  	[sflag:s7] =	ssyncset.done $0x0  }
0xea: {  	[sflag:s7] =	ssyncadd.s32 $0xFFFFFC00  }
0xeb: {  	[tilespmem:s25], [sflag:$0x1] =	stream.indirect.gather [hbm4b:s1+s0], $0x80, s30, s0, $0xb8;
	[tilespmem:$0x1D580] =	vst v63  }
0xec: {  	_ =	swait.ge [sflag:s10], $0x3E80  }
0xed: {  	[sflag:s10] =	ssyncset.done $0x0  }
0xee: {  	[sflag:s10] =	ssyncadd.s32 $0xFFFFC180  }
0xef: {  	[spmem:s3] =	stream.indirect.scatter.add.f32 [tilespmem:s28], [sflag:$0x5], $0x80, s2, s0, $0xb8;
	[tilespmem:$0x1D580] =	vst v63  }
0xf0: {  	_ =	swait.ge [sflag:s26], $0x3E80  }
0xf1: {  	[sflag:s26] =	ssyncset.done $0x0  }
0xf2: {  	[sflag:s26] =	ssyncadd.s32 $0xFFFFC180  }
0xf3: {  	[spmem:s4] =	stream.indirect.scatter.add.f32 [tilespmem:s8], [sflag:$0x4], $0x1, s2, s0, $0xb8;
	[tilespmem:$0x1D580] =	vst v63  }
0xf4: {  	s24 =	simm.s32 $0x480  }
0xf5: {  	[tilespmem:s28], [sflag:$0x2] =	stream.indirect.gather [hbm4b:s1+s0], $0x80, s24, s0, $0xb8;
	[tilespmem:$0x1D580] =	vst v63  }
0xf6: {  	_ =	swait.ge [sflag:s12], $0x7D  }
0xf7: {  	[sflag:s12] =	ssyncset.done $0x0  }
0xf8: {  	[sflag:s12] =	ssyncadd.s32 $0xFFFFFF83  }
0xf9: {  	_ =	swait.ge [sflag:s12], $0x7D  }
0xfa: {  	[sflag:s12] =	ssyncset.done $0x0  }
0xfb: {  	[sflag:s12] =	ssyncadd.s32 $0xFFFFFF83  }
0xfc: {  	_ =	swait.ge [sflag:s12], $0x7D  }
0xfd: {  	[sflag:s12] =	ssyncset.done $0x0  }
0xfe: {  	[sflag:s12] =	ssyncadd.s32 $0xFFFFFF83  }
0xff: {  	_ =	swait.ge [sflag:s12], $0x7D  }
0x100: {  	[sflag:s12] =	ssyncset.done $0x0  }
0x101: {  	[sflag:s12] =	ssyncadd.s32 $0xFFFFFF83  }
0x102: {  	_ =	swait.ge [sflag:s12], $0x7D  }
0x103: {  	[sflag:s12] =	ssyncset.done $0x0  }
0x104: {  	[sflag:s12] =	ssyncadd.s32 $0xFFFFFF83  }
0x105: {  	_ =	swait.ge [sflag:s12], $0x7D  }
0x106: {  	[sflag:s12] =	ssyncset.done $0x0  }
0x107: {  	[sflag:s12] =	ssyncadd.s32 $0xFFFFFF83  }
0x108: {  	_ =	swait.ge [sflag:s12], $0x7D  }
0x109: {  	[sflag:s12] =	ssyncset.done $0x0  }
0x10a: {  	[sflag:s12] =	ssyncadd.s32 $0xFFFFFF83  }
0x10b: {  	_ =	swait.ge [sflag:s12], $0x7D  }
0x10c: {  	[sflag:s12] =	ssyncset.done $0x0  }
0x10d: {  	p0 =	seq.s32 s21, $0x400;
	[sflag:s12] =	ssyncadd.s32 $0xFFFFFF83  }
0x10e: {  	s24 =	sshrl.u32 @!p0 s22, $0x3;
	s11 =	rddreg [dreg:$0x1]  }
0x10f: {  	s30 =	sadd.s32 @!p0 s11, s24;
	s24 =	simm.s32 @!p0 $0x0;
	s11 =	rddreg [dreg:$0x17]  }
0x110: {  	[tilespmem:s24], [sflag:$0x3] =	stream.linear.gather @!p0 [hbm4b:s30+s24], $0x400, $0x38;
	[tilespmem:$0x1D580] =	vst v63  }
0x111: {  	s29 =	simm.s32 @!p0 $0x800;
	s30 =	sadd.s32 @!p0 s21, s11  }
0x112: {  	[tilespmem:s29], [sflag:$0x3] =	stream.linear.gather @!p0 [hbm4b:s30+s24], $0x400, $0x38;
	[tilespmem:$0x1D580] =	vst v63  }
0x113: {  	_ =	swait.ge [sflag:s6], $0x3E80  }
0x114: {  	[sflag:s6] =	ssyncset.done $0x0  }
0x115: {  	[sflag:s6] =	ssyncadd.s32 $0xFFFFC180  }
0x116: {  	[spmem:s3] =	stream.indirect.scatter.add.f32 [tilespmem:s25], [sflag:$0x5], $0x80, s31, s0, $0xb8;
	[tilespmem:$0x1D580] =	vst v63  }
0x117: {  	_ =	swait.ge [sflag:s26], $0x3E80  }
0x118: {  	[sflag:s26] =	ssyncset.done $0x0  }
0x119: {  	[sflag:s26] =	ssyncadd.s32 $0xFFFFC180  }
0x11a: {  	[spmem:s4] =	stream.indirect.scatter.add.f32 [tilespmem:s8], [sflag:$0x4], $0x1, s31, s0, $0xb8;
	[tilespmem:$0x1D580] =	vst v63  }
0x11b: {  	s29 =	simm.s32 $0x500  }
0x11c: {  	[tilespmem:s25], [sflag:$0x1] =	stream.indirect.gather [hbm4b:s1+s0], $0x80, s29, s0, $0xb8;
	[tilespmem:$0x1D580] =	vst v63  }
0x11d: {  	_ =	swait.ge [sflag:s10], $0x3E80  }
0x11e: {  	[sflag:s10] =	ssyncset.done $0x0  }
0x11f: {  	[sflag:s10] =	ssyncadd.s32 $0xFFFFC180  }
0x120: {  	[spmem:s3] =	stream.indirect.scatter.add.f32 [tilespmem:s28], [sflag:$0x5], $0x80, s18, s0, $0xb8;
	[tilespmem:$0x1D580] =	vst v63  }
0x121: {  	_ =	swait.ge [sflag:s26], $0x3E80  }
0x122: {  	[sflag:s26] =	ssyncset.done $0x0  }
0x123: {  	[sflag:s26] =	ssyncadd.s32 $0xFFFFC180  }
0x124: {  	[spmem:s4] =	stream.indirect.scatter.add.f32 [tilespmem:s8], [sflag:$0x4], $0x1, s18, s0, $0xb8;
	[tilespmem:$0x1D580] =	vst v63  }
0x125: {  	s30 =	simm.s32 $0x580  }
0x126: {  	[tilespmem:s28], [sflag:$0x2] =	stream.indirect.gather [hbm4b:s1+s0], $0x80, s30, s0, $0xb8;
	[tilespmem:$0x1D580] =	vst v63  }
0x127: {  	_ =	swait.ge [sflag:s6], $0x3E80  }
0x128: {  	[sflag:s6] =	ssyncset.done $0x0  }
0x129: {  	[sflag:s6] =	ssyncadd.s32 $0xFFFFC180  }
0x12a: {  	[spmem:s3] =	stream.indirect.scatter.add.f32 [tilespmem:s25], [sflag:$0x5], $0x80, s13, s0, $0xb8;
	[tilespmem:$0x1D580] =	vst v63  }
0x12b: {  	_ =	swait.ge [sflag:s26], $0x3E80  }
0x12c: {  	[sflag:s26] =	ssyncset.done $0x0  }
0x12d: {  	[sflag:s26] =	ssyncadd.s32 $0xFFFFC180  }
0x12e: {  	[spmem:s4] =	stream.indirect.scatter.add.f32 [tilespmem:s8], [sflag:$0x4], $0x1, s13, s0, $0xb8;
	[tilespmem:$0x1D580] =	vst v63  }
0x12f: {  	s29 =	simm.s32 $0x600  }
0x130: {  	[tilespmem:s25], [sflag:$0x1] =	stream.indirect.gather [hbm4b:s1+s0], $0x80, s29, s0, $0xb8;
	[tilespmem:$0x1D580] =	vst v63  }
0x131: {  	_ =	swait.ge [sflag:s10], $0x3E80  }
0x132: {  	[sflag:s10] =	ssyncset.done $0x0  }
0x133: {  	[sflag:s10] =	ssyncadd.s32 $0xFFFFC180  }
0x134: {  	[spmem:s3] =	stream.indirect.scatter.add.f32 [tilespmem:s28], [sflag:$0x5], $0x80, s16, s0, $0xb8;
	[tilespmem:$0x1D580] =	vst v63  }
0x135: {  	_ =	swait.ge [sflag:s26], $0x3E80  }
0x136: {  	[sflag:s26] =	ssyncset.done $0x0  }
0x137: {  	[sflag:s26] =	ssyncadd.s32 $0xFFFFC180  }
0x138: {  	[spmem:s4] =	stream.indirect.scatter.add.f32 [tilespmem:s8], [sflag:$0x4], $0x1, s16, s0, $0xb8;
	[tilespmem:$0x1D580] =	vst v63  }
0x139: {  	s30 =	simm.s32 $0x680  }
0x13a: {  	[tilespmem:s28], [sflag:$0x2] =	stream.indirect.gather [hbm4b:s1+s0], $0x80, s30, s0, $0xb8;
	[tilespmem:$0x1D580] =	vst v63  }
0x13b: {  	_ =	swait.ge [sflag:s6], $0x3E80  }
0x13c: {  	[sflag:s6] =	ssyncset.done $0x0  }
0x13d: {  	[sflag:s6] =	ssyncadd.s32 $0xFFFFC180  }
0x13e: {  	[spmem:s3] =	stream.indirect.scatter.add.f32 [tilespmem:s25], [sflag:$0x5], $0x80, s9, s0, $0xb8;
	[tilespmem:$0x1D580] =	vst v63  }
0x13f: {  	_ =	swait.ge [sflag:s26], $0x3E80  }
0x140: {  	[sflag:s26] =	ssyncset.done $0x0  }
0x141: {  	[sflag:s26] =	ssyncadd.s32 $0xFFFFC180  }
0x142: {  	[spmem:s4] =	stream.indirect.scatter.add.f32 [tilespmem:s8], [sflag:$0x4], $0x1, s9, s0, $0xb8;
	[tilespmem:$0x1D580] =	vst v63  }
0x143: {  	s29 =	simm.s32 $0x700  }
0x144: {  	[tilespmem:s25], [sflag:$0x1] =	stream.indirect.gather [hbm4b:s1+s0], $0x80, s29, s0, $0xb8;
	[tilespmem:$0x1D580] =	vst v63  }
0x145: {  	_ =	swait.ge [sflag:s10], $0x3E80  }
0x146: {  	[sflag:s10] =	ssyncset.done $0x0  }
0x147: {  	[sflag:s10] =	ssyncadd.s32 $0xFFFFC180  }
0x148: {  	[spmem:s3] =	stream.indirect.scatter.add.f32 [tilespmem:s28], [sflag:$0x5], $0x80, s20, s0, $0xb8;
	[tilespmem:$0x1D580] =	vst v63  }
0x149: {  	_ =	swait.ge [sflag:s26], $0x3E80  }
0x14a: {  	[sflag:s26] =	ssyncset.done $0x0  }
0x14b: {  	[sflag:s26] =	ssyncadd.s32 $0xFFFFC180  }
0x14c: {  	[spmem:s4] =	stream.indirect.scatter.add.f32 [tilespmem:s8], [sflag:$0x4], $0x1, s20, s0, $0xb8;
	[tilespmem:$0x1D580] =	vst v63  }
0x14d: {  	s30 =	simm.s32 $0x780  }
0x14e: {  	[tilespmem:s28], [sflag:$0x2] =	stream.indirect.gather [hbm4b:s1+s0], $0x80, s30, s0, $0xb8;
	[tilespmem:$0x1D580] =	vst v63  }
0x14f: {  	_ =	swait.ge [sflag:s6], $0x3E80  }
0x150: {  	[sflag:s6] =	ssyncset.done $0x0  }
0x151: {  	[sflag:s6] =	ssyncadd.s32 $0xFFFFC180  }
0x152: {  	[spmem:s3] =	stream.indirect.scatter.add.f32 [tilespmem:s25], [sflag:$0x5], $0x80, s5, s0, $0xb8;
	[tilespmem:$0x1D580] =	vst v63  }
0x153: {  	_ =	swait.ge [sflag:s26], $0x3E80  }
0x154: {  	[sflag:s26] =	ssyncset.done $0x0  }
0x155: {  	s29 =	simm.s32 @p0 $0x2;
	[sflag:s26] =	ssyncadd.s32 $0xFFFFC180  }
0x156: {  	[spmem:s4] =	stream.indirect.scatter.add.f32 [tilespmem:s8], [sflag:$0x4], $0x1, s5, s0, $0xb8;
	[tilespmem:$0x1D580] =	vst v63  }
0x157: {  	_ =	swait.ge @p0 [sflag:s29], $0x3E80  }
0x158: {  	s11 =	simm.s32 @p0 $0x5000;
	[sflag:s29] =	ssyncset.done @p0 $0x0  }
0x159: {  	s30 =	simm.s32 @p0 $0xF80;
	[sflag:s29] =	ssyncadd.s32 @p0 $0xFFFFC180;
	s29 =	simm.s32 @p0 $0x7D  }
0x15a: {  	[spmem:s3] =	stream.indirect.scatter.add.f32 @p0 [tilespmem:s11], [sflag:$0x5], $0x80, s30, s29, $0xb8;
	[tilespmem:$0x1D580] =	vst v63  }
0x15b: {  	s11 =	simm.s32 @p0 $0x5  }
0x15c: {  	_ =	swait.ge @p0 [sflag:s11], $0x3E80  }
0x15d: {  	[sflag:s11] =	ssyncset.done @p0 $0x0  }
0x15e: {  	[sflag:s11] =	ssyncadd.s32 @p0 $0xFFFFC180;
	s11 =	simm.s32 @p0 $0x9000  }
0x15f: {  	[spmem:s4] =	stream.indirect.scatter.add.f32 @p0 [tilespmem:s11], [sflag:$0x4], $0x1, s30, s29, $0xb8;
	[tilespmem:$0x1D580] =	vst v63  }
0x160: {  	s11 =	simm.s32 @!p0 $0x3  }
0x161: {  	_ =	swait.ge @!p0 [sflag:s11], $0x400  }
0x162: {  	[sflag:s11] =	ssyncset.done @!p0 $0x0  }
0x163: {  	[sflag:s11] =	ssyncadd.s32 @!p0 $0xFFFFFC00  }
0x164: {  	_ =	swait.ge @!p0 [sflag:s11], $0x400  }
0x165: {  	[sflag:s11] =	ssyncset.done @!p0 $0x0  }
0x166: {  	s29 =	simm.s32 @!p0 $0x1000;
	[sflag:s11] =	ssyncadd.s32 @!p0 $0xFFFFFC00;
	s11 =	simm.s32 @!p0 $0x7D  }
0x167: {  	[tilespmem:s29], [sflag:$0x1] =	stream.indirect.gather @!p0 [hbm4b:s1+s11], $0x80, s24, s11, $0xb8;
	[tilespmem:$0x1D580] =	vst v63  }
0x168: {  	s24 =	simm.s32 @!p0 $0x2  }
0x169: {  	_ =	swait.ge @!p0 [sflag:s24], $0x3E80  }
0x16a: {  	s30 =	simm.s32 @!p0 $0x5;
	[sflag:s24] =	ssyncset.done @!p0 $0x0  }
0x16b: {  	s29 =	simm.s32 @!p0 $0x5000;
	[sflag:s24] =	ssyncadd.s32 @!p0 $0xFFFFC180;
	s24 =	simm.s32 @!p0 $0xF80  }
0x16c: {  	[spmem:s3] =	stream.indirect.scatter.add.f32 @!p0 [tilespmem:s29], [sflag:$0x5], $0x80, s24, s11, $0xb8;
	[tilespmem:$0x1D580] =	vst v63  }
0x16d: {  	_ =	swait.ge @!p0 [sflag:s30], $0x3E80  }
0x16e: {  	[sflag:s30] =	ssyncset.done @!p0 $0x0  }
0x16f: {  	[sflag:s30] =	ssyncadd.s32 @!p0 $0xFFFFC180;
	s30 =	simm.s32 @!p0 $0x9000  }
0x170: {  	[spmem:s4] =	stream.indirect.scatter.add.f32 @!p0 [tilespmem:s30], [sflag:$0x4], $0x1, s24, s11, $0xb8;
	[tilespmem:$0x1D580] =	vst v63  }
0x171: {  	s24 =	simm.s32 @!p0 $0x80  }
0x172: {  	[tilespmem:s29], [sflag:$0x2] =	stream.indirect.gather @!p0 [hbm4b:s1+s11], $0x80, s24, s11, $0xb8;
	[tilespmem:$0x1D580] =	vst v63  }
0x173: {  	_ =	swait.ge [sflag:s12], $0x7D  }
0x174: {  	[sflag:s12] =	ssyncset.done $0x0  }
0x175: {  	[sflag:s12] =	ssyncadd.s32 $0xFFFFFF83  }
0x176: {  	_ =	swait.ge [sflag:s12], $0x7D  }
0x177: {  	[sflag:s12] =	ssyncset.done $0x0  }
0x178: {  	[sflag:s12] =	ssyncadd.s32 $0xFFFFFF83  }
0x179: {  	_ =	swait.ge [sflag:s12], $0x7D  }
0x17a: {  	[sflag:s12] =	ssyncset.done $0x0  }
0x17b: {  	[sflag:s12] =	ssyncadd.s32 $0xFFFFFF83  }
0x17c: {  	_ =	swait.ge [sflag:s12], $0x7D  }
0x17d: {  	[sflag:s12] =	ssyncset.done $0x0  }
0x17e: {  	[sflag:s12] =	ssyncadd.s32 $0xFFFFFF83  }
0x17f: {  	_ =	swait.ge [sflag:s12], $0x7D  }
0x180: {  	[sflag:s12] =	ssyncset.done $0x0  }
0x181: {  	[sflag:s12] =	ssyncadd.s32 $0xFFFFFF83  }
0x182: {  	_ =	swait.ge [sflag:s12], $0x7D  }
0x183: {  	[sflag:s12] =	ssyncset.done $0x0  }
0x184: {  	[sflag:s12] =	ssyncadd.s32 $0xFFFFFF83  }
0x185: {  	_ =	swait.ge [sflag:s12], $0x7D  }
.Ltmp3:
0x186: {  	[sflag:s12] =	ssyncset.done $0x0;
	(pc) =	sbr.rel @p0 .LBB2_6-.Ltmp3, $4  }
0x187: {  	[sflag:s12] =	ssyncadd.s32 $0xFFFFFF83  }
0x188: {  	_ =	swait.ge [sflag:s12], $0x7D  }
0x189: {  	[sflag:s12] =	ssyncset.done $0x0  }
0x18a: {  	s15 =	simm.s32 $0x800;
	s17 =	simm.s32 $0x400;
	[sflag:s12] =	ssyncadd.s32 $0xFFFFFF83  }
.Ltmp4:
0x18b: {  	s11 =	rddreg [dreg:$0x14];
	s24 =	simm.s32 $0x0;
	(pc) =	sbr.rel .LBB2_4-.Ltmp4, $4  }
0x18c: {  	s29 =	rddreg [dreg:$0x15];
	s22 =	sadd.s32 $0x800, s22;
	s11 =	sadd.s32 s21, s11  }
0x18d: {  	[tilespmem:s17], [sflag:$0x3] =	stream.linear.gather [hbm4b:s11+s24], $0x400, $0x38;
	[tilespmem:$0x1D580] =	vst v63  }
0x18e: {  	s30 =	simm.s32 $0x400;
	s11 =	sadd.s32 s21, s29;
	s21 =	sadd.s32 $0x100, s21  }
0x18f: {  	[tilespmem:s31], [sflag:$0x3] =	stream.linear.gather [hbm4b:s11+s24], $0x400, $0x38;
	[tilespmem:$0x1D580] =	vst v63  }
.LBB2_7:
0x190: {  	_ =	sfence.sel $0x180000  }
0x191: {  	[bflag:$0x0] =	sbarrier.arrive $0xFFFF  }
0x192: {  	_ =	strace $0x90000047  }
0x193: {  	s0 =	stileid.u32;
	[bflag:$0x2] =	sbarrier.arrive $0xFFFF  }
0x194: {  	p0 =	sne.s32 s0, $0x0;
	s0 =	rddreg [dreg:$0x5]  }
0x195: {  	s0 =	sadd.s32 @!p0 $0x100000, s0  }
0x196: {  	[sflag:s0] =	ssyncadd.tile.s32 @!p0 $0x1;
	_ =	shalt  }
.Lfunc_end2:
_tile_overlayer_lowered:
.L_overlay_start_2:
0x197: {  	(tag) =	ssettag $0x2  }
0x198: {  	s0 =	rddreg [dreg:$0x0];
	s2 =	stileid.u32  }
0x199: {  	s1 =	rddreg [dreg:$0x1];
	p0 =	sne.s32 s2, $0x0  }
0x19a: {  	s3 =	rddreg [dreg:$0x2];
	[bflag:$0x3] =	sbarrier.arrive $0xFFFF;
	s2 =	simm.s32 @!p0 $0x1C05  }
0x19b: {  	[timem:s3], [sflag:s2] =	dma.local @!p0 [hbm:s0], s1  }
0x19c: {  	s0 =	simm.s32 @!p0 $0x5  }
0x19d: {  	_ =	swait.ge @!p0 [sflag:s0], s1  }
0x19e: {  	s1 =	ssub.s32 @!p0 $0x0, s1;
	[sflag:s0] =	ssyncset.done @!p0 $0x0  }
0x19f: {  	[sflag:s0] =	ssyncadd.s32 @!p0 s1  }
0x1a0: {  	[bflag:$0x3] =	sbarrier.arrive $0xFFFF  }
0x1a1: {  	_ =	shalt  }

</sc_bundles>
